<compile_context>
chip_gen: v7x
topology: tpu7x:2x2x1
jax: 0.10.2.dev20260603
libtpu: 0.0.44.dev20260713+nightly
codegen_flags: <defaults>
</compile_context>

<pallas_src>
import jax
import jax.numpy as jnp
from jax import lax
from jax.experimental import pallas as pl
from jax.experimental.pallas import tpu as pltpu
from jax.experimental.pallas import tpu_sc as plsc

DEP_VOCAB = 50
EMBED_DIM = 64
B, S = 8, 256
N = B * S * S
NC, NS = 2, 16
NW = NC * NS
NROWS = B * S
ROWS_PER_W = NROWS // NW
IN_ROWS = 8
OUT_ROWS = 2
SUBS = IN_ROWS // OUT_ROWS
NIN = ROWS_PER_W // IN_ROWS
NOUT = ROWS_PER_W // OUT_ROWS
LANES = 16


def _sc_body(idx_hbm, adj_hbm, tab_hbm, out_hbm, tab_v, idx_vs, adj_vs,
             out_vs, in_sems, out_sems):
    wid = lax.axis_index("s") * NC + lax.axis_index("c")
    row0 = wid * ROWS_PER_W
    pltpu.sync_copy(tab_hbm, tab_v)

    def in_descs(k, buf):
        rbase = jnp.minimum(row0 + k * IN_ROWS, NROWS - IN_ROWS)
        bb = rbase >> 8
        ii = pl.multiple_of(rbase & (S - 1), IN_ROWS)
        return (
            pltpu.make_async_copy(idx_hbm.at[bb, pl.ds(ii, IN_ROWS)],
                                  idx_vs[buf], in_sems[buf]),
            pltpu.make_async_copy(adj_hbm.at[bb, pl.ds(ii, IN_ROWS)],
                                  adj_vs[buf], in_sems[buf]),
        )

    def out_desc(ci, obuf):
        rbase = row0 + ci * OUT_ROWS
        return pltpu.make_async_copy(
            out_vs[obuf],
            out_hbm.at[pl.ds(rbase * EMBED_DIM, OUT_ROWS * EMBED_DIM)],
            out_sems[obuf])

    def compute(buf, sub, obuf):
        ivb = idx_vs[buf]
        avb = adj_vs[buf]
        ovb = out_vs[obuf]

        def group_body(g, c2):
            r0 = g >> 4
            j0 = (g & 15) << 4
            idx16 = ivb[sub * OUT_ROWS + r0, pl.ds(j0, LANES)]
            adj16 = avb[sub * OUT_ROWS + r0, pl.ds(j0, LANES)]
            idx64 = idx16 * EMBED_DIM
            iota = lax.iota(jnp.int32, LANES)
            jvec = iota + j0
            rb64 = r0 * EMBED_DIM

            @plsc.parallel_loop(0, LANES, unroll=4)
            def s_loop(s):
                ps = (iota + s) & (LANES - 1)
                idxp = idx64 + ps
                rd = ps + rb64
                for c in range(4):
                    r = plsc.load_gather(tab_v, [idxp + c * LANES])
                    plsc.store_scatter(ovb, [rd + c * LANES, jvec],
                                       r * adj16)

            return c2

        lax.fori_loop(0, OUT_ROWS * S // LANES, group_body, 0)

    for d in in_descs(0, 0) + in_descs(1, 1):
        d.start()

    def super_body(sc, carry):
        for buf in range(2):
            k = sc * 2 + buf
            for d in in_descs(k, buf):
                d.wait()
            for sub in range(SUBS):
                ci = k * SUBS + sub
                obuf = sub & 1

                if buf * SUBS + sub >= 2:
                    out_desc(ci - 2, obuf).wait()
                else:
                    @pl.when(sc >= 1)
                    def _():
                        out_desc(ci - 2, obuf).wait()

                compute(buf, sub, obuf)
                out_desc(ci, obuf).start()
            for d in in_descs(k + 2, buf):
                d.start()
        return carry

    lax.fori_loop(0, NIN // 2, super_body, 0)
    out_desc(NOUT - 2, 0).wait()
    out_desc(NOUT - 1, 1).wait()
    for buf in range(2):
        for d in in_descs(NIN + buf, buf):
            d.wait()


@jax.jit
def _sc_call(idx, adjf, tab):
    mesh = plsc.VectorSubcoreMesh(core_axis_name="c", subcore_axis_name="s",
                                  num_cores=NC, num_subcores=NS)
    fn = pl.kernel(
        _sc_body,
        out_type=jax.ShapeDtypeStruct((NROWS * EMBED_DIM, S), jnp.float32),
        mesh=mesh,
        compiler_params=pltpu.CompilerParams(needs_layout_passes=False),
        scratch_types=[
            pltpu.VMEM((DEP_VOCAB * EMBED_DIM,), jnp.float32),
            [pltpu.VMEM((IN_ROWS, S), jnp.int32),
             pltpu.VMEM((IN_ROWS, S), jnp.int32)],
            [pltpu.VMEM((IN_ROWS, S), jnp.float32),
             pltpu.VMEM((IN_ROWS, S), jnp.float32)],
            [pltpu.VMEM((OUT_ROWS * EMBED_DIM, S), jnp.float32),
             pltpu.VMEM((OUT_ROWS * EMBED_DIM, S), jnp.float32)],
            [pltpu.SemaphoreType.DMA, pltpu.SemaphoreType.DMA],
            [pltpu.SemaphoreType.DMA, pltpu.SemaphoreType.DMA],
        ],
    )
    return fn(idx, adjf, tab)


def kernel(adj_matrix, dep_rel_matrix, dep_table):
    idx = dep_rel_matrix.astype(jnp.int32)
    adjf = adj_matrix.astype(jnp.float32)
    tab = dep_table.reshape(-1).astype(jnp.float32)
    out = _sc_call(idx, adjf, tab)
    return out.reshape(B, S, EMBED_DIM, S).transpose(0, 1, 3, 2)

# --- scband reference (transcript-rebuilt; emitter-appended) ---
"""Pipeline reference for scband-dependency-embedding-module-8615704396317 (READ-ONLY COPY).

The authoritative reference and input builder live on the scoring server;
editing this copy changes nothing except your own understanding.
"""

import jax, jax.numpy as jnp
import numpy as np

DEP_VOCAB = 50
EMBED_DIM = 64
B, S = 8, 256

def setup_inputs(seed: int = 0) -> dict:
    key = jax.random.key(seed)
    k1, k2, k3 = jax.random.split(key, 3)
    adj_matrix = jax.random.uniform(k1, (B, S, S), dtype=jnp.float32)
    dep_rel_matrix = jax.random.randint(k2, (B, S, S), 0, DEP_VOCAB, dtype=jnp.int64)
    dep_table = jax.random.normal(k3, (DEP_VOCAB, EMBED_DIM), dtype=jnp.float32)
    return {"adj_matrix": adj_matrix, "dep_rel_matrix": dep_rel_matrix, "dep_table": dep_table}

def reference(adj_matrix, dep_rel_matrix, dep_table):
    # embedding lookup: [B, S, S] -> [B, S, S, D]
    dep_embeddings = jnp.take(dep_table, dep_rel_matrix, axis=0)
    # mask by adjacency: [B, S, S, 1]
    adj_mask = adj_matrix[..., None]
    dep_embed_matrix = dep_embeddings * adj_mask
    return dep_embed_matrix

if __name__ == "__main__":
    import jax
    _d = setup_inputs()
    print(jax.jit(kernel)(*tuple(_d.values())))

</pallas_src>

<mosaic_0001>
#map = affine_map<(d0, d1) -> (0, 0, 0)>
#map1 = affine_map<(d0, d1) -> (0)>
#map2 = affine_map<(d0, d1) -> (0, 0)>
module attributes {stable_mosaic.version = 14 : i64} {
  func.func @_sc_body(%arg0: i32, %arg1: i32, %arg2: memref<8x256x256xi32, #tpu.memory_space<hbm>>, %arg3: memref<8x256x256xf32, #tpu.memory_space<hbm>>, %arg4: memref<3200xf32, #tpu.memory_space<hbm>>, %arg5: memref<131072x256xf32, #tpu.memory_space<hbm>>, %arg6: memref<3200xf32, #tpu.memory_space<vmem>>, %arg7: memref<8x256xi32, #tpu.memory_space<vmem>>, %arg8: memref<8x256xi32, #tpu.memory_space<vmem>>, %arg9: memref<8x256xf32, #tpu.memory_space<vmem>>, %arg10: memref<8x256xf32, #tpu.memory_space<vmem>>, %arg11: memref<128x256xf32, #tpu.memory_space<vmem>>, %arg12: memref<128x256xf32, #tpu.memory_space<vmem>>, %arg13: memref<!tpu.dma_semaphore, #tpu.memory_space<semaphore_mem>>, %arg14: memref<!tpu.dma_semaphore, #tpu.memory_space<semaphore_mem>>, %arg15: memref<!tpu.dma_semaphore, #tpu.memory_space<semaphore_mem>>, %arg16: memref<!tpu.dma_semaphore, #tpu.memory_space<semaphore_mem>>) attributes {dimension_semantics = [#tpu.dimension_semantics<core_parallel>, #tpu.dimension_semantics<subcore_parallel>], iteration_bounds = array<i64: 2, 16>, scalar_prefetch = 0 : i64, scratch_operands = 11 : i64, tpu.core_type = #tpu.core_type<sc_vector_subcore>, window_params = [{transform_indices = #map}, {transform_indices = #map}, {transform_indices = #map1}, {transform_indices = #map2}]} {
    %mul3A = arith.constant 2 : i32
    %mul3A_0 = arith.muli %arg1, %mul3A : i32
    %add3A = arith.addi %mul3A_0, %arg0 : i32
    %mul3A_1 = arith.constant 64 : i32
    %mul3A_2 = arith.muli %add3A, %mul3A_1 : i32
    "tpu.region"() ({
      %run_scoped3A = tpu.sem_alloc : memref<!tpu.dma_semaphore, #tpu.memory_space<semaphore_mem>>
      tpu.enqueue_dma source(%arg4 : memref<3200xf32, #tpu.memory_space<hbm>>) target(%arg6 : memref<3200xf32, #tpu.memory_space<vmem>>) target_semaphore(%run_scoped3A : memref<!tpu.dma_semaphore, #tpu.memory_space<semaphore_mem>>)
      tpu.wait_dma2 semaphore(%run_scoped3A : memref<!tpu.dma_semaphore, #tpu.memory_space<semaphore_mem>>) src(%arg4 : memref<3200xf32, #tpu.memory_space<hbm>>) dst(%arg6 : memref<3200xf32, #tpu.memory_space<vmem>>)
      tpu.yield
    }) : () -> ()
    %add3A_3 = arith.constant 0 : i32
    %add3A_4 = arith.addi %mul3A_2, %add3A_3 : i32
    %min3A = arith.constant 2040 : i32
    %min3A_5 = arith.minsi %add3A_4, %min3A : i32
    %shift_right_arithmetic3A = arith.constant 8 : i32
    %shift_right_arithmetic3A_6 = arith.shrsi %min3A_5, %shift_right_arithmetic3A : i32
    %and3A = arith.constant 255 : i32
    %and3A_7 = arith.andi %min3A_5, %and3A : i32
    %multiple_of3A = tpu.assume_multiple %and3A_7, 8 : i32
    %add3A_8 = arith.constant 8 : i32
    %add3A_9 = arith.addi %mul3A_2, %add3A_8 : i32
    %min3A_10 = arith.constant 2040 : i32
    %min3A_11 = arith.minsi %add3A_9, %min3A_10 : i32
    %shift_right_arithmetic3A_12 = arith.constant 8 : i32
    %shift_right_arithmetic3A_13 = arith.shrsi %min3A_11, %shift_right_arithmetic3A_12 : i32
    %and3A_14 = arith.constant 255 : i32
    %and3A_15 = arith.andi %min3A_11, %and3A_14 : i32
    %multiple_of3A_16 = tpu.assume_multiple %and3A_15, 8 : i32
    %dma_start3A = arith.constant 0 : i32
    %dma_start3A_17 = tpu.memref_slice %arg2[%shift_right_arithmetic3A_6, %multiple_of3A, %dma_start3A] : memref<8x256x256xi32, #tpu.memory_space<hbm>> -> memref<1x8x256xi32, #tpu.memory_space<hbm>>
    %dma_start3A_18 = tpu.memref_squeeze %dma_start3A_17 : memref<1x8x256xi32, #tpu.memory_space<hbm>> -> memref<8x256xi32, #tpu.memory_space<hbm>>
    %dma_start3A_19 = arith.constant 0 : i32
    %dma_start3A_20 = tpu.memref_slice %arg2[%shift_right_arithmetic3A_6, %multiple_of3A, %dma_start3A_19] : memref<8x256x256xi32, #tpu.memory_space<hbm>> -> memref<1x8x256xi32, #tpu.memory_space<hbm>>
    %dma_start3A_21 = tpu.memref_squeeze %dma_start3A_20 : memref<1x8x256xi32, #tpu.memory_space<hbm>> -> memref<8x256xi32, #tpu.memory_space<hbm>>
    tpu.enqueue_dma source(%dma_start3A_21 : memref<8x256xi32, #tpu.memory_space<hbm>>) target(%arg7 : memref<8x256xi32, #tpu.memory_space<vmem>>) target_semaphore(%arg13 : memref<!tpu.dma_semaphore, #tpu.memory_space<semaphore_mem>>)
    %dma_start3A_22 = arith.constant 0 : i32
    %dma_start3A_23 = tpu.memref_slice %arg3[%shift_right_arithmetic3A_6, %multiple_of3A, %dma_start3A_22] : memref<8x256x256xf32, #tpu.memory_space<hbm>> -> memref<1x8x256xf32, #tpu.memory_space<hbm>>
    %dma_start3A_24 = tpu.memref_squeeze %dma_start3A_23 : memref<1x8x256xf32, #tpu.memory_space<hbm>> -> memref<8x256xf32, #tpu.memory_space<hbm>>
    %dma_start3A_25 = arith.constant 0 : i32
    %dma_start3A_26 = tpu.memref_slice %arg3[%shift_right_arithmetic3A_6, %multiple_of3A, %dma_start3A_25] : memref<8x256x256xf32, #tpu.memory_space<hbm>> -> memref<1x8x256xf32, #tpu.memory_space<hbm>>
    %dma_start3A_27 = tpu.memref_squeeze %dma_start3A_26 : memref<1x8x256xf32, #tpu.memory_space<hbm>> -> memref<8x256xf32, #tpu.memory_space<hbm>>
    tpu.enqueue_dma source(%dma_start3A_27 : memref<8x256xf32, #tpu.memory_space<hbm>>) target(%arg9 : memref<8x256xf32, #tpu.memory_space<vmem>>) target_semaphore(%arg13 : memref<!tpu.dma_semaphore, #tpu.memory_space<semaphore_mem>>)
    %dma_start3A_28 = arith.constant 0 : i32
    %dma_start3A_29 = tpu.memref_slice %arg2[%shift_right_arithmetic3A_13, %multiple_of3A_16, %dma_start3A_28] : memref<8x256x256xi32, #tpu.memory_space<hbm>> -> memref<1x8x256xi32, #tpu.memory_space<hbm>>
    %dma_start3A_30 = tpu.memref_squeeze %dma_start3A_29 : memref<1x8x256xi32, #tpu.memory_space<hbm>> -> memref<8x256xi32, #tpu.memory_space<hbm>>
    %dma_start3A_31 = arith.constant 0 : i32
    %dma_start3A_32 = tpu.memref_slice %arg2[%shift_right_arithmetic3A_13, %multiple_of3A_16, %dma_start3A_31] : memref<8x256x256xi32, #tpu.memory_space<hbm>> -> memref<1x8x256xi32, #tpu.memory_space<hbm>>
    %dma_start3A_33 = tpu.memref_squeeze %dma_start3A_32 : memref<1x8x256xi32, #tpu.memory_space<hbm>> -> memref<8x256xi32, #tpu.memory_space<hbm>>
    tpu.enqueue_dma source(%dma_start3A_33 : memref<8x256xi32, #tpu.memory_space<hbm>>) target(%arg8 : memref<8x256xi32, #tpu.memory_space<vmem>>) target_semaphore(%arg14 : memref<!tpu.dma_semaphore, #tpu.memory_space<semaphore_mem>>)
    %dma_start3A_34 = arith.constant 0 : i32
    %dma_start3A_35 = tpu.memref_slice %arg3[%shift_right_arithmetic3A_13, %multiple_of3A_16, %dma_start3A_34] : memref<8x256x256xf32, #tpu.memory_space<hbm>> -> memref<1x8x256xf32, #tpu.memory_space<hbm>>
    %dma_start3A_36 = tpu.memref_squeeze %dma_start3A_35 : memref<1x8x256xf32, #tpu.memory_space<hbm>> -> memref<8x256xf32, #tpu.memory_space<hbm>>
    %dma_start3A_37 = arith.constant 0 : i32
    %dma_start3A_38 = tpu.memref_slice %arg3[%shift_right_arithmetic3A_13, %multiple_of3A_16, %dma_start3A_37] : memref<8x256x256xf32, #tpu.memory_space<hbm>> -> memref<1x8x256xf32, #tpu.memory_space<hbm>>
    %dma_start3A_39 = tpu.memref_squeeze %dma_start3A_38 : memref<1x8x256xf32, #tpu.memory_space<hbm>> -> memref<8x256xf32, #tpu.memory_space<hbm>>
    tpu.enqueue_dma source(%dma_start3A_39 : memref<8x256xf32, #tpu.memory_space<hbm>>) target(%arg10 : memref<8x256xf32, #tpu.memory_space<vmem>>) target_semaphore(%arg14 : memref<!tpu.dma_semaphore, #tpu.memory_space<semaphore_mem>>)
    %scan3A = arith.constant 0 : i32
    %scan3A_40 = arith.constant 0 : i32
    %scan3A_41 = arith.constant 4 : i32
    %scan3A_42 = arith.addi %scan3A_40, %scan3A_41 : i32
    %scan3A_43 = arith.constant 1 : i32
    scf.for %scan3A_102 = %scan3A_40 to %scan3A_42 step %scan3A_43  : i32 {
      %mul3A_103 = arith.constant 2 : i32
      %mul3A_104 = arith.muli %scan3A_102, %mul3A_103 : i32
      %add3A_105 = arith.constant 0 : i32
      %add3A_106 = arith.addi %mul3A_104, %add3A_105 : i32
      %mul3A_107 = arith.constant 8 : i32
      %mul3A_108 = arith.muli %add3A_106, %mul3A_107 : i32
      %add3A_109 = arith.addi %mul3A_2, %mul3A_108 : i32
      %min3A_110 = arith.constant 2040 : i32
      %min3A_111 = arith.minsi %add3A_109, %min3A_110 : i32
      %shift_right_arithmetic3A_112 = arith.constant 8 : i32
      %shift_right_arithmetic3A_113 = arith.shrsi %min3A_111, %shift_right_arithmetic3A_112 : i32
      %and3A_114 = arith.constant 255 : i32
      %and3A_115 = arith.andi %min3A_111, %and3A_114 : i32
      %multiple_of3A_116 = tpu.assume_multiple %and3A_115, 8 : i32
      %dma_wait3A_117 = arith.constant 0 : i32
      %dma_wait3A_118 = tpu.memref_slice %arg2[%shift_right_arithmetic3A_113, %multiple_of3A_116, %dma_wait3A_117] : memref<8x256x256xi32, #tpu.memory_space<hbm>> -> memref<1x8x256xi32, #tpu.memory_space<hbm>>
      %dma_wait3A_119 = tpu.memref_squeeze %dma_wait3A_118 : memref<1x8x256xi32, #tpu.memory_space<hbm>> -> memref<8x256xi32, #tpu.memory_space<hbm>>
      %dma_wait3A_120 = arith.constant 0 : i32
      %dma_wait3A_121 = tpu.memref_slice %arg2[%shift_right_arithmetic3A_113, %multiple_of3A_116, %dma_wait3A_120] : memref<8x256x256xi32, #tpu.memory_space<hbm>> -> memref<1x8x256xi32, #tpu.memory_space<hbm>>
      %dma_wait3A_122 = tpu.memref_squeeze %dma_wait3A_121 : memref<1x8x256xi32, #tpu.memory_space<hbm>> -> memref<8x256xi32, #tpu.memory_space<hbm>>
      tpu.wait_dma2 semaphore(%arg13 : memref<!tpu.dma_semaphore, #tpu.memory_space<semaphore_mem>>) src(%dma_wait3A_122 : memref<8x256xi32, #tpu.memory_space<hbm>>) dst(%arg7 : memref<8x256xi32, #tpu.memory_space<vmem>>)
      %dma_wait3A_123 = arith.constant 0 : i32
      %dma_wait3A_124 = tpu.memref_slice %arg3[%shift_right_arithmetic3A_113, %multiple_of3A_116, %dma_wait3A_123] : memref<8x256x256xf32, #tpu.memory_space<hbm>> -> memref<1x8x256xf32, #tpu.memory_space<hbm>>
      %dma_wait3A_125 = tpu.memref_squeeze %dma_wait3A_124 : memref<1x8x256xf32, #tpu.memory_space<hbm>> -> memref<8x256xf32, #tpu.memory_space<hbm>>
      %dma_wait3A_126 = arith.constant 0 : i32
      %dma_wait3A_127 = tpu.memref_slice %arg3[%shift_right_arithmetic3A_113, %multiple_of3A_116, %dma_wait3A_126] : memref<8x256x256xf32, #tpu.memory_space<hbm>> -> memref<1x8x256xf32, #tpu.memory_space<hbm>>
      %dma_wait3A_128 = tpu.memref_squeeze %dma_wait3A_127 : memref<1x8x256xf32, #tpu.memory_space<hbm>> -> memref<8x256xf32, #tpu.memory_space<hbm>>
      tpu.wait_dma2 semaphore(%arg13 : memref<!tpu.dma_semaphore, #tpu.memory_space<semaphore_mem>>) src(%dma_wait3A_128 : memref<8x256xf32, #tpu.memory_space<hbm>>) dst(%arg9 : memref<8x256xf32, #tpu.memory_space<vmem>>)
      %mul3A_129 = arith.constant 4 : i32
      %mul3A_130 = arith.muli %add3A_106, %mul3A_129 : i32
      %add3A_131 = arith.constant 0 : i32
      %add3A_132 = arith.addi %mul3A_130, %add3A_131 : i32
      %ge3A = arith.constant 1 : i32
      %ge3A_133 = arith.cmpi sge, %scan3A_102, %ge3A : i32
      %convert_element_type3A = arith.extui %ge3A_133 : i1 to i32
      %cond3A = arith.constant 0 : i32
      %cond3A_134 = arith.cmpi ne, %convert_element_type3A, %cond3A : i32
      scf.if %cond3A_134 {
        %sub3A_427 = arith.constant 2 : i32
        %sub3A_428 = arith.subi %add3A_132, %sub3A_427 : i32
        %mul3A_429 = arith.constant 2 : i32
        %mul3A_430 = arith.muli %sub3A_428, %mul3A_429 : i32
        %add3A_431 = arith.addi %mul3A_2, %mul3A_430 : i32
        %mul3A_432 = arith.constant 64 : i32
        %mul3A_433 = arith.muli %add3A_431, %mul3A_432 : i32
        %dma_wait3A_434 = arith.constant 0 : i32
        %dma_wait3A_435 = tpu.memref_slice %arg5[%mul3A_433, %dma_wait3A_434] : memref<131072x256xf32, #tpu.memory_space<hbm>> -> memref<128x256xf32, #tpu.memory_space<hbm>>
        %dma_wait3A_436 = arith.constant 0 : i32
        %dma_wait3A_437 = tpu.memref_slice %arg5[%mul3A_433, %dma_wait3A_436] : memref<131072x256xf32, #tpu.memory_space<hbm>> -> memref<128x256xf32, #tpu.memory_space<hbm>>
        tpu.wait_dma2 semaphore(%arg15 : memref<!tpu.dma_semaphore, #tpu.memory_space<semaphore_mem>>) src(%arg11 : memref<128x256xf32, #tpu.memory_space<vmem>>) dst(%dma_wait3A_437 : memref<128x256xf32, #tpu.memory_space<hbm>>)
      } else {
      }
      %scan3A_135 = arith.constant 0 : i32
      %scan3A_136 = arith.constant 0 : i32
      %scan3A_137 = arith.constant 32 : i32
      %scan3A_138 = arith.addi %scan3A_136, %scan3A_137 : i32
      %scan3A_139 = arith.constant 1 : i32
      scf.for %scan3A_427 = %scan3A_136 to %scan3A_138 step %scan3A_139  : i32 {
        %shift_right_arithmetic3A_428 = arith.constant 4 : i32
        %shift_right_arithmetic3A_429 = arith.shrsi %scan3A_427, %shift_right_arithmetic3A_428 : i32
        %and3A_430 = arith.constant 15 : i32
        %and3A_431 = arith.andi %scan3A_427, %and3A_430 : i32
        %shift_left3A = arith.constant 4 : i32
        %shift_left3A_432 = arith.shli %and3A_431, %shift_left3A : i32
        %add3A_433 = arith.constant 0 : i32
        %add3A_434 = arith.addi %add3A_433, %shift_right_arithmetic3A_429 : i32
        %get3A = arith.index_cast %add3A_434 : i32 to index
        %get3A_435 = arith.index_cast %shift_left3A_432 : i32 to index
        %get3A_436 = tpu.vector_load %arg7[%get3A, %get3A_435] {strides = array<i32>} : memref<8x256xi32, #tpu.memory_space<vmem>>, vector<16xi32>,
        %add3A_437 = arith.constant 0 : i32
        %add3A_438 = arith.addi %add3A_437, %shift_right_arithmetic3A_429 : i32
        %get3A_439 = arith.index_cast %add3A_438 : i32 to index
        %get3A_440 = arith.index_cast %shift_left3A_432 : i32 to index
        %get3A_441 = tpu.vector_load %arg9[%get3A_439, %get3A_440] {strides = array<i32>} : memref<8x256xf32, #tpu.memory_space<vmem>>, vector<16xf32>,
        %mul3A_442 = arith.constant 64 : i32
        %mul3A_443 = vector.broadcast %mul3A_442 : i32 to vector<16xi32>
        %mul3A_444 = arith.muli %get3A_436, %mul3A_443 : vector<16xi32>
        %iota3A = tpu.iota {dimensions = array<i32: 0>} : vector<16xi32>
        %add3A_445 = vector.broadcast %shift_left3A_432 : i32 to vector<16xi32>
        %add3A_446 = arith.addi %iota3A, %add3A_445 : vector<16xi32>
        %mul3A_447 = arith.constant 64 : i32
        %mul3A_448 = arith.muli %shift_right_arithmetic3A_429, %mul3A_447 : i32
        %parallel_loop3A = arith.constant 0 : i32
        %parallel_loop3A_449 = arith.constant 16 : i32
        %parallel_loop3A_450 = arith.constant 1 : i32
        scf.for %parallel_loop3A_451 = %parallel_loop3A to %parallel_loop3A_449 step %parallel_loop3A_450  : i32 {
          %parallel_loop3A_452 = vector.broadcast %parallel_loop3A_451 : i32 to vector<16xi32>
          %parallel_loop3A_453 = arith.addi %iota3A, %parallel_loop3A_452 : vector<16xi32>
          %parallel_loop3A_454 = arith.constant 15 : i32
          %parallel_loop3A_455 = vector.broadcast %parallel_loop3A_454 : i32 to vector<16xi32>
          %parallel_loop3A_456 = arith.andi %parallel_loop3A_453, %parallel_loop3A_455 : vector<16xi32>
          %parallel_loop3A_457 = arith.addi %mul3A_444, %parallel_loop3A_456 : vector<16xi32>
          %parallel_loop3A_458 = vector.broadcast %mul3A_448 : i32 to vector<16xi32>
          %parallel_loop3A_459 = arith.addi %parallel_loop3A_456, %parallel_loop3A_458 : vector<16xi32>
          %parallel_loop3A_460 = arith.constant 0 : i32
          %parallel_loop3A_461 = vector.broadcast %parallel_loop3A_460 : i32 to vector<16xi32>
          %parallel_loop3A_462 = arith.addi %parallel_loop3A_457, %parallel_loop3A_461 : vector<16xi32>
          %parallel_loop3A_463 = tpu.vector_load_idx %arg6[%parallel_loop3A_462] : memref<3200xf32, #tpu.memory_space<vmem>>[vector<16xi32>], vector<16xf32>,
          %parallel_loop3A_464 = arith.constant 0 : i32
          %parallel_loop3A_465 = vector.broadcast %parallel_loop3A_464 : i32 to vector<16xi32>
          %parallel_loop3A_466 = arith.addi %parallel_loop3A_459, %parallel_loop3A_465 : vector<16xi32>
          %parallel_loop3A_467 = arith.mulf %parallel_loop3A_463, %get3A_441 : vector<16xf32>
          tpu.vector_store_idx %arg11[%parallel_loop3A_466, %add3A_446], %parallel_loop3A_467 : memref<128x256xf32, #tpu.memory_space<vmem>>[vector<16xi32>, vector<16xi32>], vector<16xf32>,
          %parallel_loop3A_468 = arith.constant 16 : i32
          %parallel_loop3A_469 = vector.broadcast %parallel_loop3A_468 : i32 to vector<16xi32>
          %parallel_loop3A_470 = arith.addi %parallel_loop3A_457, %parallel_loop3A_469 : vector<16xi32>
          %parallel_loop3A_471 = tpu.vector_load_idx %arg6[%parallel_loop3A_470] : memref<3200xf32, #tpu.memory_space<vmem>>[vector<16xi32>], vector<16xf32>,
          %parallel_loop3A_472 = arith.constant 16 : i32
          %parallel_loop3A_473 = vector.broadcast %parallel_loop3A_472 : i32 to vector<16xi32>
          %parallel_loop3A_474 = arith.addi %parallel_loop3A_459, %parallel_loop3A_473 : vector<16xi32>
          %parallel_loop3A_475 = arith.mulf %parallel_loop3A_471, %get3A_441 : vector<16xf32>
          tpu.vector_store_idx %arg11[%parallel_loop3A_474, %add3A_446], %parallel_loop3A_475 : memref<128x256xf32, #tpu.memory_space<vmem>>[vector<16xi32>, vector<16xi32>], vector<16xf32>,
          %parallel_loop3A_476 = arith.constant 32 : i32
          %parallel_loop3A_477 = vector.broadcast %parallel_loop3A_476 : i32 to vector<16xi32>
          %parallel_loop3A_478 = arith.addi %parallel_loop3A_457, %parallel_loop3A_477 : vector<16xi32>
          %parallel_loop3A_479 = tpu.vector_load_idx %arg6[%parallel_loop3A_478] : memref<3200xf32, #tpu.memory_space<vmem>>[vector<16xi32>], vector<16xf32>,
          %parallel_loop3A_480 = arith.constant 32 : i32
          %parallel_loop3A_481 = vector.broadcast %parallel_loop3A_480 : i32 to vector<16xi32>
          %parallel_loop3A_482 = arith.addi %parallel_loop3A_459, %parallel_loop3A_481 : vector<16xi32>
          %parallel_loop3A_483 = arith.mulf %parallel_loop3A_479, %get3A_441 : vector<16xf32>
          tpu.vector_store_idx %arg11[%parallel_loop3A_482, %add3A_446], %parallel_loop3A_483 : memref<128x256xf32, #tpu.memory_space<vmem>>[vector<16xi32>, vector<16xi32>], vector<16xf32>,
          %parallel_loop3A_484 = arith.constant 48 : i32
          %parallel_loop3A_485 = vector.broadcast %parallel_loop3A_484 : i32 to vector<16xi32>
          %parallel_loop3A_486 = arith.addi %parallel_loop3A_457, %parallel_loop3A_485 : vector<16xi32>
          %parallel_loop3A_487 = tpu.vector_load_idx %arg6[%parallel_loop3A_486] : memref<3200xf32, #tpu.memory_space<vmem>>[vector<16xi32>], vector<16xf32>,
          %parallel_loop3A_488 = arith.constant 48 : i32
          %parallel_loop3A_489 = vector.broadcast %parallel_loop3A_488 : i32 to vector<16xi32>
          %parallel_loop3A_490 = arith.addi %parallel_loop3A_459, %parallel_loop3A_489 : vector<16xi32>
          %parallel_loop3A_491 = arith.mulf %parallel_loop3A_487, %get3A_441 : vector<16xf32>
          tpu.vector_store_idx %arg11[%parallel_loop3A_490, %add3A_446], %parallel_loop3A_491 : memref<128x256xf32, #tpu.memory_space<vmem>>[vector<16xi32>, vector<16xi32>], vector<16xf32>,
        } {sc.loop_unroll_factor = 4 : i64, sc.parallel_access}
      }
      %scan3A_140 = arith.constant 32 : i32
      %mul3A_141 = arith.constant 2 : i32
      %mul3A_142 = arith.muli %add3A_132, %mul3A_141 : i32
      %add3A_143 = arith.addi %mul3A_2, %mul3A_142 : i32
      %mul3A_144 = arith.constant 64 : i32
      %mul3A_145 = arith.muli %add3A_143, %mul3A_144 : i32
      %dma_start3A_146 = arith.constant 0 : i32
      %dma_start3A_147 = tpu.memref_slice %arg5[%mul3A_145, %dma_start3A_146] : memref<131072x256xf32, #tpu.memory_space<hbm>> -> memref<128x256xf32, #tpu.memory_space<hbm>>
      %dma_start3A_148 = arith.constant 0 : i32
      %dma_start3A_149 = tpu.memref_slice %arg5[%mul3A_145, %dma_start3A_148] : memref<131072x256xf32, #tpu.memory_space<hbm>> -> memref<128x256xf32, #tpu.memory_space<hbm>>
      tpu.enqueue_dma source(%arg11 : memref<128x256xf32, #tpu.memory_space<vmem>>) target(%dma_start3A_149 : memref<128x256xf32, #tpu.memory_space<hbm>>) target_semaphore(%arg15 : memref<!tpu.dma_semaphore, #tpu.memory_space<semaphore_mem>>)
      %mul3A_150 = arith.constant 4 : i32
      %mul3A_151 = arith.muli %add3A_106, %mul3A_150 : i32
      %add3A_152 = arith.constant 1 : i32
      %add3A_153 = arith.addi %mul3A_151, %add3A_152 : i32
      %ge3A_154 = arith.constant 1 : i32
      %ge3A_155 = arith.cmpi sge, %scan3A_102, %ge3A_154 : i32
      %convert_element_type3A_156 = arith.extui %ge3A_155 : i1 to i32
      %cond3A_157 = arith.constant 0 : i32
      %cond3A_158 = arith.cmpi ne, %convert_element_type3A_156, %cond3A_157 : i32
      scf.if %cond3A_158 {
        %sub3A_427 = arith.constant 2 : i32
        %sub3A_428 = arith.subi %add3A_153, %sub3A_427 : i32
        %mul3A_429 = arith.constant 2 : i32
        %mul3A_430 = arith.muli %sub3A_428, %mul3A_429 : i32
        %add3A_431 = arith.addi %mul3A_2, %mul3A_430 : i32
        %mul3A_432 = arith.constant 64 : i32
        %mul3A_433 = arith.muli %add3A_431, %mul3A_432 : i32
        %dma_wait3A_434 = arith.constant 0 : i32
        %dma_wait3A_435 = tpu.memref_slice %arg5[%mul3A_433, %dma_wait3A_434] : memref<131072x256xf32, #tpu.memory_space<hbm>> -> memref<128x256xf32, #tpu.memory_space<hbm>>
        %dma_wait3A_436 = arith.constant 0 : i32
        %dma_wait3A_437 = tpu.memref_slice %arg5[%mul3A_433, %dma_wait3A_436] : memref<131072x256xf32, #tpu.memory_space<hbm>> -> memref<128x256xf32, #tpu.memory_space<hbm>>
        tpu.wait_dma2 semaphore(%arg16 : memref<!tpu.dma_semaphore, #tpu.memory_space<semaphore_mem>>) src(%arg12 : memref<128x256xf32, #tpu.memory_space<vmem>>) dst(%dma_wait3A_437 : memref<128x256xf32, #tpu.memory_space<hbm>>)
      } else {
      }
      %scan3A_159 = arith.constant 0 : i32
      %scan3A_160 = arith.constant 0 : i32
      %scan3A_161 = arith.constant 32 : i32
      %scan3A_162 = arith.addi %scan3A_160, %scan3A_161 : i32
      %scan3A_163 = arith.constant 1 : i32
      scf.for %scan3A_427 = %scan3A_160 to %scan3A_162 step %scan3A_163  : i32 {
        %shift_right_arithmetic3A_428 = arith.constant 4 : i32
        %shift_right_arithmetic3A_429 = arith.shrsi %scan3A_427, %shift_right_arithmetic3A_428 : i32
        %and3A_430 = arith.constant 15 : i32
        %and3A_431 = arith.andi %scan3A_427, %and3A_430 : i32
        %shift_left3A = arith.constant 4 : i32
        %shift_left3A_432 = arith.shli %and3A_431, %shift_left3A : i32
        %add3A_433 = arith.constant 2 : i32
        %add3A_434 = arith.addi %add3A_433, %shift_right_arithmetic3A_429 : i32
        %get3A = arith.index_cast %add3A_434 : i32 to index
        %get3A_435 = arith.index_cast %shift_left3A_432 : i32 to index
        %get3A_436 = tpu.vector_load %arg7[%get3A, %get3A_435] {strides = array<i32>} : memref<8x256xi32, #tpu.memory_space<vmem>>, vector<16xi32>,
        %add3A_437 = arith.constant 2 : i32
        %add3A_438 = arith.addi %add3A_437, %shift_right_arithmetic3A_429 : i32
        %get3A_439 = arith.index_cast %add3A_438 : i32 to index
        %get3A_440 = arith.index_cast %shift_left3A_432 : i32 to index
        %get3A_441 = tpu.vector_load %arg9[%get3A_439, %get3A_440] {strides = array<i32>} : memref<8x256xf32, #tpu.memory_space<vmem>>, vector<16xf32>,
        %mul3A_442 = arith.constant 64 : i32
        %mul3A_443 = vector.broadcast %mul3A_442 : i32 to vector<16xi32>
        %mul3A_444 = arith.muli %get3A_436, %mul3A_443 : vector<16xi32>
        %iota3A = tpu.iota {dimensions = array<i32: 0>} : vector<16xi32>
        %add3A_445 = vector.broadcast %shift_left3A_432 : i32 to vector<16xi32>
        %add3A_446 = arith.addi %iota3A, %add3A_445 : vector<16xi32>
        %mul3A_447 = arith.constant 64 : i32
        %mul3A_448 = arith.muli %shift_right_arithmetic3A_429, %mul3A_447 : i32
        %parallel_loop3A = arith.constant 0 : i32
        %parallel_loop3A_449 = arith.constant 16 : i32
        %parallel_loop3A_450 = arith.constant 1 : i32
        scf.for %parallel_loop3A_451 = %parallel_loop3A to %parallel_loop3A_449 step %parallel_loop3A_450  : i32 {
          %parallel_loop3A_452 = vector.broadcast %parallel_loop3A_451 : i32 to vector<16xi32>
          %parallel_loop3A_453 = arith.addi %iota3A, %parallel_loop3A_452 : vector<16xi32>
          %parallel_loop3A_454 = arith.constant 15 : i32
          %parallel_loop3A_455 = vector.broadcast %parallel_loop3A_454 : i32 to vector<16xi32>
          %parallel_loop3A_456 = arith.andi %parallel_loop3A_453, %parallel_loop3A_455 : vector<16xi32>
          %parallel_loop3A_457 = arith.addi %mul3A_444, %parallel_loop3A_456 : vector<16xi32>
          %parallel_loop3A_458 = vector.broadcast %mul3A_448 : i32 to vector<16xi32>
          %parallel_loop3A_459 = arith.addi %parallel_loop3A_456, %parallel_loop3A_458 : vector<16xi32>
          %parallel_loop3A_460 = arith.constant 0 : i32
          %parallel_loop3A_461 = vector.broadcast %parallel_loop3A_460 : i32 to vector<16xi32>
          %parallel_loop3A_462 = arith.addi %parallel_loop3A_457, %parallel_loop3A_461 : vector<16xi32>
          %parallel_loop3A_463 = tpu.vector_load_idx %arg6[%parallel_loop3A_462] : memref<3200xf32, #tpu.memory_space<vmem>>[vector<16xi32>], vector<16xf32>,
          %parallel_loop3A_464 = arith.constant 0 : i32
          %parallel_loop3A_465 = vector.broadcast %parallel_loop3A_464 : i32 to vector<16xi32>
          %parallel_loop3A_466 = arith.addi %parallel_loop3A_459, %parallel_loop3A_465 : vector<16xi32>
          %parallel_loop3A_467 = arith.mulf %parallel_loop3A_463, %get3A_441 : vector<16xf32>
          tpu.vector_store_idx %arg12[%parallel_loop3A_466, %add3A_446], %parallel_loop3A_467 : memref<128x256xf32, #tpu.memory_space<vmem>>[vector<16xi32>, vector<16xi32>], vector<16xf32>,
          %parallel_loop3A_468 = arith.constant 16 : i32
          %parallel_loop3A_469 = vector.broadcast %parallel_loop3A_468 : i32 to vector<16xi32>
          %parallel_loop3A_470 = arith.addi %parallel_loop3A_457, %parallel_loop3A_469 : vector<16xi32>
          %parallel_loop3A_471 = tpu.vector_load_idx %arg6[%parallel_loop3A_470] : memref<3200xf32, #tpu.memory_space<vmem>>[vector<16xi32>], vector<16xf32>,
          %parallel_loop3A_472 = arith.constant 16 : i32
          %parallel_loop3A_473 = vector.broadcast %parallel_loop3A_472 : i32 to vector<16xi32>
          %parallel_loop3A_474 = arith.addi %parallel_loop3A_459, %parallel_loop3A_473 : vector<16xi32>
          %parallel_loop3A_475 = arith.mulf %parallel_loop3A_471, %get3A_441 : vector<16xf32>
          tpu.vector_store_idx %arg12[%parallel_loop3A_474, %add3A_446], %parallel_loop3A_475 : memref<128x256xf32, #tpu.memory_space<vmem>>[vector<16xi32>, vector<16xi32>], vector<16xf32>,
          %parallel_loop3A_476 = arith.constant 32 : i32
          %parallel_loop3A_477 = vector.broadcast %parallel_loop3A_476 : i32 to vector<16xi32>
          %parallel_loop3A_478 = arith.addi %parallel_loop3A_457, %parallel_loop3A_477 : vector<16xi32>
          %parallel_loop3A_479 = tpu.vector_load_idx %arg6[%parallel_loop3A_478] : memref<3200xf32, #tpu.memory_space<vmem>>[vector<16xi32>], vector<16xf32>,
          %parallel_loop3A_480 = arith.constant 32 : i32
          %parallel_loop3A_481 = vector.broadcast %parallel_loop3A_480 : i32 to vector<16xi32>
          %parallel_loop3A_482 = arith.addi %parallel_loop3A_459, %parallel_loop3A_481 : vector<16xi32>
          %parallel_loop3A_483 = arith.mulf %parallel_loop3A_479, %get3A_441 : vector<16xf32>
          tpu.vector_store_idx %arg12[%parallel_loop3A_482, %add3A_446], %parallel_loop3A_483 : memref<128x256xf32, #tpu.memory_space<vmem>>[vector<16xi32>, vector<16xi32>], vector<16xf32>,
          %parallel_loop3A_484 = arith.constant 48 : i32
          %parallel_loop3A_485 = vector.broadcast %parallel_loop3A_484 : i32 to vector<16xi32>
          %parallel_loop3A_486 = arith.addi %parallel_loop3A_457, %parallel_loop3A_485 : vector<16xi32>
          %parallel_loop3A_487 = tpu.vector_load_idx %arg6[%parallel_loop3A_486] : memref<3200xf32, #tpu.memory_space<vmem>>[vector<16xi32>], vector<16xf32>,
          %parallel_loop3A_488 = arith.constant 48 : i32
          %parallel_loop3A_489 = vector.broadcast %parallel_loop3A_488 : i32 to vector<16xi32>
          %parallel_loop3A_490 = arith.addi %parallel_loop3A_459, %parallel_loop3A_489 : vector<16xi32>
          %parallel_loop3A_491 = arith.mulf %parallel_loop3A_487, %get3A_441 : vector<16xf32>
          tpu.vector_store_idx %arg12[%parallel_loop3A_490, %add3A_446], %parallel_loop3A_491 : memref<128x256xf32, #tpu.memory_space<vmem>>[vector<16xi32>, vector<16xi32>], vector<16xf32>,
        } {sc.loop_unroll_factor = 4 : i64, sc.parallel_access}
      }
      %scan3A_164 = arith.constant 32 : i32
      %mul3A_165 = arith.constant 2 : i32
      %mul3A_166 = arith.muli %add3A_153, %mul3A_165 : i32
      %add3A_167 = arith.addi %mul3A_2, %mul3A_166 : i32
      %mul3A_168 = arith.constant 64 : i32
      %mul3A_169 = arith.muli %add3A_167, %mul3A_168 : i32
      %dma_start3A_170 = arith.constant 0 : i32
      %dma_start3A_171 = tpu.memref_slice %arg5[%mul3A_169, %dma_start3A_170] : memref<131072x256xf32, #tpu.memory_space<hbm>> -> memref<128x256xf32, #tpu.memory_space<hbm>>
      %dma_start3A_172 = arith.constant 0 : i32
      %dma_start3A_173 = tpu.memref_slice %arg5[%mul3A_169, %dma_start3A_172] : memref<131072x256xf32, #tpu.memory_space<hbm>> -> memref<128x256xf32, #tpu.memory_space<hbm>>
      tpu.enqueue_dma source(%arg12 : memref<128x256xf32, #tpu.memory_space<vmem>>) target(%dma_start3A_173 : memref<128x256xf32, #tpu.memory_space<hbm>>) target_semaphore(%arg16 : memref<!tpu.dma_semaphore, #tpu.memory_space<semaphore_mem>>)
      %mul3A_174 = arith.constant 4 : i32
      %mul3A_175 = arith.muli %add3A_106, %mul3A_174 : i32
      %add3A_176 = arith.constant 2 : i32
      %add3A_177 = arith.addi %mul3A_175, %add3A_176 : i32
      %sub3A = arith.constant 2 : i32
      %sub3A_178 = arith.subi %add3A_177, %sub3A : i32
      %mul3A_179 = arith.constant 2 : i32
      %mul3A_180 = arith.muli %sub3A_178, %mul3A_179 : i32
      %add3A_181 = arith.addi %mul3A_2, %mul3A_180 : i32
      %mul3A_182 = arith.constant 64 : i32
      %mul3A_183 = arith.muli %add3A_181, %mul3A_182 : i32
      %dma_wait3A_184 = arith.constant 0 : i32
      %dma_wait3A_185 = tpu.memref_slice %arg5[%mul3A_183, %dma_wait3A_184] : memref<131072x256xf32, #tpu.memory_space<hbm>> -> memref<128x256xf32, #tpu.memory_space<hbm>>
      %dma_wait3A_186 = arith.constant 0 : i32
      %dma_wait3A_187 = tpu.memref_slice %arg5[%mul3A_183, %dma_wait3A_186] : memref<131072x256xf32, #tpu.memory_space<hbm>> -> memref<128x256xf32, #tpu.memory_space<hbm>>
      tpu.wait_dma2 semaphore(%arg15 : memref<!tpu.dma_semaphore, #tpu.memory_space<semaphore_mem>>) src(%arg11 : memref<128x256xf32, #tpu.memory_space<vmem>>) dst(%dma_wait3A_187 : memref<128x256xf32, #tpu.memory_space<hbm>>)
      %scan3A_188 = arith.constant 0 : i32
      %scan3A_189 = arith.constant 0 : i32
      %scan3A_190 = arith.constant 32 : i32
      %scan3A_191 = arith.addi %scan3A_189, %scan3A_190 : i32
      %scan3A_192 = arith.constant 1 : i32
      scf.for %scan3A_427 = %scan3A_189 to %scan3A_191 step %scan3A_192  : i32 {
        %shift_right_arithmetic3A_428 = arith.constant 4 : i32
        %shift_right_arithmetic3A_429 = arith.shrsi %scan3A_427, %shift_right_arithmetic3A_428 : i32
        %and3A_430 = arith.constant 15 : i32
        %and3A_431 = arith.andi %scan3A_427, %and3A_430 : i32
        %shift_left3A = arith.constant 4 : i32
        %shift_left3A_432 = arith.shli %and3A_431, %shift_left3A : i32
        %add3A_433 = arith.constant 4 : i32
        %add3A_434 = arith.addi %add3A_433, %shift_right_arithmetic3A_429 : i32
        %get3A = arith.index_cast %add3A_434 : i32 to index
        %get3A_435 = arith.index_cast %shift_left3A_432 : i32 to index
        %get3A_436 = tpu.vector_load %arg7[%get3A, %get3A_435] {strides = array<i32>} : memref<8x256xi32, #tpu.memory_space<vmem>>, vector<16xi32>,
        %add3A_437 = arith.constant 4 : i32
        %add3A_438 = arith.addi %add3A_437, %shift_right_arithmetic3A_429 : i32
        %get3A_439 = arith.index_cast %add3A_438 : i32 to index
        %get3A_440 = arith.index_cast %shift_left3A_432 : i32 to index
        %get3A_441 = tpu.vector_load %arg9[%get3A_439, %get3A_440] {strides = array<i32>} : memref<8x256xf32, #tpu.memory_space<vmem>>, vector<16xf32>,
        %mul3A_442 = arith.constant 64 : i32
        %mul3A_443 = vector.broadcast %mul3A_442 : i32 to vector<16xi32>
        %mul3A_444 = arith.muli %get3A_436, %mul3A_443 : vector<16xi32>
        %iota3A = tpu.iota {dimensions = array<i32: 0>} : vector<16xi32>
        %add3A_445 = vector.broadcast %shift_left3A_432 : i32 to vector<16xi32>
        %add3A_446 = arith.addi %iota3A, %add3A_445 : vector<16xi32>
        %mul3A_447 = arith.constant 64 : i32
        %mul3A_448 = arith.muli %shift_right_arithmetic3A_429, %mul3A_447 : i32
        %parallel_loop3A = arith.constant 0 : i32
        %parallel_loop3A_449 = arith.constant 16 : i32
        %parallel_loop3A_450 = arith.constant 1 : i32
        scf.for %parallel_loop3A_451 = %parallel_loop3A to %parallel_loop3A_449 step %parallel_loop3A_450  : i32 {
          %parallel_loop3A_452 = vector.broadcast %parallel_loop3A_451 : i32 to vector<16xi32>
          %parallel_loop3A_453 = arith.addi %iota3A, %parallel_loop3A_452 : vector<16xi32>
          %parallel_loop3A_454 = arith.constant 15 : i32
          %parallel_loop3A_455 = vector.broadcast %parallel_loop3A_454 : i32 to vector<16xi32>
          %parallel_loop3A_456 = arith.andi %parallel_loop3A_453, %parallel_loop3A_455 : vector<16xi32>
          %parallel_loop3A_457 = arith.addi %mul3A_444, %parallel_loop3A_456 : vector<16xi32>
          %parallel_loop3A_458 = vector.broadcast %mul3A_448 : i32 to vector<16xi32>
          %parallel_loop3A_459 = arith.addi %parallel_loop3A_456, %parallel_loop3A_458 : vector<16xi32>
          %parallel_loop3A_460 = arith.constant 0 : i32
          %parallel_loop3A_461 = vector.broadcast %parallel_loop3A_460 : i32 to vector<16xi32>
          %parallel_loop3A_462 = arith.addi %parallel_loop3A_457, %parallel_loop3A_461 : vector<16xi32>
          %parallel_loop3A_463 = tpu.vector_load_idx %arg6[%parallel_loop3A_462] : memref<3200xf32, #tpu.memory_space<vmem>>[vector<16xi32>], vector<16xf32>,
          %parallel_loop3A_464 = arith.constant 0 : i32
          %parallel_loop3A_465 = vector.broadcast %parallel_loop3A_464 : i32 to vector<16xi32>
          %parallel_loop3A_466 = arith.addi %parallel_loop3A_459, %parallel_loop3A_465 : vector<16xi32>
          %parallel_loop3A_467 = arith.mulf %parallel_loop3A_463, %get3A_441 : vector<16xf32>
          tpu.vector_store_idx %arg11[%parallel_loop3A_466, %add3A_446], %parallel_loop3A_467 : memref<128x256xf32, #tpu.memory_space<vmem>>[vector<16xi32>, vector<16xi32>], vector<16xf32>,
          %parallel_loop3A_468 = arith.constant 16 : i32
          %parallel_loop3A_469 = vector.broadcast %parallel_loop3A_468 : i32 to vector<16xi32>
          %parallel_loop3A_470 = arith.addi %parallel_loop3A_457, %parallel_loop3A_469 : vector<16xi32>
          %parallel_loop3A_471 = tpu.vector_load_idx %arg6[%parallel_loop3A_470] : memref<3200xf32, #tpu.memory_space<vmem>>[vector<16xi32>], vector<16xf32>,
          %parallel_loop3A_472 = arith.constant 16 : i32
          %parallel_loop3A_473 = vector.broadcast %parallel_loop3A_472 : i32 to vector<16xi32>
          %parallel_loop3A_474 = arith.addi %parallel_loop3A_459, %parallel_loop3A_473 : vector<16xi32>
          %parallel_loop3A_475 = arith.mulf %parallel_loop3A_471, %get3A_441 : vector<16xf32>
          tpu.vector_store_idx %arg11[%parallel_loop3A_474, %add3A_446], %parallel_loop3A_475 : memref<128x256xf32, #tpu.memory_space<vmem>>[vector<16xi32>, vector<16xi32>], vector<16xf32>,
          %parallel_loop3A_476 = arith.constant 32 : i32
          %parallel_loop3A_477 = vector.broadcast %parallel_loop3A_476 : i32 to vector<16xi32>
          %parallel_loop3A_478 = arith.addi %parallel_loop3A_457, %parallel_loop3A_477 : vector<16xi32>
          %parallel_loop3A_479 = tpu.vector_load_idx %arg6[%parallel_loop3A_478] : memref<3200xf32, #tpu.memory_space<vmem>>[vector<16xi32>], vector<16xf32>,
          %parallel_loop3A_480 = arith.constant 32 : i32
          %parallel_loop3A_481 = vector.broadcast %parallel_loop3A_480 : i32 to vector<16xi32>
          %parallel_loop3A_482 = arith.addi %parallel_loop3A_459, %parallel_loop3A_481 : vector<16xi32>
          %parallel_loop3A_483 = arith.mulf %parallel_loop3A_479, %get3A_441 : vector<16xf32>
          tpu.vector_store_idx %arg11[%parallel_loop3A_482, %add3A_446], %parallel_loop3A_483 : memref<128x256xf32, #tpu.memory_space<vmem>>[vector<16xi32>, vector<16xi32>], vector<16xf32>,
          %parallel_loop3A_484 = arith.constant 48 : i32
          %parallel_loop3A_485 = vector.broadcast %parallel_loop3A_484 : i32 to vector<16xi32>
          %parallel_loop3A_486 = arith.addi %parallel_loop3A_457, %parallel_loop3A_485 : vector<16xi32>
          %parallel_loop3A_487 = tpu.vector_load_idx %arg6[%parallel_loop3A_486] : memref<3200xf32, #tpu.memory_space<vmem>>[vector<16xi32>], vector<16xf32>,
          %parallel_loop3A_488 = arith.constant 48 : i32
          %parallel_loop3A_489 = vector.broadcast %parallel_loop3A_488 : i32 to vector<16xi32>
          %parallel_loop3A_490 = arith.addi %parallel_loop3A_459, %parallel_loop3A_489 : vector<16xi32>
          %parallel_loop3A_491 = arith.mulf %parallel_loop3A_487, %get3A_441 : vector<16xf32>
          tpu.vector_store_idx %arg11[%parallel_loop3A_490, %add3A_446], %parallel_loop3A_491 : memref<128x256xf32, #tpu.memory_space<vmem>>[vector<16xi32>, vector<16xi32>], vector<16xf32>,
        } {sc.loop_unroll_factor = 4 : i64, sc.parallel_access}
      }
      %scan3A_193 = arith.constant 32 : i32
      %mul3A_194 = arith.constant 2 : i32
      %mul3A_195 = arith.muli %add3A_177, %mul3A_194 : i32
      %add3A_196 = arith.addi %mul3A_2, %mul3A_195 : i32
      %mul3A_197 = arith.constant 64 : i32
      %mul3A_198 = arith.muli %add3A_196, %mul3A_197 : i32
      %dma_start3A_199 = arith.constant 0 : i32
      %dma_start3A_200 = tpu.memref_slice %arg5[%mul3A_198, %dma_start3A_199] : memref<131072x256xf32, #tpu.memory_space<hbm>> -> memref<128x256xf32, #tpu.memory_space<hbm>>
      %dma_start3A_201 = arith.constant 0 : i32
      %dma_start3A_202 = tpu.memref_slice %arg5[%mul3A_198, %dma_start3A_201] : memref<131072x256xf32, #tpu.memory_space<hbm>> -> memref<128x256xf32, #tpu.memory_space<hbm>>
      tpu.enqueue_dma source(%arg11 : memref<128x256xf32, #tpu.memory_space<vmem>>) target(%dma_start3A_202 : memref<128x256xf32, #tpu.memory_space<hbm>>) target_semaphore(%arg15 : memref<!tpu.dma_semaphore, #tpu.memory_space<semaphore_mem>>)
      %mul3A_203 = arith.constant 4 : i32
      %mul3A_204 = arith.muli %add3A_106, %mul3A_203 : i32
      %add3A_205 = arith.constant 3 : i32
      %add3A_206 = arith.addi %mul3A_204, %add3A_205 : i32
      %sub3A_207 = arith.constant 2 : i32
      %sub3A_208 = arith.subi %add3A_206, %sub3A_207 : i32
      %mul3A_209 = arith.constant 2 : i32
      %mul3A_210 = arith.muli %sub3A_208, %mul3A_209 : i32
      %add3A_211 = arith.addi %mul3A_2, %mul3A_210 : i32
      %mul3A_212 = arith.constant 64 : i32
      %mul3A_213 = arith.muli %add3A_211, %mul3A_212 : i32
      %dma_wait3A_214 = arith.constant 0 : i32
      %dma_wait3A_215 = tpu.memref_slice %arg5[%mul3A_213, %dma_wait3A_214] : memref<131072x256xf32, #tpu.memory_space<hbm>> -> memref<128x256xf32, #tpu.memory_space<hbm>>
      %dma_wait3A_216 = arith.constant 0 : i32
      %dma_wait3A_217 = tpu.memref_slice %arg5[%mul3A_213, %dma_wait3A_216] : memref<131072x256xf32, #tpu.memory_space<hbm>> -> memref<128x256xf32, #tpu.memory_space<hbm>>
      tpu.wait_dma2 semaphore(%arg16 : memref<!tpu.dma_semaphore, #tpu.memory_space<semaphore_mem>>) src(%arg12 : memref<128x256xf32, #tpu.memory_space<vmem>>) dst(%dma_wait3A_217 : memref<128x256xf32, #tpu.memory_space<hbm>>)
      %scan3A_218 = arith.constant 0 : i32
      %scan3A_219 = arith.constant 0 : i32
      %scan3A_220 = arith.constant 32 : i32
      %scan3A_221 = arith.addi %scan3A_219, %scan3A_220 : i32
      %scan3A_222 = arith.constant 1 : i32
      scf.for %scan3A_427 = %scan3A_219 to %scan3A_221 step %scan3A_222  : i32 {
        %shift_right_arithmetic3A_428 = arith.constant 4 : i32
        %shift_right_arithmetic3A_429 = arith.shrsi %scan3A_427, %shift_right_arithmetic3A_428 : i32
        %and3A_430 = arith.constant 15 : i32
        %and3A_431 = arith.andi %scan3A_427, %and3A_430 : i32
        %shift_left3A = arith.constant 4 : i32
        %shift_left3A_432 = arith.shli %and3A_431, %shift_left3A : i32
        %add3A_433 = arith.constant 6 : i32
        %add3A_434 = arith.addi %add3A_433, %shift_right_arithmetic3A_429 : i32
        %get3A = arith.index_cast %add3A_434 : i32 to index
        %get3A_435 = arith.index_cast %shift_left3A_432 : i32 to index
        %get3A_436 = tpu.vector_load %arg7[%get3A, %get3A_435] {strides = array<i32>} : memref<8x256xi32, #tpu.memory_space<vmem>>, vector<16xi32>,
        %add3A_437 = arith.constant 6 : i32
        %add3A_438 = arith.addi %add3A_437, %shift_right_arithmetic3A_429 : i32
        %get3A_439 = arith.index_cast %add3A_438 : i32 to index
        %get3A_440 = arith.index_cast %shift_left3A_432 : i32 to index
        %get3A_441 = tpu.vector_load %arg9[%get3A_439, %get3A_440] {strides = array<i32>} : memref<8x256xf32, #tpu.memory_space<vmem>>, vector<16xf32>,
        %mul3A_442 = arith.constant 64 : i32
        %mul3A_443 = vector.broadcast %mul3A_442 : i32 to vector<16xi32>
        %mul3A_444 = arith.muli %get3A_436, %mul3A_443 : vector<16xi32>
        %iota3A = tpu.iota {dimensions = array<i32: 0>} : vector<16xi32>
        %add3A_445 = vector.broadcast %shift_left3A_432 : i32 to vector<16xi32>
        %add3A_446 = arith.addi %iota3A, %add3A_445 : vector<16xi32>
        %mul3A_447 = arith.constant 64 : i32
        %mul3A_448 = arith.muli %shift_right_arithmetic3A_429, %mul3A_447 : i32
        %parallel_loop3A = arith.constant 0 : i32
        %parallel_loop3A_449 = arith.constant 16 : i32
        %parallel_loop3A_450 = arith.constant 1 : i32
        scf.for %parallel_loop3A_451 = %parallel_loop3A to %parallel_loop3A_449 step %parallel_loop3A_450  : i32 {
          %parallel_loop3A_452 = vector.broadcast %parallel_loop3A_451 : i32 to vector<16xi32>
          %parallel_loop3A_453 = arith.addi %iota3A, %parallel_loop3A_452 : vector<16xi32>
          %parallel_loop3A_454 = arith.constant 15 : i32
          %parallel_loop3A_455 = vector.broadcast %parallel_loop3A_454 : i32 to vector<16xi32>
          %parallel_loop3A_456 = arith.andi %parallel_loop3A_453, %parallel_loop3A_455 : vector<16xi32>
          %parallel_loop3A_457 = arith.addi %mul3A_444, %parallel_loop3A_456 : vector<16xi32>
          %parallel_loop3A_458 = vector.broadcast %mul3A_448 : i32 to vector<16xi32>
          %parallel_loop3A_459 = arith.addi %parallel_loop3A_456, %parallel_loop3A_458 : vector<16xi32>
          %parallel_loop3A_460 = arith.constant 0 : i32
          %parallel_loop3A_461 = vector.broadcast %parallel_loop3A_460 : i32 to vector<16xi32>
          %parallel_loop3A_462 = arith.addi %parallel_loop3A_457, %parallel_loop3A_461 : vector<16xi32>
          %parallel_loop3A_463 = tpu.vector_load_idx %arg6[%parallel_loop3A_462] : memref<3200xf32, #tpu.memory_space<vmem>>[vector<16xi32>], vector<16xf32>,
          %parallel_loop3A_464 = arith.constant 0 : i32
          %parallel_loop3A_465 = vector.broadcast %parallel_loop3A_464 : i32 to vector<16xi32>
          %parallel_loop3A_466 = arith.addi %parallel_loop3A_459, %parallel_loop3A_465 : vector<16xi32>
          %parallel_loop3A_467 = arith.mulf %parallel_loop3A_463, %get3A_441 : vector<16xf32>
          tpu.vector_store_idx %arg12[%parallel_loop3A_466, %add3A_446], %parallel_loop3A_467 : memref<128x256xf32, #tpu.memory_space<vmem>>[vector<16xi32>, vector<16xi32>], vector<16xf32>,
          %parallel_loop3A_468 = arith.constant 16 : i32
          %parallel_loop3A_469 = vector.broadcast %parallel_loop3A_468 : i32 to vector<16xi32>
          %parallel_loop3A_470 = arith.addi %parallel_loop3A_457, %parallel_loop3A_469 : vector<16xi32>
          %parallel_loop3A_471 = tpu.vector_load_idx %arg6[%parallel_loop3A_470] : memref<3200xf32, #tpu.memory_space<vmem>>[vector<16xi32>], vector<16xf32>,
          %parallel_loop3A_472 = arith.constant 16 : i32
          %parallel_loop3A_473 = vector.broadcast %parallel_loop3A_472 : i32 to vector<16xi32>
          %parallel_loop3A_474 = arith.addi %parallel_loop3A_459, %parallel_loop3A_473 : vector<16xi32>
          %parallel_loop3A_475 = arith.mulf %parallel_loop3A_471, %get3A_441 : vector<16xf32>
          tpu.vector_store_idx %arg12[%parallel_loop3A_474, %add3A_446], %parallel_loop3A_475 : memref<128x256xf32, #tpu.memory_space<vmem>>[vector<16xi32>, vector<16xi32>], vector<16xf32>,
          %parallel_loop3A_476 = arith.constant 32 : i32
          %parallel_loop3A_477 = vector.broadcast %parallel_loop3A_476 : i32 to vector<16xi32>
          %parallel_loop3A_478 = arith.addi %parallel_loop3A_457, %parallel_loop3A_477 : vector<16xi32>
          %parallel_loop3A_479 = tpu.vector_load_idx %arg6[%parallel_loop3A_478] : memref<3200xf32, #tpu.memory_space<vmem>>[vector<16xi32>], vector<16xf32>,
          %parallel_loop3A_480 = arith.constant 32 : i32
          %parallel_loop3A_481 = vector.broadcast %parallel_loop3A_480 : i32 to vector<16xi32>
          %parallel_loop3A_482 = arith.addi %parallel_loop3A_459, %parallel_loop3A_481 : vector<16xi32>
          %parallel_loop3A_483 = arith.mulf %parallel_loop3A_479, %get3A_441 : vector<16xf32>
          tpu.vector_store_idx %arg12[%parallel_loop3A_482, %add3A_446], %parallel_loop3A_483 : memref<128x256xf32, #tpu.memory_space<vmem>>[vector<16xi32>, vector<16xi32>], vector<16xf32>,
          %parallel_loop3A_484 = arith.constant 48 : i32
          %parallel_loop3A_485 = vector.broadcast %parallel_loop3A_484 : i32 to vector<16xi32>
          %parallel_loop3A_486 = arith.addi %parallel_loop3A_457, %parallel_loop3A_485 : vector<16xi32>
          %parallel_loop3A_487 = tpu.vector_load_idx %arg6[%parallel_loop3A_486] : memref<3200xf32, #tpu.memory_space<vmem>>[vector<16xi32>], vector<16xf32>,
          %parallel_loop3A_488 = arith.constant 48 : i32
          %parallel_loop3A_489 = vector.broadcast %parallel_loop3A_488 : i32 to vector<16xi32>
          %parallel_loop3A_490 = arith.addi %parallel_loop3A_459, %parallel_loop3A_489 : vector<16xi32>
          %parallel_loop3A_491 = arith.mulf %parallel_loop3A_487, %get3A_441 : vector<16xf32>
          tpu.vector_store_idx %arg12[%parallel_loop3A_490, %add3A_446], %parallel_loop3A_491 : memref<128x256xf32, #tpu.memory_space<vmem>>[vector<16xi32>, vector<16xi32>], vector<16xf32>,
        } {sc.loop_unroll_factor = 4 : i64, sc.parallel_access}
      }
      %scan3A_223 = arith.constant 32 : i32
      %mul3A_224 = arith.constant 2 : i32
      %mul3A_225 = arith.muli %add3A_206, %mul3A_224 : i32
      %add3A_226 = arith.addi %mul3A_2, %mul3A_225 : i32
      %mul3A_227 = arith.constant 64 : i32
      %mul3A_228 = arith.muli %add3A_226, %mul3A_227 : i32
      %dma_start3A_229 = arith.constant 0 : i32
      %dma_start3A_230 = tpu.memref_slice %arg5[%mul3A_228, %dma_start3A_229] : memref<131072x256xf32, #tpu.memory_space<hbm>> -> memref<128x256xf32, #tpu.memory_space<hbm>>
      %dma_start3A_231 = arith.constant 0 : i32
      %dma_start3A_232 = tpu.memref_slice %arg5[%mul3A_228, %dma_start3A_231] : memref<131072x256xf32, #tpu.memory_space<hbm>> -> memref<128x256xf32, #tpu.memory_space<hbm>>
      tpu.enqueue_dma source(%arg12 : memref<128x256xf32, #tpu.memory_space<vmem>>) target(%dma_start3A_232 : memref<128x256xf32, #tpu.memory_space<hbm>>) target_semaphore(%arg16 : memref<!tpu.dma_semaphore, #tpu.memory_space<semaphore_mem>>)
      %add3A_233 = arith.constant 2 : i32
      %add3A_234 = arith.addi %add3A_106, %add3A_233 : i32
      %mul3A_235 = arith.constant 8 : i32
      %mul3A_236 = arith.muli %add3A_234, %mul3A_235 : i32
      %add3A_237 = arith.addi %mul3A_2, %mul3A_236 : i32
      %min3A_238 = arith.constant 2040 : i32
      %min3A_239 = arith.minsi %add3A_237, %min3A_238 : i32
      %shift_right_arithmetic3A_240 = arith.constant 8 : i32
      %shift_right_arithmetic3A_241 = arith.shrsi %min3A_239, %shift_right_arithmetic3A_240 : i32
      %and3A_242 = arith.constant 255 : i32
      %and3A_243 = arith.andi %min3A_239, %and3A_242 : i32
      %multiple_of3A_244 = tpu.assume_multiple %and3A_243, 8 : i32
      %dma_start3A_245 = arith.constant 0 : i32
      %dma_start3A_246 = tpu.memref_slice %arg2[%shift_right_arithmetic3A_241, %multiple_of3A_244, %dma_start3A_245] : memref<8x256x256xi32, #tpu.memory_space<hbm>> -> memref<1x8x256xi32, #tpu.memory_space<hbm>>
      %dma_start3A_247 = tpu.memref_squeeze %dma_start3A_246 : memref<1x8x256xi32, #tpu.memory_space<hbm>> -> memref<8x256xi32, #tpu.memory_space<hbm>>
      %dma_start3A_248 = arith.constant 0 : i32
      %dma_start3A_249 = tpu.memref_slice %arg2[%shift_right_arithmetic3A_241, %multiple_of3A_244, %dma_start3A_248] : memref<8x256x256xi32, #tpu.memory_space<hbm>> -> memref<1x8x256xi32, #tpu.memory_space<hbm>>
      %dma_start3A_250 = tpu.memref_squeeze %dma_start3A_249 : memref<1x8x256xi32, #tpu.memory_space<hbm>> -> memref<8x256xi32, #tpu.memory_space<hbm>>
      tpu.enqueue_dma source(%dma_start3A_250 : memref<8x256xi32, #tpu.memory_space<hbm>>) target(%arg7 : memref<8x256xi32, #tpu.memory_space<vmem>>) target_semaphore(%arg13 : memref<!tpu.dma_semaphore, #tpu.memory_space<semaphore_mem>>)
      %dma_start3A_251 = arith.constant 0 : i32
      %dma_start3A_252 = tpu.memref_slice %arg3[%shift_right_arithmetic3A_241, %multiple_of3A_244, %dma_start3A_251] : memref<8x256x256xf32, #tpu.memory_space<hbm>> -> memref<1x8x256xf32, #tpu.memory_space<hbm>>
      %dma_start3A_253 = tpu.memref_squeeze %dma_start3A_252 : memref<1x8x256xf32, #tpu.memory_space<hbm>> -> memref<8x256xf32, #tpu.memory_space<hbm>>
      %dma_start3A_254 = arith.constant 0 : i32
      %dma_start3A_255 = tpu.memref_slice %arg3[%shift_right_arithmetic3A_241, %multiple_of3A_244, %dma_start3A_254] : memref<8x256x256xf32, #tpu.memory_space<hbm>> -> memref<1x8x256xf32, #tpu.memory_space<hbm>>
      %dma_start3A_256 = tpu.memref_squeeze %dma_start3A_255 : memref<1x8x256xf32, #tpu.memory_space<hbm>> -> memref<8x256xf32, #tpu.memory_space<hbm>>
      tpu.enqueue_dma source(%dma_start3A_256 : memref<8x256xf32, #tpu.memory_space<hbm>>) target(%arg9 : memref<8x256xf32, #tpu.memory_space<vmem>>) target_semaphore(%arg13 : memref<!tpu.dma_semaphore, #tpu.memory_space<semaphore_mem>>)
      %mul3A_257 = arith.constant 2 : i32
      %mul3A_258 = arith.muli %scan3A_102, %mul3A_257 : i32
      %add3A_259 = arith.constant 1 : i32
      %add3A_260 = arith.addi %mul3A_258, %add3A_259 : i32
      %mul3A_261 = arith.constant 8 : i32
      %mul3A_262 = arith.muli %add3A_260, %mul3A_261 : i32
      %add3A_263 = arith.addi %mul3A_2, %mul3A_262 : i32
      %min3A_264 = arith.constant 2040 : i32
      %min3A_265 = arith.minsi %add3A_263, %min3A_264 : i32
      %shift_right_arithmetic3A_266 = arith.constant 8 : i32
      %shift_right_arithmetic3A_267 = arith.shrsi %min3A_265, %shift_right_arithmetic3A_266 : i32
      %and3A_268 = arith.constant 255 : i32
      %and3A_269 = arith.andi %min3A_265, %and3A_268 : i32
      %multiple_of3A_270 = tpu.assume_multiple %and3A_269, 8 : i32
      %dma_wait3A_271 = arith.constant 0 : i32
      %dma_wait3A_272 = tpu.memref_slice %arg2[%shift_right_arithmetic3A_267, %multiple_of3A_270, %dma_wait3A_271] : memref<8x256x256xi32, #tpu.memory_space<hbm>> -> memref<1x8x256xi32, #tpu.memory_space<hbm>>
      %dma_wait3A_273 = tpu.memref_squeeze %dma_wait3A_272 : memref<1x8x256xi32, #tpu.memory_space<hbm>> -> memref<8x256xi32, #tpu.memory_space<hbm>>
      %dma_wait3A_274 = arith.constant 0 : i32
      %dma_wait3A_275 = tpu.memref_slice %arg2[%shift_right_arithmetic3A_267, %multiple_of3A_270, %dma_wait3A_274] : memref<8x256x256xi32, #tpu.memory_space<hbm>> -> memref<1x8x256xi32, #tpu.memory_space<hbm>>
      %dma_wait3A_276 = tpu.memref_squeeze %dma_wait3A_275 : memref<1x8x256xi32, #tpu.memory_space<hbm>> -> memref<8x256xi32, #tpu.memory_space<hbm>>
      tpu.wait_dma2 semaphore(%arg14 : memref<!tpu.dma_semaphore, #tpu.memory_space<semaphore_mem>>) src(%dma_wait3A_276 : memref<8x256xi32, #tpu.memory_space<hbm>>) dst(%arg8 : memref<8x256xi32, #tpu.memory_space<vmem>>)
      %dma_wait3A_277 = arith.constant 0 : i32
      %dma_wait3A_278 = tpu.memref_slice %arg3[%shift_right_arithmetic3A_267, %multiple_of3A_270, %dma_wait3A_277] : memref<8x256x256xf32, #tpu.memory_space<hbm>> -> memref<1x8x256xf32, #tpu.memory_space<hbm>>
      %dma_wait3A_279 = tpu.memref_squeeze %dma_wait3A_278 : memref<1x8x256xf32, #tpu.memory_space<hbm>> -> memref<8x256xf32, #tpu.memory_space<hbm>>
      %dma_wait3A_280 = arith.constant 0 : i32
      %dma_wait3A_281 = tpu.memref_slice %arg3[%shift_right_arithmetic3A_267, %multiple_of3A_270, %dma_wait3A_280] : memref<8x256x256xf32, #tpu.memory_space<hbm>> -> memref<1x8x256xf32, #tpu.memory_space<hbm>>
      %dma_wait3A_282 = tpu.memref_squeeze %dma_wait3A_281 : memref<1x8x256xf32, #tpu.memory_space<hbm>> -> memref<8x256xf32, #tpu.memory_space<hbm>>
      tpu.wait_dma2 semaphore(%arg14 : memref<!tpu.dma_semaphore, #tpu.memory_space<semaphore_mem>>) src(%dma_wait3A_282 : memref<8x256xf32, #tpu.memory_space<hbm>>) dst(%arg10 : memref<8x256xf32, #tpu.memory_space<vmem>>)
      %mul3A_283 = arith.constant 4 : i32
      %mul3A_284 = arith.muli %add3A_260, %mul3A_283 : i32
      %add3A_285 = arith.constant 0 : i32
      %add3A_286 = arith.addi %mul3A_284, %add3A_285 : i32
      %sub3A_287 = arith.constant 2 : i32
      %sub3A_288 = arith.subi %add3A_286, %sub3A_287 : i32
      %mul3A_289 = arith.constant 2 : i32
      %mul3A_290 = arith.muli %sub3A_288, %mul3A_289 : i32
      %add3A_291 = arith.addi %mul3A_2, %mul3A_290 : i32
      %mul3A_292 = arith.constant 64 : i32
      %mul3A_293 = arith.muli %add3A_291, %mul3A_292 : i32
      %dma_wait3A_294 = arith.constant 0 : i32
      %dma_wait3A_295 = tpu.memref_slice %arg5[%mul3A_293, %dma_wait3A_294] : memref<131072x256xf32, #tpu.memory_space<hbm>> -> memref<128x256xf32, #tpu.memory_space<hbm>>
      %dma_wait3A_296 = arith.constant 0 : i32
      %dma_wait3A_297 = tpu.memref_slice %arg5[%mul3A_293, %dma_wait3A_296] : memref<131072x256xf32, #tpu.memory_space<hbm>> -> memref<128x256xf32, #tpu.memory_space<hbm>>
      tpu.wait_dma2 semaphore(%arg15 : memref<!tpu.dma_semaphore, #tpu.memory_space<semaphore_mem>>) src(%arg11 : memref<128x256xf32, #tpu.memory_space<vmem>>) dst(%dma_wait3A_297 : memref<128x256xf32, #tpu.memory_space<hbm>>)
      %scan3A_298 = arith.constant 0 : i32
      %scan3A_299 = arith.constant 0 : i32
      %scan3A_300 = arith.constant 32 : i32
      %scan3A_301 = arith.addi %scan3A_299, %scan3A_300 : i32
      %scan3A_302 = arith.constant 1 : i32
      scf.for %scan3A_427 = %scan3A_299 to %scan3A_301 step %scan3A_302  : i32 {
        %shift_right_arithmetic3A_428 = arith.constant 4 : i32
        %shift_right_arithmetic3A_429 = arith.shrsi %scan3A_427, %shift_right_arithmetic3A_428 : i32
        %and3A_430 = arith.constant 15 : i32
        %and3A_431 = arith.andi %scan3A_427, %and3A_430 : i32
        %shift_left3A = arith.constant 4 : i32
        %shift_left3A_432 = arith.shli %and3A_431, %shift_left3A : i32
        %add3A_433 = arith.constant 0 : i32
        %add3A_434 = arith.addi %add3A_433, %shift_right_arithmetic3A_429 : i32
        %get3A = arith.index_cast %add3A_434 : i32 to index
        %get3A_435 = arith.index_cast %shift_left3A_432 : i32 to index
        %get3A_436 = tpu.vector_load %arg8[%get3A, %get3A_435] {strides = array<i32>} : memref<8x256xi32, #tpu.memory_space<vmem>>, vector<16xi32>,
        %add3A_437 = arith.constant 0 : i32
        %add3A_438 = arith.addi %add3A_437, %shift_right_arithmetic3A_429 : i32
        %get3A_439 = arith.index_cast %add3A_438 : i32 to index
        %get3A_440 = arith.index_cast %shift_left3A_432 : i32 to index
        %get3A_441 = tpu.vector_load %arg10[%get3A_439, %get3A_440] {strides = array<i32>} : memref<8x256xf32, #tpu.memory_space<vmem>>, vector<16xf32>,
        %mul3A_442 = arith.constant 64 : i32
        %mul3A_443 = vector.broadcast %mul3A_442 : i32 to vector<16xi32>
        %mul3A_444 = arith.muli %get3A_436, %mul3A_443 : vector<16xi32>
        %iota3A = tpu.iota {dimensions = array<i32: 0>} : vector<16xi32>
        %add3A_445 = vector.broadcast %shift_left3A_432 : i32 to vector<16xi32>
        %add3A_446 = arith.addi %iota3A, %add3A_445 : vector<16xi32>
        %mul3A_447 = arith.constant 64 : i32
        %mul3A_448 = arith.muli %shift_right_arithmetic3A_429, %mul3A_447 : i32
        %parallel_loop3A = arith.constant 0 : i32
        %parallel_loop3A_449 = arith.constant 16 : i32
        %parallel_loop3A_450 = arith.constant 1 : i32
        scf.for %parallel_loop3A_451 = %parallel_loop3A to %parallel_loop3A_449 step %parallel_loop3A_450  : i32 {
          %parallel_loop3A_452 = vector.broadcast %parallel_loop3A_451 : i32 to vector<16xi32>
          %parallel_loop3A_453 = arith.addi %iota3A, %parallel_loop3A_452 : vector<16xi32>
          %parallel_loop3A_454 = arith.constant 15 : i32
          %parallel_loop3A_455 = vector.broadcast %parallel_loop3A_454 : i32 to vector<16xi32>
          %parallel_loop3A_456 = arith.andi %parallel_loop3A_453, %parallel_loop3A_455 : vector<16xi32>
          %parallel_loop3A_457 = arith.addi %mul3A_444, %parallel_loop3A_456 : vector<16xi32>
          %parallel_loop3A_458 = vector.broadcast %mul3A_448 : i32 to vector<16xi32>
          %parallel_loop3A_459 = arith.addi %parallel_loop3A_456, %parallel_loop3A_458 : vector<16xi32>
          %parallel_loop3A_460 = arith.constant 0 : i32
          %parallel_loop3A_461 = vector.broadcast %parallel_loop3A_460 : i32 to vector<16xi32>
          %parallel_loop3A_462 = arith.addi %parallel_loop3A_457, %parallel_loop3A_461 : vector<16xi32>
          %parallel_loop3A_463 = tpu.vector_load_idx %arg6[%parallel_loop3A_462] : memref<3200xf32, #tpu.memory_space<vmem>>[vector<16xi32>], vector<16xf32>,
          %parallel_loop3A_464 = arith.constant 0 : i32
          %parallel_loop3A_465 = vector.broadcast %parallel_loop3A_464 : i32 to vector<16xi32>
          %parallel_loop3A_466 = arith.addi %parallel_loop3A_459, %parallel_loop3A_465 : vector<16xi32>
          %parallel_loop3A_467 = arith.mulf %parallel_loop3A_463, %get3A_441 : vector<16xf32>
          tpu.vector_store_idx %arg11[%parallel_loop3A_466, %add3A_446], %parallel_loop3A_467 : memref<128x256xf32, #tpu.memory_space<vmem>>[vector<16xi32>, vector<16xi32>], vector<16xf32>,
          %parallel_loop3A_468 = arith.constant 16 : i32
          %parallel_loop3A_469 = vector.broadcast %parallel_loop3A_468 : i32 to vector<16xi32>
          %parallel_loop3A_470 = arith.addi %parallel_loop3A_457, %parallel_loop3A_469 : vector<16xi32>
          %parallel_loop3A_471 = tpu.vector_load_idx %arg6[%parallel_loop3A_470] : memref<3200xf32, #tpu.memory_space<vmem>>[vector<16xi32>], vector<16xf32>,
          %parallel_loop3A_472 = arith.constant 16 : i32
          %parallel_loop3A_473 = vector.broadcast %parallel_loop3A_472 : i32 to vector<16xi32>
          %parallel_loop3A_474 = arith.addi %parallel_loop3A_459, %parallel_loop3A_473 : vector<16xi32>
          %parallel_loop3A_475 = arith.mulf %parallel_loop3A_471, %get3A_441 : vector<16xf32>
          tpu.vector_store_idx %arg11[%parallel_loop3A_474, %add3A_446], %parallel_loop3A_475 : memref<128x256xf32, #tpu.memory_space<vmem>>[vector<16xi32>, vector<16xi32>], vector<16xf32>,
          %parallel_loop3A_476 = arith.constant 32 : i32
          %parallel_loop3A_477 = vector.broadcast %parallel_loop3A_476 : i32 to vector<16xi32>
          %parallel_loop3A_478 = arith.addi %parallel_loop3A_457, %parallel_loop3A_477 : vector<16xi32>
          %parallel_loop3A_479 = tpu.vector_load_idx %arg6[%parallel_loop3A_478] : memref<3200xf32, #tpu.memory_space<vmem>>[vector<16xi32>], vector<16xf32>,
          %parallel_loop3A_480 = arith.constant 32 : i32
          %parallel_loop3A_481 = vector.broadcast %parallel_loop3A_480 : i32 to vector<16xi32>
          %parallel_loop3A_482 = arith.addi %parallel_loop3A_459, %parallel_loop3A_481 : vector<16xi32>
          %parallel_loop3A_483 = arith.mulf %parallel_loop3A_479, %get3A_441 : vector<16xf32>
          tpu.vector_store_idx %arg11[%parallel_loop3A_482, %add3A_446], %parallel_loop3A_483 : memref<128x256xf32, #tpu.memory_space<vmem>>[vector<16xi32>, vector<16xi32>], vector<16xf32>,
          %parallel_loop3A_484 = arith.constant 48 : i32
          %parallel_loop3A_485 = vector.broadcast %parallel_loop3A_484 : i32 to vector<16xi32>
          %parallel_loop3A_486 = arith.addi %parallel_loop3A_457, %parallel_loop3A_485 : vector<16xi32>
          %parallel_loop3A_487 = tpu.vector_load_idx %arg6[%parallel_loop3A_486] : memref<3200xf32, #tpu.memory_space<vmem>>[vector<16xi32>], vector<16xf32>,
          %parallel_loop3A_488 = arith.constant 48 : i32
          %parallel_loop3A_489 = vector.broadcast %parallel_loop3A_488 : i32 to vector<16xi32>
          %parallel_loop3A_490 = arith.addi %parallel_loop3A_459, %parallel_loop3A_489 : vector<16xi32>
          %parallel_loop3A_491 = arith.mulf %parallel_loop3A_487, %get3A_441 : vector<16xf32>
          tpu.vector_store_idx %arg11[%parallel_loop3A_490, %add3A_446], %parallel_loop3A_491 : memref<128x256xf32, #tpu.memory_space<vmem>>[vector<16xi32>, vector<16xi32>], vector<16xf32>,
        } {sc.loop_unroll_factor = 4 : i64, sc.parallel_access}
      }
      %scan3A_303 = arith.constant 32 : i32
      %mul3A_304 = arith.constant 2 : i32
      %mul3A_305 = arith.muli %add3A_286, %mul3A_304 : i32
      %add3A_306 = arith.addi %mul3A_2, %mul3A_305 : i32
      %mul3A_307 = arith.constant 64 : i32
      %mul3A_308 = arith.muli %add3A_306, %mul3A_307 : i32
      %dma_start3A_309 = arith.constant 0 : i32
      %dma_start3A_310 = tpu.memref_slice %arg5[%mul3A_308, %dma_start3A_309] : memref<131072x256xf32, #tpu.memory_space<hbm>> -> memref<128x256xf32, #tpu.memory_space<hbm>>
      %dma_start3A_311 = arith.constant 0 : i32
      %dma_start3A_312 = tpu.memref_slice %arg5[%mul3A_308, %dma_start3A_311] : memref<131072x256xf32, #tpu.memory_space<hbm>> -> memref<128x256xf32, #tpu.memory_space<hbm>>
      tpu.enqueue_dma source(%arg11 : memref<128x256xf32, #tpu.memory_space<vmem>>) target(%dma_start3A_312 : memref<128x256xf32, #tpu.memory_space<hbm>>) target_semaphore(%arg15 : memref<!tpu.dma_semaphore, #tpu.memory_space<semaphore_mem>>)
      %mul3A_313 = arith.constant 4 : i32
      %mul3A_314 = arith.muli %add3A_260, %mul3A_313 : i32
      %add3A_315 = arith.constant 1 : i32
      %add3A_316 = arith.addi %mul3A_314, %add3A_315 : i32
      %sub3A_317 = arith.constant 2 : i32
      %sub3A_318 = arith.subi %add3A_316, %sub3A_317 : i32
      %mul3A_319 = arith.constant 2 : i32
      %mul3A_320 = arith.muli %sub3A_318, %mul3A_319 : i32
      %add3A_321 = arith.addi %mul3A_2, %mul3A_320 : i32
      %mul3A_322 = arith.constant 64 : i32
      %mul3A_323 = arith.muli %add3A_321, %mul3A_322 : i32
      %dma_wait3A_324 = arith.constant 0 : i32
      %dma_wait3A_325 = tpu.memref_slice %arg5[%mul3A_323, %dma_wait3A_324] : memref<131072x256xf32, #tpu.memory_space<hbm>> -> memref<128x256xf32, #tpu.memory_space<hbm>>
      %dma_wait3A_326 = arith.constant 0 : i32
      %dma_wait3A_327 = tpu.memref_slice %arg5[%mul3A_323, %dma_wait3A_326] : memref<131072x256xf32, #tpu.memory_space<hbm>> -> memref<128x256xf32, #tpu.memory_space<hbm>>
      tpu.wait_dma2 semaphore(%arg16 : memref<!tpu.dma_semaphore, #tpu.memory_space<semaphore_mem>>) src(%arg12 : memref<128x256xf32, #tpu.memory_space<vmem>>) dst(%dma_wait3A_327 : memref<128x256xf32, #tpu.memory_space<hbm>>)
      %scan3A_328 = arith.constant 0 : i32
      %scan3A_329 = arith.constant 0 : i32
      %scan3A_330 = arith.constant 32 : i32
      %scan3A_331 = arith.addi %scan3A_329, %scan3A_330 : i32
      %scan3A_332 = arith.constant 1 : i32
      scf.for %scan3A_427 = %scan3A_329 to %scan3A_331 step %scan3A_332  : i32 {
        %shift_right_arithmetic3A_428 = arith.constant 4 : i32
        %shift_right_arithmetic3A_429 = arith.shrsi %scan3A_427, %shift_right_arithmetic3A_428 : i32
        %and3A_430 = arith.constant 15 : i32
        %and3A_431 = arith.andi %scan3A_427, %and3A_430 : i32
        %shift_left3A = arith.constant 4 : i32
        %shift_left3A_432 = arith.shli %and3A_431, %shift_left3A : i32
        %add3A_433 = arith.constant 2 : i32
        %add3A_434 = arith.addi %add3A_433, %shift_right_arithmetic3A_429 : i32
        %get3A = arith.index_cast %add3A_434 : i32 to index
        %get3A_435 = arith.index_cast %shift_left3A_432 : i32 to index
        %get3A_436 = tpu.vector_load %arg8[%get3A, %get3A_435] {strides = array<i32>} : memref<8x256xi32, #tpu.memory_space<vmem>>, vector<16xi32>,
        %add3A_437 = arith.constant 2 : i32
        %add3A_438 = arith.addi %add3A_437, %shift_right_arithmetic3A_429 : i32
        %get3A_439 = arith.index_cast %add3A_438 : i32 to index
        %get3A_440 = arith.index_cast %shift_left3A_432 : i32 to index
        %get3A_441 = tpu.vector_load %arg10[%get3A_439, %get3A_440] {strides = array<i32>} : memref<8x256xf32, #tpu.memory_space<vmem>>, vector<16xf32>,
        %mul3A_442 = arith.constant 64 : i32
        %mul3A_443 = vector.broadcast %mul3A_442 : i32 to vector<16xi32>
        %mul3A_444 = arith.muli %get3A_436, %mul3A_443 : vector<16xi32>
        %iota3A = tpu.iota {dimensions = array<i32: 0>} : vector<16xi32>
        %add3A_445 = vector.broadcast %shift_left3A_432 : i32 to vector<16xi32>
        %add3A_446 = arith.addi %iota3A, %add3A_445 : vector<16xi32>
        %mul3A_447 = arith.constant 64 : i32
        %mul3A_448 = arith.muli %shift_right_arithmetic3A_429, %mul3A_447 : i32
        %parallel_loop3A = arith.constant 0 : i32
        %parallel_loop3A_449 = arith.constant 16 : i32
        %parallel_loop3A_450 = arith.constant 1 : i32
        scf.for %parallel_loop3A_451 = %parallel_loop3A to %parallel_loop3A_449 step %parallel_loop3A_450  : i32 {
          %parallel_loop3A_452 = vector.broadcast %parallel_loop3A_451 : i32 to vector<16xi32>
          %parallel_loop3A_453 = arith.addi %iota3A, %parallel_loop3A_452 : vector<16xi32>
          %parallel_loop3A_454 = arith.constant 15 : i32
          %parallel_loop3A_455 = vector.broadcast %parallel_loop3A_454 : i32 to vector<16xi32>
          %parallel_loop3A_456 = arith.andi %parallel_loop3A_453, %parallel_loop3A_455 : vector<16xi32>
          %parallel_loop3A_457 = arith.addi %mul3A_444, %parallel_loop3A_456 : vector<16xi32>
          %parallel_loop3A_458 = vector.broadcast %mul3A_448 : i32 to vector<16xi32>
          %parallel_loop3A_459 = arith.addi %parallel_loop3A_456, %parallel_loop3A_458 : vector<16xi32>
          %parallel_loop3A_460 = arith.constant 0 : i32
          %parallel_loop3A_461 = vector.broadcast %parallel_loop3A_460 : i32 to vector<16xi32>
          %parallel_loop3A_462 = arith.addi %parallel_loop3A_457, %parallel_loop3A_461 : vector<16xi32>
          %parallel_loop3A_463 = tpu.vector_load_idx %arg6[%parallel_loop3A_462] : memref<3200xf32, #tpu.memory_space<vmem>>[vector<16xi32>], vector<16xf32>,
          %parallel_loop3A_464 = arith.constant 0 : i32
          %parallel_loop3A_465 = vector.broadcast %parallel_loop3A_464 : i32 to vector<16xi32>
          %parallel_loop3A_466 = arith.addi %parallel_loop3A_459, %parallel_loop3A_465 : vector<16xi32>
          %parallel_loop3A_467 = arith.mulf %parallel_loop3A_463, %get3A_441 : vector<16xf32>
          tpu.vector_store_idx %arg12[%parallel_loop3A_466, %add3A_446], %parallel_loop3A_467 : memref<128x256xf32, #tpu.memory_space<vmem>>[vector<16xi32>, vector<16xi32>], vector<16xf32>,
          %parallel_loop3A_468 = arith.constant 16 : i32
          %parallel_loop3A_469 = vector.broadcast %parallel_loop3A_468 : i32 to vector<16xi32>
          %parallel_loop3A_470 = arith.addi %parallel_loop3A_457, %parallel_loop3A_469 : vector<16xi32>
          %parallel_loop3A_471 = tpu.vector_load_idx %arg6[%parallel_loop3A_470] : memref<3200xf32, #tpu.memory_space<vmem>>[vector<16xi32>], vector<16xf32>,
          %parallel_loop3A_472 = arith.constant 16 : i32
          %parallel_loop3A_473 = vector.broadcast %parallel_loop3A_472 : i32 to vector<16xi32>
          %parallel_loop3A_474 = arith.addi %parallel_loop3A_459, %parallel_loop3A_473 : vector<16xi32>
          %parallel_loop3A_475 = arith.mulf %parallel_loop3A_471, %get3A_441 : vector<16xf32>
          tpu.vector_store_idx %arg12[%parallel_loop3A_474, %add3A_446], %parallel_loop3A_475 : memref<128x256xf32, #tpu.memory_space<vmem>>[vector<16xi32>, vector<16xi32>], vector<16xf32>,
          %parallel_loop3A_476 = arith.constant 32 : i32
          %parallel_loop3A_477 = vector.broadcast %parallel_loop3A_476 : i32 to vector<16xi32>
          %parallel_loop3A_478 = arith.addi %parallel_loop3A_457, %parallel_loop3A_477 : vector<16xi32>
          %parallel_loop3A_479 = tpu.vector_load_idx %arg6[%parallel_loop3A_478] : memref<3200xf32, #tpu.memory_space<vmem>>[vector<16xi32>], vector<16xf32>,
          %parallel_loop3A_480 = arith.constant 32 : i32
          %parallel_loop3A_481 = vector.broadcast %parallel_loop3A_480 : i32 to vector<16xi32>
          %parallel_loop3A_482 = arith.addi %parallel_loop3A_459, %parallel_loop3A_481 : vector<16xi32>
          %parallel_loop3A_483 = arith.mulf %parallel_loop3A_479, %get3A_441 : vector<16xf32>
          tpu.vector_store_idx %arg12[%parallel_loop3A_482, %add3A_446], %parallel_loop3A_483 : memref<128x256xf32, #tpu.memory_space<vmem>>[vector<16xi32>, vector<16xi32>], vector<16xf32>,
          %parallel_loop3A_484 = arith.constant 48 : i32
          %parallel_loop3A_485 = vector.broadcast %parallel_loop3A_484 : i32 to vector<16xi32>
          %parallel_loop3A_486 = arith.addi %parallel_loop3A_457, %parallel_loop3A_485 : vector<16xi32>
          %parallel_loop3A_487 = tpu.vector_load_idx %arg6[%parallel_loop3A_486] : memref<3200xf32, #tpu.memory_space<vmem>>[vector<16xi32>], vector<16xf32>,
          %parallel_loop3A_488 = arith.constant 48 : i32
          %parallel_loop3A_489 = vector.broadcast %parallel_loop3A_488 : i32 to vector<16xi32>
          %parallel_loop3A_490 = arith.addi %parallel_loop3A_459, %parallel_loop3A_489 : vector<16xi32>
          %parallel_loop3A_491 = arith.mulf %parallel_loop3A_487, %get3A_441 : vector<16xf32>
          tpu.vector_store_idx %arg12[%parallel_loop3A_490, %add3A_446], %parallel_loop3A_491 : memref<128x256xf32, #tpu.memory_space<vmem>>[vector<16xi32>, vector<16xi32>], vector<16xf32>,
        } {sc.loop_unroll_factor = 4 : i64, sc.parallel_access}
      }
      %scan3A_333 = arith.constant 32 : i32
      %mul3A_334 = arith.constant 2 : i32
      %mul3A_335 = arith.muli %add3A_316, %mul3A_334 : i32
      %add3A_336 = arith.addi %mul3A_2, %mul3A_335 : i32
      %mul3A_337 = arith.constant 64 : i32
      %mul3A_338 = arith.muli %add3A_336, %mul3A_337 : i32
      %dma_start3A_339 = arith.constant 0 : i32
      %dma_start3A_340 = tpu.memref_slice %arg5[%mul3A_338, %dma_start3A_339] : memref<131072x256xf32, #tpu.memory_space<hbm>> -> memref<128x256xf32, #tpu.memory_space<hbm>>
      %dma_start3A_341 = arith.constant 0 : i32
      %dma_start3A_342 = tpu.memref_slice %arg5[%mul3A_338, %dma_start3A_341] : memref<131072x256xf32, #tpu.memory_space<hbm>> -> memref<128x256xf32, #tpu.memory_space<hbm>>
      tpu.enqueue_dma source(%arg12 : memref<128x256xf32, #tpu.memory_space<vmem>>) target(%dma_start3A_342 : memref<128x256xf32, #tpu.memory_space<hbm>>) target_semaphore(%arg16 : memref<!tpu.dma_semaphore, #tpu.memory_space<semaphore_mem>>)
      %mul3A_343 = arith.constant 4 : i32
      %mul3A_344 = arith.muli %add3A_260, %mul3A_343 : i32
      %add3A_345 = arith.constant 2 : i32
      %add3A_346 = arith.addi %mul3A_344, %add3A_345 : i32
      %sub3A_347 = arith.constant 2 : i32
      %sub3A_348 = arith.subi %add3A_346, %sub3A_347 : i32
      %mul3A_349 = arith.constant 2 : i32
      %mul3A_350 = arith.muli %sub3A_348, %mul3A_349 : i32
      %add3A_351 = arith.addi %mul3A_2, %mul3A_350 : i32
      %mul3A_352 = arith.constant 64 : i32
      %mul3A_353 = arith.muli %add3A_351, %mul3A_352 : i32
      %dma_wait3A_354 = arith.constant 0 : i32
      %dma_wait3A_355 = tpu.memref_slice %arg5[%mul3A_353, %dma_wait3A_354] : memref<131072x256xf32, #tpu.memory_space<hbm>> -> memref<128x256xf32, #tpu.memory_space<hbm>>
      %dma_wait3A_356 = arith.constant 0 : i32
      %dma_wait3A_357 = tpu.memref_slice %arg5[%mul3A_353, %dma_wait3A_356] : memref<131072x256xf32, #tpu.memory_space<hbm>> -> memref<128x256xf32, #tpu.memory_space<hbm>>
      tpu.wait_dma2 semaphore(%arg15 : memref<!tpu.dma_semaphore, #tpu.memory_space<semaphore_mem>>) src(%arg11 : memref<128x256xf32, #tpu.memory_space<vmem>>) dst(%dma_wait3A_357 : memref<128x256xf32, #tpu.memory_space<hbm>>)
      %scan3A_358 = arith.constant 0 : i32
      %scan3A_359 = arith.constant 0 : i32
      %scan3A_360 = arith.constant 32 : i32
      %scan3A_361 = arith.addi %scan3A_359, %scan3A_360 : i32
      %scan3A_362 = arith.constant 1 : i32
      scf.for %scan3A_427 = %scan3A_359 to %scan3A_361 step %scan3A_362  : i32 {
        %shift_right_arithmetic3A_428 = arith.constant 4 : i32
        %shift_right_arithmetic3A_429 = arith.shrsi %scan3A_427, %shift_right_arithmetic3A_428 : i32
        %and3A_430 = arith.constant 15 : i32
        %and3A_431 = arith.andi %scan3A_427, %and3A_430 : i32
        %shift_left3A = arith.constant 4 : i32
        %shift_left3A_432 = arith.shli %and3A_431, %shift_left3A : i32
        %add3A_433 = arith.constant 4 : i32
        %add3A_434 = arith.addi %add3A_433, %shift_right_arithmetic3A_429 : i32
        %get3A = arith.index_cast %add3A_434 : i32 to index
        %get3A_435 = arith.index_cast %shift_left3A_432 : i32 to index
        %get3A_436 = tpu.vector_load %arg8[%get3A, %get3A_435] {strides = array<i32>} : memref<8x256xi32, #tpu.memory_space<vmem>>, vector<16xi32>,
        %add3A_437 = arith.constant 4 : i32
        %add3A_438 = arith.addi %add3A_437, %shift_right_arithmetic3A_429 : i32
        %get3A_439 = arith.index_cast %add3A_438 : i32 to index
        %get3A_440 = arith.index_cast %shift_left3A_432 : i32 to index
        %get3A_441 = tpu.vector_load %arg10[%get3A_439, %get3A_440] {strides = array<i32>} : memref<8x256xf32, #tpu.memory_space<vmem>>, vector<16xf32>,
        %mul3A_442 = arith.constant 64 : i32
        %mul3A_443 = vector.broadcast %mul3A_442 : i32 to vector<16xi32>
        %mul3A_444 = arith.muli %get3A_436, %mul3A_443 : vector<16xi32>
        %iota3A = tpu.iota {dimensions = array<i32: 0>} : vector<16xi32>
        %add3A_445 = vector.broadcast %shift_left3A_432 : i32 to vector<16xi32>
        %add3A_446 = arith.addi %iota3A, %add3A_445 : vector<16xi32>
        %mul3A_447 = arith.constant 64 : i32
        %mul3A_448 = arith.muli %shift_right_arithmetic3A_429, %mul3A_447 : i32
        %parallel_loop3A = arith.constant 0 : i32
        %parallel_loop3A_449 = arith.constant 16 : i32
        %parallel_loop3A_450 = arith.constant 1 : i32
        scf.for %parallel_loop3A_451 = %parallel_loop3A to %parallel_loop3A_449 step %parallel_loop3A_450  : i32 {
          %parallel_loop3A_452 = vector.broadcast %parallel_loop3A_451 : i32 to vector<16xi32>
          %parallel_loop3A_453 = arith.addi %iota3A, %parallel_loop3A_452 : vector<16xi32>
          %parallel_loop3A_454 = arith.constant 15 : i32
          %parallel_loop3A_455 = vector.broadcast %parallel_loop3A_454 : i32 to vector<16xi32>
          %parallel_loop3A_456 = arith.andi %parallel_loop3A_453, %parallel_loop3A_455 : vector<16xi32>
          %parallel_loop3A_457 = arith.addi %mul3A_444, %parallel_loop3A_456 : vector<16xi32>
          %parallel_loop3A_458 = vector.broadcast %mul3A_448 : i32 to vector<16xi32>
          %parallel_loop3A_459 = arith.addi %parallel_loop3A_456, %parallel_loop3A_458 : vector<16xi32>
          %parallel_loop3A_460 = arith.constant 0 : i32
          %parallel_loop3A_461 = vector.broadcast %parallel_loop3A_460 : i32 to vector<16xi32>
          %parallel_loop3A_462 = arith.addi %parallel_loop3A_457, %parallel_loop3A_461 : vector<16xi32>
          %parallel_loop3A_463 = tpu.vector_load_idx %arg6[%parallel_loop3A_462] : memref<3200xf32, #tpu.memory_space<vmem>>[vector<16xi32>], vector<16xf32>,
          %parallel_loop3A_464 = arith.constant 0 : i32
          %parallel_loop3A_465 = vector.broadcast %parallel_loop3A_464 : i32 to vector<16xi32>
          %parallel_loop3A_466 = arith.addi %parallel_loop3A_459, %parallel_loop3A_465 : vector<16xi32>
          %parallel_loop3A_467 = arith.mulf %parallel_loop3A_463, %get3A_441 : vector<16xf32>
          tpu.vector_store_idx %arg11[%parallel_loop3A_466, %add3A_446], %parallel_loop3A_467 : memref<128x256xf32, #tpu.memory_space<vmem>>[vector<16xi32>, vector<16xi32>], vector<16xf32>,
          %parallel_loop3A_468 = arith.constant 16 : i32
          %parallel_loop3A_469 = vector.broadcast %parallel_loop3A_468 : i32 to vector<16xi32>
          %parallel_loop3A_470 = arith.addi %parallel_loop3A_457, %parallel_loop3A_469 : vector<16xi32>
          %parallel_loop3A_471 = tpu.vector_load_idx %arg6[%parallel_loop3A_470] : memref<3200xf32, #tpu.memory_space<vmem>>[vector<16xi32>], vector<16xf32>,
          %parallel_loop3A_472 = arith.constant 16 : i32
          %parallel_loop3A_473 = vector.broadcast %parallel_loop3A_472 : i32 to vector<16xi32>
          %parallel_loop3A_474 = arith.addi %parallel_loop3A_459, %parallel_loop3A_473 : vector<16xi32>
          %parallel_loop3A_475 = arith.mulf %parallel_loop3A_471, %get3A_441 : vector<16xf32>
          tpu.vector_store_idx %arg11[%parallel_loop3A_474, %add3A_446], %parallel_loop3A_475 : memref<128x256xf32, #tpu.memory_space<vmem>>[vector<16xi32>, vector<16xi32>], vector<16xf32>,
          %parallel_loop3A_476 = arith.constant 32 : i32
          %parallel_loop3A_477 = vector.broadcast %parallel_loop3A_476 : i32 to vector<16xi32>
          %parallel_loop3A_478 = arith.addi %parallel_loop3A_457, %parallel_loop3A_477 : vector<16xi32>
          %parallel_loop3A_479 = tpu.vector_load_idx %arg6[%parallel_loop3A_478] : memref<3200xf32, #tpu.memory_space<vmem>>[vector<16xi32>], vector<16xf32>,
          %parallel_loop3A_480 = arith.constant 32 : i32
          %parallel_loop3A_481 = vector.broadcast %parallel_loop3A_480 : i32 to vector<16xi32>
          %parallel_loop3A_482 = arith.addi %parallel_loop3A_459, %parallel_loop3A_481 : vector<16xi32>
          %parallel_loop3A_483 = arith.mulf %parallel_loop3A_479, %get3A_441 : vector<16xf32>
          tpu.vector_store_idx %arg11[%parallel_loop3A_482, %add3A_446], %parallel_loop3A_483 : memref<128x256xf32, #tpu.memory_space<vmem>>[vector<16xi32>, vector<16xi32>], vector<16xf32>,
          %parallel_loop3A_484 = arith.constant 48 : i32
          %parallel_loop3A_485 = vector.broadcast %parallel_loop3A_484 : i32 to vector<16xi32>
          %parallel_loop3A_486 = arith.addi %parallel_loop3A_457, %parallel_loop3A_485 : vector<16xi32>
          %parallel_loop3A_487 = tpu.vector_load_idx %arg6[%parallel_loop3A_486] : memref<3200xf32, #tpu.memory_space<vmem>>[vector<16xi32>], vector<16xf32>,
          %parallel_loop3A_488 = arith.constant 48 : i32
          %parallel_loop3A_489 = vector.broadcast %parallel_loop3A_488 : i32 to vector<16xi32>
          %parallel_loop3A_490 = arith.addi %parallel_loop3A_459, %parallel_loop3A_489 : vector<16xi32>
          %parallel_loop3A_491 = arith.mulf %parallel_loop3A_487, %get3A_441 : vector<16xf32>
          tpu.vector_store_idx %arg11[%parallel_loop3A_490, %add3A_446], %parallel_loop3A_491 : memref<128x256xf32, #tpu.memory_space<vmem>>[vector<16xi32>, vector<16xi32>], vector<16xf32>,
        } {sc.loop_unroll_factor = 4 : i64, sc.parallel_access}
      }
      %scan3A_363 = arith.constant 32 : i32
      %mul3A_364 = arith.constant 2 : i32
      %mul3A_365 = arith.muli %add3A_346, %mul3A_364 : i32
      %add3A_366 = arith.addi %mul3A_2, %mul3A_365 : i32
      %mul3A_367 = arith.constant 64 : i32
      %mul3A_368 = arith.muli %add3A_366, %mul3A_367 : i32
      %dma_start3A_369 = arith.constant 0 : i32
      %dma_start3A_370 = tpu.memref_slice %arg5[%mul3A_368, %dma_start3A_369] : memref<131072x256xf32, #tpu.memory_space<hbm>> -> memref<128x256xf32, #tpu.memory_space<hbm>>
      %dma_start3A_371 = arith.constant 0 : i32
      %dma_start3A_372 = tpu.memref_slice %arg5[%mul3A_368, %dma_start3A_371] : memref<131072x256xf32, #tpu.memory_space<hbm>> -> memref<128x256xf32, #tpu.memory_space<hbm>>
      tpu.enqueue_dma source(%arg11 : memref<128x256xf32, #tpu.memory_space<vmem>>) target(%dma_start3A_372 : memref<128x256xf32, #tpu.memory_space<hbm>>) target_semaphore(%arg15 : memref<!tpu.dma_semaphore, #tpu.memory_space<semaphore_mem>>)
      %mul3A_373 = arith.constant 4 : i32
      %mul3A_374 = arith.muli %add3A_260, %mul3A_373 : i32
      %add3A_375 = arith.constant 3 : i32
      %add3A_376 = arith.addi %mul3A_374, %add3A_375 : i32
      %sub3A_377 = arith.constant 2 : i32
      %sub3A_378 = arith.subi %add3A_376, %sub3A_377 : i32
      %mul3A_379 = arith.constant 2 : i32
      %mul3A_380 = arith.muli %sub3A_378, %mul3A_379 : i32
      %add3A_381 = arith.addi %mul3A_2, %mul3A_380 : i32
      %mul3A_382 = arith.constant 64 : i32
      %mul3A_383 = arith.muli %add3A_381, %mul3A_382 : i32
      %dma_wait3A_384 = arith.constant 0 : i32
      %dma_wait3A_385 = tpu.memref_slice %arg5[%mul3A_383, %dma_wait3A_384] : memref<131072x256xf32, #tpu.memory_space<hbm>> -> memref<128x256xf32, #tpu.memory_space<hbm>>
      %dma_wait3A_386 = arith.constant 0 : i32
      %dma_wait3A_387 = tpu.memref_slice %arg5[%mul3A_383, %dma_wait3A_386] : memref<131072x256xf32, #tpu.memory_space<hbm>> -> memref<128x256xf32, #tpu.memory_space<hbm>>
      tpu.wait_dma2 semaphore(%arg16 : memref<!tpu.dma_semaphore, #tpu.memory_space<semaphore_mem>>) src(%arg12 : memref<128x256xf32, #tpu.memory_space<vmem>>) dst(%dma_wait3A_387 : memref<128x256xf32, #tpu.memory_space<hbm>>)
      %scan3A_388 = arith.constant 0 : i32
      %scan3A_389 = arith.constant 0 : i32
      %scan3A_390 = arith.constant 32 : i32
      %scan3A_391 = arith.addi %scan3A_389, %scan3A_390 : i32
      %scan3A_392 = arith.constant 1 : i32
      scf.for %scan3A_427 = %scan3A_389 to %scan3A_391 step %scan3A_392  : i32 {
        %shift_right_arithmetic3A_428 = arith.constant 4 : i32
        %shift_right_arithmetic3A_429 = arith.shrsi %scan3A_427, %shift_right_arithmetic3A_428 : i32
        %and3A_430 = arith.constant 15 : i32
        %and3A_431 = arith.andi %scan3A_427, %and3A_430 : i32
        %shift_left3A = arith.constant 4 : i32
        %shift_left3A_432 = arith.shli %and3A_431, %shift_left3A : i32
        %add3A_433 = arith.constant 6 : i32
        %add3A_434 = arith.addi %add3A_433, %shift_right_arithmetic3A_429 : i32
        %get3A = arith.index_cast %add3A_434 : i32 to index
        %get3A_435 = arith.index_cast %shift_left3A_432 : i32 to index
        %get3A_436 = tpu.vector_load %arg8[%get3A, %get3A_435] {strides = array<i32>} : memref<8x256xi32, #tpu.memory_space<vmem>>, vector<16xi32>,
        %add3A_437 = arith.constant 6 : i32
        %add3A_438 = arith.addi %add3A_437, %shift_right_arithmetic3A_429 : i32
        %get3A_439 = arith.index_cast %add3A_438 : i32 to index
        %get3A_440 = arith.index_cast %shift_left3A_432 : i32 to index
        %get3A_441 = tpu.vector_load %arg10[%get3A_439, %get3A_440] {strides = array<i32>} : memref<8x256xf32, #tpu.memory_space<vmem>>, vector<16xf32>,
        %mul3A_442 = arith.constant 64 : i32
        %mul3A_443 = vector.broadcast %mul3A_442 : i32 to vector<16xi32>
        %mul3A_444 = arith.muli %get3A_436, %mul3A_443 : vector<16xi32>
        %iota3A = tpu.iota {dimensions = array<i32: 0>} : vector<16xi32>
        %add3A_445 = vector.broadcast %shift_left3A_432 : i32 to vector<16xi32>
        %add3A_446 = arith.addi %iota3A, %add3A_445 : vector<16xi32>
        %mul3A_447 = arith.constant 64 : i32
        %mul3A_448 = arith.muli %shift_right_arithmetic3A_429, %mul3A_447 : i32
        %parallel_loop3A = arith.constant 0 : i32
        %parallel_loop3A_449 = arith.constant 16 : i32
        %parallel_loop3A_450 = arith.constant 1 : i32
        scf.for %parallel_loop3A_451 = %parallel_loop3A to %parallel_loop3A_449 step %parallel_loop3A_450  : i32 {
          %parallel_loop3A_452 = vector.broadcast %parallel_loop3A_451 : i32 to vector<16xi32>
          %parallel_loop3A_453 = arith.addi %iota3A, %parallel_loop3A_452 : vector<16xi32>
          %parallel_loop3A_454 = arith.constant 15 : i32
          %parallel_loop3A_455 = vector.broadcast %parallel_loop3A_454 : i32 to vector<16xi32>
          %parallel_loop3A_456 = arith.andi %parallel_loop3A_453, %parallel_loop3A_455 : vector<16xi32>
          %parallel_loop3A_457 = arith.addi %mul3A_444, %parallel_loop3A_456 : vector<16xi32>
          %parallel_loop3A_458 = vector.broadcast %mul3A_448 : i32 to vector<16xi32>
          %parallel_loop3A_459 = arith.addi %parallel_loop3A_456, %parallel_loop3A_458 : vector<16xi32>
          %parallel_loop3A_460 = arith.constant 0 : i32
          %parallel_loop3A_461 = vector.broadcast %parallel_loop3A_460 : i32 to vector<16xi32>
          %parallel_loop3A_462 = arith.addi %parallel_loop3A_457, %parallel_loop3A_461 : vector<16xi32>
          %parallel_loop3A_463 = tpu.vector_load_idx %arg6[%parallel_loop3A_462] : memref<3200xf32, #tpu.memory_space<vmem>>[vector<16xi32>], vector<16xf32>,
          %parallel_loop3A_464 = arith.constant 0 : i32
          %parallel_loop3A_465 = vector.broadcast %parallel_loop3A_464 : i32 to vector<16xi32>
          %parallel_loop3A_466 = arith.addi %parallel_loop3A_459, %parallel_loop3A_465 : vector<16xi32>
          %parallel_loop3A_467 = arith.mulf %parallel_loop3A_463, %get3A_441 : vector<16xf32>
          tpu.vector_store_idx %arg12[%parallel_loop3A_466, %add3A_446], %parallel_loop3A_467 : memref<128x256xf32, #tpu.memory_space<vmem>>[vector<16xi32>, vector<16xi32>], vector<16xf32>,
          %parallel_loop3A_468 = arith.constant 16 : i32
          %parallel_loop3A_469 = vector.broadcast %parallel_loop3A_468 : i32 to vector<16xi32>
          %parallel_loop3A_470 = arith.addi %parallel_loop3A_457, %parallel_loop3A_469 : vector<16xi32>
          %parallel_loop3A_471 = tpu.vector_load_idx %arg6[%parallel_loop3A_470] : memref<3200xf32, #tpu.memory_space<vmem>>[vector<16xi32>], vector<16xf32>,
          %parallel_loop3A_472 = arith.constant 16 : i32
          %parallel_loop3A_473 = vector.broadcast %parallel_loop3A_472 : i32 to vector<16xi32>
          %parallel_loop3A_474 = arith.addi %parallel_loop3A_459, %parallel_loop3A_473 : vector<16xi32>
          %parallel_loop3A_475 = arith.mulf %parallel_loop3A_471, %get3A_441 : vector<16xf32>
          tpu.vector_store_idx %arg12[%parallel_loop3A_474, %add3A_446], %parallel_loop3A_475 : memref<128x256xf32, #tpu.memory_space<vmem>>[vector<16xi32>, vector<16xi32>], vector<16xf32>,
          %parallel_loop3A_476 = arith.constant 32 : i32
          %parallel_loop3A_477 = vector.broadcast %parallel_loop3A_476 : i32 to vector<16xi32>
          %parallel_loop3A_478 = arith.addi %parallel_loop3A_457, %parallel_loop3A_477 : vector<16xi32>
          %parallel_loop3A_479 = tpu.vector_load_idx %arg6[%parallel_loop3A_478] : memref<3200xf32, #tpu.memory_space<vmem>>[vector<16xi32>], vector<16xf32>,
          %parallel_loop3A_480 = arith.constant 32 : i32
          %parallel_loop3A_481 = vector.broadcast %parallel_loop3A_480 : i32 to vector<16xi32>
          %parallel_loop3A_482 = arith.addi %parallel_loop3A_459, %parallel_loop3A_481 : vector<16xi32>
          %parallel_loop3A_483 = arith.mulf %parallel_loop3A_479, %get3A_441 : vector<16xf32>
          tpu.vector_store_idx %arg12[%parallel_loop3A_482, %add3A_446], %parallel_loop3A_483 : memref<128x256xf32, #tpu.memory_space<vmem>>[vector<16xi32>, vector<16xi32>], vector<16xf32>,
          %parallel_loop3A_484 = arith.constant 48 : i32
          %parallel_loop3A_485 = vector.broadcast %parallel_loop3A_484 : i32 to vector<16xi32>
          %parallel_loop3A_486 = arith.addi %parallel_loop3A_457, %parallel_loop3A_485 : vector<16xi32>
          %parallel_loop3A_487 = tpu.vector_load_idx %arg6[%parallel_loop3A_486] : memref<3200xf32, #tpu.memory_space<vmem>>[vector<16xi32>], vector<16xf32>,
          %parallel_loop3A_488 = arith.constant 48 : i32
          %parallel_loop3A_489 = vector.broadcast %parallel_loop3A_488 : i32 to vector<16xi32>
          %parallel_loop3A_490 = arith.addi %parallel_loop3A_459, %parallel_loop3A_489 : vector<16xi32>
          %parallel_loop3A_491 = arith.mulf %parallel_loop3A_487, %get3A_441 : vector<16xf32>
          tpu.vector_store_idx %arg12[%parallel_loop3A_490, %add3A_446], %parallel_loop3A_491 : memref<128x256xf32, #tpu.memory_space<vmem>>[vector<16xi32>, vector<16xi32>], vector<16xf32>,
        } {sc.loop_unroll_factor = 4 : i64, sc.parallel_access}
      }
      %scan3A_393 = arith.constant 32 : i32
      %mul3A_394 = arith.constant 2 : i32
      %mul3A_395 = arith.muli %add3A_376, %mul3A_394 : i32
      %add3A_396 = arith.addi %mul3A_2, %mul3A_395 : i32
      %mul3A_397 = arith.constant 64 : i32
      %mul3A_398 = arith.muli %add3A_396, %mul3A_397 : i32
      %dma_start3A_399 = arith.constant 0 : i32
      %dma_start3A_400 = tpu.memref_slice %arg5[%mul3A_398, %dma_start3A_399] : memref<131072x256xf32, #tpu.memory_space<hbm>> -> memref<128x256xf32, #tpu.memory_space<hbm>>
      %dma_start3A_401 = arith.constant 0 : i32
      %dma_start3A_402 = tpu.memref_slice %arg5[%mul3A_398, %dma_start3A_401] : memref<131072x256xf32, #tpu.memory_space<hbm>> -> memref<128x256xf32, #tpu.memory_space<hbm>>
      tpu.enqueue_dma source(%arg12 : memref<128x256xf32, #tpu.memory_space<vmem>>) target(%dma_start3A_402 : memref<128x256xf32, #tpu.memory_space<hbm>>) target_semaphore(%arg16 : memref<!tpu.dma_semaphore, #tpu.memory_space<semaphore_mem>>)
      %add3A_403 = arith.constant 2 : i32
      %add3A_404 = arith.addi %add3A_260, %add3A_403 : i32
      %mul3A_405 = arith.constant 8 : i32
      %mul3A_406 = arith.muli %add3A_404, %mul3A_405 : i32
      %add3A_407 = arith.addi %mul3A_2, %mul3A_406 : i32
      %min3A_408 = arith.constant 2040 : i32
      %min3A_409 = arith.minsi %add3A_407, %min3A_408 : i32
      %shift_right_arithmetic3A_410 = arith.constant 8 : i32
      %shift_right_arithmetic3A_411 = arith.shrsi %min3A_409, %shift_right_arithmetic3A_410 : i32
      %and3A_412 = arith.constant 255 : i32
      %and3A_413 = arith.andi %min3A_409, %and3A_412 : i32
      %multiple_of3A_414 = tpu.assume_multiple %and3A_413, 8 : i32
      %dma_start3A_415 = arith.constant 0 : i32
      %dma_start3A_416 = tpu.memref_slice %arg2[%shift_right_arithmetic3A_411, %multiple_of3A_414, %dma_start3A_415] : memref<8x256x256xi32, #tpu.memory_space<hbm>> -> memref<1x8x256xi32, #tpu.memory_space<hbm>>
      %dma_start3A_417 = tpu.memref_squeeze %dma_start3A_416 : memref<1x8x256xi32, #tpu.memory_space<hbm>> -> memref<8x256xi32, #tpu.memory_space<hbm>>
      %dma_start3A_418 = arith.constant 0 : i32
      %dma_start3A_419 = tpu.memref_slice %arg2[%shift_right_arithmetic3A_411, %multiple_of3A_414, %dma_start3A_418] : memref<8x256x256xi32, #tpu.memory_space<hbm>> -> memref<1x8x256xi32, #tpu.memory_space<hbm>>
      %dma_start3A_420 = tpu.memref_squeeze %dma_start3A_419 : memref<1x8x256xi32, #tpu.memory_space<hbm>> -> memref<8x256xi32, #tpu.memory_space<hbm>>
      tpu.enqueue_dma source(%dma_start3A_420 : memref<8x256xi32, #tpu.memory_space<hbm>>) target(%arg8 : memref<8x256xi32, #tpu.memory_space<vmem>>) target_semaphore(%arg14 : memref<!tpu.dma_semaphore, #tpu.memory_space<semaphore_mem>>)
      %dma_start3A_421 = arith.constant 0 : i32
      %dma_start3A_422 = tpu.memref_slice %arg3[%shift_right_arithmetic3A_411, %multiple_of3A_414, %dma_start3A_421] : memref<8x256x256xf32, #tpu.memory_space<hbm>> -> memref<1x8x256xf32, #tpu.memory_space<hbm>>
      %dma_start3A_423 = tpu.memref_squeeze %dma_start3A_422 : memref<1x8x256xf32, #tpu.memory_space<hbm>> -> memref<8x256xf32, #tpu.memory_space<hbm>>
      %dma_start3A_424 = arith.constant 0 : i32
      %dma_start3A_425 = tpu.memref_slice %arg3[%shift_right_arithmetic3A_411, %multiple_of3A_414, %dma_start3A_424] : memref<8x256x256xf32, #tpu.memory_space<hbm>> -> memref<1x8x256xf32, #tpu.memory_space<hbm>>
      %dma_start3A_426 = tpu.memref_squeeze %dma_start3A_425 : memref<1x8x256xf32, #tpu.memory_space<hbm>> -> memref<8x256xf32, #tpu.memory_space<hbm>>
      tpu.enqueue_dma source(%dma_start3A_426 : memref<8x256xf32, #tpu.memory_space<hbm>>) target(%arg10 : memref<8x256xf32, #tpu.memory_space<vmem>>) target_semaphore(%arg14 : memref<!tpu.dma_semaphore, #tpu.memory_space<semaphore_mem>>)
    }
    %scan3A_44 = arith.constant 4 : i32
    %add3A_45 = arith.constant 60 : i32
    %add3A_46 = arith.addi %mul3A_2, %add3A_45 : i32
    %mul3A_47 = arith.constant 64 : i32
    %mul3A_48 = arith.muli %add3A_46, %mul3A_47 : i32
    %dma_wait3A = arith.constant 0 : i32
    %dma_wait3A_49 = tpu.memref_slice %arg5[%mul3A_48, %dma_wait3A] : memref<131072x256xf32, #tpu.memory_space<hbm>> -> memref<128x256xf32, #tpu.memory_space<hbm>>
    %dma_wait3A_50 = arith.constant 0 : i32
    %dma_wait3A_51 = tpu.memref_slice %arg5[%mul3A_48, %dma_wait3A_50] : memref<131072x256xf32, #tpu.memory_space<hbm>> -> memref<128x256xf32, #tpu.memory_space<hbm>>
    tpu.wait_dma2 semaphore(%arg15 : memref<!tpu.dma_semaphore, #tpu.memory_space<semaphore_mem>>) src(%arg11 : memref<128x256xf32, #tpu.memory_space<vmem>>) dst(%dma_wait3A_51 : memref<128x256xf32, #tpu.memory_space<hbm>>)
    %add3A_52 = arith.constant 62 : i32
    %add3A_53 = arith.addi %mul3A_2, %add3A_52 : i32
    %mul3A_54 = arith.constant 64 : i32
    %mul3A_55 = arith.muli %add3A_53, %mul3A_54 : i32
    %dma_wait3A_56 = arith.constant 0 : i32
    %dma_wait3A_57 = tpu.memref_slice %arg5[%mul3A_55, %dma_wait3A_56] : memref<131072x256xf32, #tpu.memory_space<hbm>> -> memref<128x256xf32, #tpu.memory_space<hbm>>
    %dma_wait3A_58 = arith.constant 0 : i32
    %dma_wait3A_59 = tpu.memref_slice %arg5[%mul3A_55, %dma_wait3A_58] : memref<131072x256xf32, #tpu.memory_space<hbm>> -> memref<128x256xf32, #tpu.memory_space<hbm>>
    tpu.wait_dma2 semaphore(%arg16 : memref<!tpu.dma_semaphore, #tpu.memory_space<semaphore_mem>>) src(%arg12 : memref<128x256xf32, #tpu.memory_space<vmem>>) dst(%dma_wait3A_59 : memref<128x256xf32, #tpu.memory_space<hbm>>)
    %add3A_60 = arith.constant 64 : i32
    %add3A_61 = arith.addi %mul3A_2, %add3A_60 : i32
    %min3A_62 = arith.constant 2040 : i32
    %min3A_63 = arith.minsi %add3A_61, %min3A_62 : i32
    %shift_right_arithmetic3A_64 = arith.constant 8 : i32
    %shift_right_arithmetic3A_65 = arith.shrsi %min3A_63, %shift_right_arithmetic3A_64 : i32
    %and3A_66 = arith.constant 255 : i32
    %and3A_67 = arith.andi %min3A_63, %and3A_66 : i32
    %multiple_of3A_68 = tpu.assume_multiple %and3A_67, 8 : i32
    %dma_wait3A_69 = arith.constant 0 : i32
    %dma_wait3A_70 = tpu.memref_slice %arg2[%shift_right_arithmetic3A_65, %multiple_of3A_68, %dma_wait3A_69] : memref<8x256x256xi32, #tpu.memory_space<hbm>> -> memref<1x8x256xi32, #tpu.memory_space<hbm>>
    %dma_wait3A_71 = tpu.memref_squeeze %dma_wait3A_70 : memref<1x8x256xi32, #tpu.memory_space<hbm>> -> memref<8x256xi32, #tpu.memory_space<hbm>>
    %dma_wait3A_72 = arith.constant 0 : i32
    %dma_wait3A_73 = tpu.memref_slice %arg2[%shift_right_arithmetic3A_65, %multiple_of3A_68, %dma_wait3A_72] : memref<8x256x256xi32, #tpu.memory_space<hbm>> -> memref<1x8x256xi32, #tpu.memory_space<hbm>>
    %dma_wait3A_74 = tpu.memref_squeeze %dma_wait3A_73 : memref<1x8x256xi32, #tpu.memory_space<hbm>> -> memref<8x256xi32, #tpu.memory_space<hbm>>
    tpu.wait_dma2 semaphore(%arg13 : memref<!tpu.dma_semaphore, #tpu.memory_space<semaphore_mem>>) src(%dma_wait3A_74 : memref<8x256xi32, #tpu.memory_space<hbm>>) dst(%arg7 : memref<8x256xi32, #tpu.memory_space<vmem>>)
    %dma_wait3A_75 = arith.constant 0 : i32
    %dma_wait3A_76 = tpu.memref_slice %arg3[%shift_right_arithmetic3A_65, %multiple_of3A_68, %dma_wait3A_75] : memref<8x256x256xf32, #tpu.memory_space<hbm>> -> memref<1x8x256xf32, #tpu.memory_space<hbm>>
    %dma_wait3A_77 = tpu.memref_squeeze %dma_wait3A_76 : memref<1x8x256xf32, #tpu.memory_space<hbm>> -> memref<8x256xf32, #tpu.memory_space<hbm>>
    %dma_wait3A_78 = arith.constant 0 : i32
    %dma_wait3A_79 = tpu.memref_slice %arg3[%shift_right_arithmetic3A_65, %multiple_of3A_68, %dma_wait3A_78] : memref<8x256x256xf32, #tpu.memory_space<hbm>> -> memref<1x8x256xf32, #tpu.memory_space<hbm>>
    %dma_wait3A_80 = tpu.memref_squeeze %dma_wait3A_79 : memref<1x8x256xf32, #tpu.memory_space<hbm>> -> memref<8x256xf32, #tpu.memory_space<hbm>>
    tpu.wait_dma2 semaphore(%arg13 : memref<!tpu.dma_semaphore, #tpu.memory_space<semaphore_mem>>) src(%dma_wait3A_80 : memref<8x256xf32, #tpu.memory_space<hbm>>) dst(%arg9 : memref<8x256xf32, #tpu.memory_space<vmem>>)
    %add3A_81 = arith.constant 72 : i32
    %add3A_82 = arith.addi %mul3A_2, %add3A_81 : i32
    %min3A_83 = arith.constant 2040 : i32
    %min3A_84 = arith.minsi %add3A_82, %min3A_83 : i32
    %shift_right_arithmetic3A_85 = arith.constant 8 : i32
    %shift_right_arithmetic3A_86 = arith.shrsi %min3A_84, %shift_right_arithmetic3A_85 : i32
    %and3A_87 = arith.constant 255 : i32
    %and3A_88 = arith.andi %min3A_84, %and3A_87 : i32
    %multiple_of3A_89 = tpu.assume_multiple %and3A_88, 8 : i32
    %dma_wait3A_90 = arith.constant 0 : i32
    %dma_wait3A_91 = tpu.memref_slice %arg2[%shift_right_arithmetic3A_86, %multiple_of3A_89, %dma_wait3A_90] : memref<8x256x256xi32, #tpu.memory_space<hbm>> -> memref<1x8x256xi32, #tpu.memory_space<hbm>>
    %dma_wait3A_92 = tpu.memref_squeeze %dma_wait3A_91 : memref<1x8x256xi32, #tpu.memory_space<hbm>> -> memref<8x256xi32, #tpu.memory_space<hbm>>
    %dma_wait3A_93 = arith.constant 0 : i32
    %dma_wait3A_94 = tpu.memref_slice %arg2[%shift_right_arithmetic3A_86, %multiple_of3A_89, %dma_wait3A_93] : memref<8x256x256xi32, #tpu.memory_space<hbm>> -> memref<1x8x256xi32, #tpu.memory_space<hbm>>
    %dma_wait3A_95 = tpu.memref_squeeze %dma_wait3A_94 : memref<1x8x256xi32, #tpu.memory_space<hbm>> -> memref<8x256xi32, #tpu.memory_space<hbm>>
    tpu.wait_dma2 semaphore(%arg14 : memref<!tpu.dma_semaphore, #tpu.memory_space<semaphore_mem>>) src(%dma_wait3A_95 : memref<8x256xi32, #tpu.memory_space<hbm>>) dst(%arg8 : memref<8x256xi32, #tpu.memory_space<vmem>>)
    %dma_wait3A_96 = arith.constant 0 : i32
    %dma_wait3A_97 = tpu.memref_slice %arg3[%shift_right_arithmetic3A_86, %multiple_of3A_89, %dma_wait3A_96] : memref<8x256x256xf32, #tpu.memory_space<hbm>> -> memref<1x8x256xf32, #tpu.memory_space<hbm>>
    %dma_wait3A_98 = tpu.memref_squeeze %dma_wait3A_97 : memref<1x8x256xf32, #tpu.memory_space<hbm>> -> memref<8x256xf32, #tpu.memory_space<hbm>>
    %dma_wait3A_99 = arith.constant 0 : i32
    %dma_wait3A_100 = tpu.memref_slice %arg3[%shift_right_arithmetic3A_86, %multiple_of3A_89, %dma_wait3A_99] : memref<8x256x256xf32, #tpu.memory_space<hbm>> -> memref<1x8x256xf32, #tpu.memory_space<hbm>>
    %dma_wait3A_101 = tpu.memref_squeeze %dma_wait3A_100 : memref<1x8x256xf32, #tpu.memory_space<hbm>> -> memref<8x256xf32, #tpu.memory_space<hbm>>
    tpu.wait_dma2 semaphore(%arg14 : memref<!tpu.dma_semaphore, #tpu.memory_space<semaphore_mem>>) src(%dma_wait3A_101 : memref<8x256xf32, #tpu.memory_space<hbm>>) dst(%arg10 : memref<8x256xf32, #tpu.memory_space<vmem>>)
    return
  }
}

</mosaic_0001>

<sc_bundles>
// kernel: _sc_call.3.cloned.1.call-start
scs
__scs_entry_jumppad:
0x0: {  	(pc) =	sbr.rel $0x88, $3  }
0x1: {  	(tag) =	ssettag $0x0;
	lr =	simm.s32 $0x1  }
0x2: {  	[smem:$0x3F9E] =	sst lr;
	_ =	strace $0xD0000000  }
0x3: {  	_ = 	snop  }
0x4: {  	_ = 	snop  }
0x5: {  	_ = 	snop  }
0x6: {  	_ = 	snop  }
0x7: {  	_ = 	snop  }
__scs_overlays_trampoline_lowered:
0x8: {  	[smem:$0x3FAD] =	sst s0  }
0x9: {  	[smem:$0x3FAE] =	sst s1  }
0xa: {  	[smem:$0x3FAF] =	sst s2  }
0xb: {  	[smem:$0x3FB0] =	sst s3  }
0xc: {  	[smem:$0x3FB1] =	sst s4  }
0xd: {  	[smem:$0x3FB2] =	sst s5  }
0xe: {  	[smem:$0x3FB3] =	sst s6  }
0xf: {  	[smem:$0x3FB4] =	sst s7  }
0x10: {  	[smem:$0x3FB5] =	sst s8  }
0x11: {  	[smem:$0x3FB6] =	sst s9;
	s0 =	simm.s32 @!p0 $0x0  }
0x12: {  	s1 =	sld [smem:$0x3F9C];
	s0 =	simm.s32 @p0 $0x1  }
0x13: {  	[smem:$0x3FB7] =	sst s0;
	s0 =	simm.s32 @!p1 $0x0  }
0x14: {  	s2 =	sld [smem:$0x3F9B];
	s0 =	simm.s32 @p1 $0x1  }
0x15: {  	[smem:$0x3FB8] =	sst s0;
	s0 =	simm.s32 @!p2 $0x0  }
0x16: {  	s3 =	sld [smem:$0x3FDB];
	s0 =	simm.s32 @p2 $0x1  }
0x17: {  	s4 =	simm.s32 $0x1BF5;
	[smem:$0x3FBA] =	sst s0  }
0x18: {  	s0 =	sld [smem:$0x3F9D];
	_ =	swait.ge [sflag:s4], $0x0  }
0x19: {  	s7 =	sld [smem:$0x3F9E]  }
0x1a: {  	s8 =	sadd.s32 $0xFFFFE003, lr  }
0x1b: {  	s9 =	sadd.s32 $0xFFFFFEF7, lr;
	s5 =	simm.s32 $0xFFFFFFFF;
	p2 =	slt.u32 s8, $0xFFFFF086  }
0x1c: {  	p1 =	slt.u32 s9, $0xF7A;
	s5 =	simm.s32 @!p2 $0x0  }
0x1d: {  	s5 =	simm.s32 @p1 $0x1;
	p0 =	seq.s32 s7, s2  }
0x1e: {  	s7 =	smul.u32 @!p0 $0xF7A, s2;
	p2 =	seq.s32 @!p0 s5, $0x0  }
0x1f: {  	s9 =	smul.u32 $0xF7A, s1;
	s8 =	simm.s32 @!p0 $0x1BF5;
	p2 =	por !p2, p0  }
0x20: {  	[sflag:s8] =	ssyncset.s32 @!p0 $0xFFFFF086;
	s6 =	sadd.s32 @!p0 s3, s7;
	s7 =	simm.s32 @!p0 $0x108  }
0x21: {  	s3 =	sadd.s32 s3, s9;
	s6 =	sadd.s32 @!p0 $0x88, s6;
	s7 =	simm.s32 @p2 $0x1082  }
0x22: {  	[simem:s7], [sflag:s8] =	dma.local @!p0 [hbm:s6], $0xF7A  }
0x23: {  	s9 =	sor.u32 $0xD0000000, s2;
	s6 =	simm.s32 $0x108;
	_ =	swait.ge @!p0 [sflag:s8], $0x0  }
0x24: {  	s3 =	sadd.s32 $0x88, s3;
	s6 =	simm.s32 @!p1 $0x1082;
	[sflag:s4] =	ssyncset.s32 $0xFFFFF086  }
0x25: {  	[simem:s6], [sflag:s4] =	dma.local [hbm:s3], $0xF7A  }
0x26: {  	[smem:$0x3F9E] =	sst s1;
	(tag) =	ssettag s2;
	_ =	strace s9  }
0x27: {  	s1 =	sld [smem:$0x3FAE]  }
0x28: {  	s2 =	sld [smem:$0x3FAF]  }
0x29: {  	s4 =	sld [smem:$0x3FB1]  }
0x2a: {  	p0 =	seq.s32 s5, $0x0;
	s5 =	sld [smem:$0x3FB2]  }
0x2b: {  	s6 =	sld [smem:$0x3FB3]  }
0x2c: {  	s7 =	sld [smem:$0x3FB4]  }
0x2d: {  	s3 =	simm.s32 $0x108;
	s8 =	sld [smem:$0x3FB5]  }
0x2e: {  	s3 =	simm.s32 @!p0 $0x1082;
	s9 =	sld [smem:$0x3FB6]  }
0x2f: {  	lr =	sadd.s32 s0, s3;
	s0 =	sld [smem:$0x3FAD]  }
0x30: {  	s3 =	sld [smem:$0x3FB0]  }
0x31: {  	[smem:$0x3FB9] =	sst s10  }
0x32: {  	s10 =	sld [smem:$0x3FB7];
	_ =	sdelay $0x3  }
0x33: {  	p0 =	seq.s32 s10, $0x1;
	s10 =	sld [smem:$0x3FB9];
	_ =	sdelay $0x3  }
0x34: {  	[smem:$0x3FB9] =	sst s10  }
0x35: {  	s10 =	sld [smem:$0x3FB8];
	_ =	sdelay $0x3  }
0x36: {  	p1 =	seq.s32 s10, $0x1;
	s10 =	sld [smem:$0x3FB9];
	_ =	sdelay $0x3  }
0x37: {  	[smem:$0x3FB9] =	sst s10  }
0x38: {  	s10 =	sld [smem:$0x3FBA]  }
0x39: {  	_ = 	snop;
	(pc) =	sbr.ind lr, $3  }
0x3a: {  	_ = 	snop  }
0x3b: {  	_ = 	snop  }
0x3c: {  	p2 =	seq.s32 s10, $0x1;
	s10 =	sld [smem:$0x3FB9]  }
0x3d: {  	_ =	shalt  }
0x3e: {  	_ =	shalt  }
0x3f: {  	_ =	shalt  }
0x40: {  	_ =	shalt  }
0x41: {  	_ =	shalt  }
0x42: {  	_ =	shalt  }
0x43: {  	_ =	shalt  }
0x44: {  	_ =	shalt  }
0x45: {  	_ =	shalt  }
0x46: {  	_ =	shalt  }
0x47: {  	_ =	shalt  }
0x48: {  	_ =	shalt  }
0x49: {  	_ =	shalt  }
0x4a: {  	_ =	shalt  }
0x4b: {  	_ =	shalt  }
0x4c: {  	_ =	shalt  }
0x4d: {  	_ =	shalt  }
0x4e: {  	_ =	shalt  }
0x4f: {  	_ =	shalt  }
0x50: {  	_ =	shalt  }
0x51: {  	_ =	shalt  }
0x52: {  	_ =	shalt  }
0x53: {  	_ =	shalt  }
0x54: {  	_ =	shalt  }
0x55: {  	_ =	shalt  }
0x56: {  	_ =	shalt  }
0x57: {  	_ =	shalt  }
0x58: {  	_ =	shalt  }
0x59: {  	_ =	shalt  }
0x5a: {  	_ =	shalt  }
0x5b: {  	_ =	shalt  }
0x5c: {  	_ =	shalt  }
0x5d: {  	_ =	shalt  }
0x5e: {  	_ =	shalt  }
0x5f: {  	_ =	shalt  }
0x60: {  	_ =	shalt  }
0x61: {  	_ =	shalt  }
0x62: {  	_ =	shalt  }
0x63: {  	_ =	shalt  }
0x64: {  	_ =	shalt  }
0x65: {  	_ =	shalt  }
0x66: {  	_ =	shalt  }
0x67: {  	_ =	shalt  }
0x68: {  	_ =	shalt  }
0x69: {  	_ =	shalt  }
0x6a: {  	_ =	shalt  }
0x6b: {  	_ =	shalt  }
0x6c: {  	_ =	shalt  }
0x6d: {  	_ =	shalt  }
0x6e: {  	_ =	shalt  }
0x6f: {  	_ =	shalt  }
0x70: {  	_ =	shalt  }
0x71: {  	_ =	shalt  }
0x72: {  	_ =	shalt  }
0x73: {  	_ =	shalt  }
0x74: {  	_ =	shalt  }
0x75: {  	_ =	shalt  }
0x76: {  	_ =	shalt  }
0x77: {  	_ =	shalt  }
0x78: {  	_ =	shalt  }
0x79: {  	_ =	shalt  }
0x7a: {  	_ =	shalt  }
0x7b: {  	_ =	shalt  }
0x7c: {  	_ =	shalt  }
0x7d: {  	_ =	shalt  }
0x7e: {  	_ =	shalt  }
0x7f: {  	_ =	shalt  }
0x80: {  	_ =	shalt  }
0x81: {  	_ =	shalt  }
0x82: {  	_ =	shalt  }
0x83: {  	_ =	shalt  }
0x84: {  	_ =	shalt  }
0x85: {  	_ =	shalt  }
0x86: {  	_ =	shalt  }
0x87: {  	_ =	shalt  }
.Lfunc_end0:
.L_simem_size_0:
called_computation_lowered:
.L_overlay_start_0:
0x88: {  	s2 =	sld [smem:$0x3FD9]  }
0x89: {  	s3 =	sld [smem:$0x3FFE];
	_ =	sdelay $0x1  }
0x8a: {  	s1 =	srdreg.scid  }
0x8b: {  	s0 =	sand.u32 $0x1, s1  }
0x8c: {  	s18 =	sshll.u32 s0, $0xA;
	s2 =	sadd.s32 s3, s2  }
0x8d: {  	s2 =	sadd.s32 s2, s18  }
0x8e: {  	[smem:$0x3FC5] =	sst s2  }
0x8f: {  	_ = 	snop  }
0x90: {  	s2 =	sld [smem:$0x3FC9]  }
0x91: {  	s19 =	sld [smem:$0x3FC8]  }
0x92: {  	s4 =	sld [smem:$0x3FC7]  }
0x93: {  	s5 =	sld [smem:$0x3FD0];
	(tm) =	ssettm $0x1  }
0x94: {  	s6 =	sld [smem:$0x3FFB];
	_ =	sdelay $0x3  }
0x95: {  	_ =	strace s6  }
0x96: {  	s6 =	sld [smem:$0x3FFC];
	_ =	sdelay $0x3  }
0x97: {  	_ =	strace s6  }
0x98: {  	s6 =	sld [smem:$0x3FFD];
	_ =	sdelay $0x3  }
0x99: {  	_ =	strace s6  }
0x9a: {  	_ =	strace $0x8FFFFFFF  }
0x9b: {  	s20 =	sld [smem:$0x3FDB];
	_ =	sdelay $0x1  }
0x9c: {  	s7 =	simm.s32 $_scs_section_size  }
0x9d: {  	s8 =	simm.s32 $_size__tile_overlayer_lowered;
	s9 =	simm.s32 $_tile_overlayer_lowered  }
0x9e: {  	s23 =	simm.s32 $0x1BFF;
	s22 =	sshll.u32 s9, $0x1;
	s6 =	sadd.s32 s7, s20  }
0x9f: {  	s10 =	simm.s32 $0x0;
	s21 =	sshll.u32 s8, $0x1;
	s8 =	sadd.s32 s22, s6  }
0xa0: {  	[timem:s10], [sflag:s23] =	dma.local [hbm:s8], s21  }
0xa1: {  	_ =	swait.ge [sflag:s23], s21  }
0xa2: {  	s7 =	ssub.s32 $0x0, s21;
	[sflag:s23] =	ssyncset.done $0x0  }
0xa3: {  	[sflag:s23] =	ssyncadd.s32 s7;
	_ =	sdelay $0x1  }
0xa4: {  	s24 =	simm.s32 $0x1B8B  }
0xa5: {  	_ =	swait.ge [sflag:s24], $0x1  }
0xa6: {  	[sflag:s24] =	ssyncset.done $0x0  }
0xa7: {  	s25 =	simm.s32 $0x1B8E;
	[sflag:s24] =	ssyncadd.s32 $0xFFFFFFFF  }
0xa8: {  	s26 =	simm.s32 $execute0_lowered;
	[smem:$0x3FD2] =	sst s25  }
0xa9: {  	s7 =	sshll.u32 s26, $0x1;
	_ =	strace $0x80000046;
	[dreg:$0x1] =	wrdreg $0xFFFFFFFF  }
0xaa: {  	s28 =	simm.s32 $_size_execute0_lowered;
	s6 =	sadd.s32 s6, s7;
	[dreg:$0x0] =	wrdreg $0x0  }
0xab: {  	s7 =	sshll.u32 s28, $0x1;
	[dreg:$0x2] =	wrdreg s6  }
0xac: {  	[dreg:$0x3] =	wrdreg s7  }
0xad: {  	[dreg:$0x4] =	wrdreg $0xC0  }
0xae: {  	_ =	task [dreg:s10], $0x5FFFF  }
0xaf: {  	[dreg:$0x1] =	wrdreg $0xFFFFFFFF  }
0xb0: {  	[dreg:$0x0] =	wrdreg $0x60  }
0xb1: {  	[dreg:$0x2] =	wrdreg s2  }
0xb2: {  	[dreg:$0x3] =	wrdreg s19  }
0xb3: {  	[dreg:$0x4] =	wrdreg s4  }
0xb4: {  	[dreg:$0x5] =	wrdreg s5  }
0xb5: {  	[dreg:$0x6] =	wrdreg $0x9  }
0xb6: {  	_ =	task.clear_ibuf [dreg:s10], $0x7FFFF;
	_ =	strace $0x90000046  }
0xb7: {  	s29 =	simm.s32 $0x9;
	_ =	strace $0x80000048  }
0xb8: {  	_ =	swait.ge [sflag:s29], $0x1  }
0xb9: {  	[sflag:s29] =	ssyncadd.s32 $0xFFFFFFFF  }
0xba: {  	_ =	strace $0x90000048  }
0xbb: {  	_ =	sfence  }
0xbc: {  	s30 =	sld [smem:$0x0];
	_ =	sdelay $0x2  }
0xbd: {  	s31 =	sshll.u32 s1, $0xD;
	s1 =	sshrl.u32 s1, $0x2  }
0xbe: {  	s3 =	sand.u32 $0x4000, s31;
	s1 =	sadd.s32 s1, s30  }
0xbf: {  	s0 =	sor.u32 s3, s0;
	s1 =	sshll.u32 s1, $0x11  }
0xc0: {  	s0 =	sor.u32 s1, s0  }
0xc1: {  	s0 =	sadd.s32 $0x8F2B, s0  }
0xc2: {  	[sflag:s0] =	ssyncadd.remote.s32 $0x1  }
0xc3: {  	_ =	sfence.sel $0xFFFF  }
0xc4: {  	[dreg:$0x0] =	wrdreg $0xFFFFFFFF;
	(pc) =	sbr.abs _section_cstart, $3  }
0xc5: {  	[dreg:$0x1] =	wrdreg $0xFFFFFFFF  }
0xc6: {  	_ =	task.clear_ibuf [dreg:s10], $0x2FFFF;
	_ =	strace $0x9FFFFFFF  }
0xc7: {  	(tm) =	ssettm $0x7FFFFFFF  }
tec
execute0_lowered:
.L_overlay_start_1:
0x0: {  	(tag) =	ssettag $0x1  }
0x1: {  	s0 =	rddreg [dreg:$0x0]  }
0x2: {  	s3 =	rddreg [dreg:$0x1]  }
0x3: {  	s1 =	srdreg.scid;
	s5 =	rddreg [dreg:$0x3]  }
0x4: {  	s2 =	stileid.u32;
	s6 =	simm.s32 $0x0;
	s16 =	simm.s32 $0x5  }
0x5: {  	s17 =	simm.s32 $0xC80;
	s18 =	simm.s32 $0x1C80;
	s19 =	simm.s32 $0x1480  }
0x6: {  	s20 =	simm.s32 $0x2480;
	s21 =	simm.s32 $0x1;
	s22 =	simm.s32 $0x2C80  }
0x7: {  	s23 =	simm.s32 $0xAC80;
	s24 =	simm.s32 $0x3;
	s1 =	sand.u32 $0x1, s1  }
0x8: {  	s28 =	simm.s32 $0x0;
	s2 =	sshll.u32 s2, $0x7;
	s4 =	sshll.u32 s1, $0x6  }
0x9: {  	[smem:$0x7FF] =	sst s6;
	s1 =	ssub.s32 $0x2, s1;
	s7 =	sor.u32 s4, s2  }
0xa: {  	_ =	strace $0x80000047;
	s25 =	sshrl.u32 s1, $0x1;
	s4 =	sshll.u32 s7, $0x5  }
0xb: {  	s1 =	ssub.s32 s1, s25;
	s31 =	sshll.u32 s7, $0xB;
	s26 =	sadd.s32 s0, s4  }
0xc: {  	s13 =	sor.u32 $0x10, s7;
	s29 =	sadd.s32 s3, s4;
	[dreg:$0x5] =	wrdreg s26  }
0xd: {  	s30 =	sor.u32 $0x100, s4;
	s1 =	smax.u32 s1, $0x1;
	[dreg:$0x6] =	wrdreg s29  }
0xe: {  	s14 =	sor.u32 $0x18, s7;
	s8 =	sadd.s32 s0, s30;
	[dreg:$0x9] =	wrdreg s1  }
0xf: {  	s25 =	simm.s32 $0x4;
	s2 =	sadd.s32 s3, s30;
	[dreg:$0x7] =	wrdreg s8  }
0x10: {  	v0 =	vlaneseq.u32;
	s12 =	sadd.s32 s5, s31;
	s26 =	simm.s32 $0x2;
	[dreg:$0x8] =	wrdreg s2  }
.LBB2_1:
0x11: {  	s1 =	rddreg [dreg:$0x2]  }
0x12: {  	[tilespmem:s6], [sflag:$0x5] =	stream.linear.gather [hbm4b:s1+s6], $0xC80, $0x38;
	[tilespmem:$0x12C80] =	vst v63  }
0x13: {  	_ =	swait.ge [sflag:s16], $0xC80  }
0x14: {  	[sflag:s16] =	ssyncset.done $0x0  }
0x15: {  	s11 =	rddreg [dreg:$0x5];
	[sflag:s16] =	ssyncadd.s32 $0xFFFFF380  }
0x16: {  	[tilespmem:s17], [sflag:$0x1] =	stream.linear.gather [hbm4b:s11+s6], $0x800, $0x38;
	[tilespmem:$0x12C80] =	vst v63  }
0x17: {  	s15 =	rddreg [dreg:$0x6]  }
0x18: {  	[tilespmem:s18], [sflag:$0x1] =	stream.linear.gather [hbm4b:s15+s6], $0x800, $0x38;
	[tilespmem:$0x12C80] =	vst v63  }
0x19: {  	s30 =	rddreg [dreg:$0x7]  }
0x1a: {  	[tilespmem:s19], [sflag:$0x2] =	stream.linear.gather [hbm4b:s30+s6], $0x800, $0x38;
	[tilespmem:$0x12C80] =	vst v63  }
0x1b: {  	s29 =	simm.s32 $0x0;
	s31 =	rddreg [dreg:$0x8]  }
0x1c: {  	[tilespmem:s20], [sflag:$0x2] =	stream.linear.gather [hbm4b:s31+s6], $0x800, $0x38;
	[tilespmem:$0x12C80] =	vst v63  }
.LBB2_2:
0x1d: {  	_ =	swait.ge [sflag:s21], $0x800  }
0x1e: {  	[sflag:s21] =	ssyncset.done $0x0  }
0x1f: {  	[sflag:s21] =	ssyncadd.s32 $0xFFFFF800  }
0x20: {  	_ =	swait.ge [sflag:s21], $0x800  }
0x21: {  	p0 =	seq.s32 s29, $0x0;
	[sflag:s21] =	ssyncset.done $0x0  }
0x22: {  	s1 =	simm.s32 @!p0 $0x3;
	[sflag:s21] =	ssyncadd.s32 $0xFFFFF800  }
0x23: {  	_ =	swait.ge @!p0 [sflag:s1], $0x8000  }
0x24: {  	s31 =	sshll.u32 s29, $0x1;
	s30 =	sshll.u32 s29, $0x4;
	[sflag:s1] =	ssyncset.done @!p0 $0x0  }
0x25: {  	s2 =	simm.s32 $0x0;
	[sflag:s1] =	ssyncadd.s32 @!p0 $0xFFFF8000;
	s1 =	simm.s32 $0x0  }
.LBB2_3:
0x26: {  	s4 =	sshrl.u32 s2, $0x4;
	s8 =	sand.u32 $0x8, s2  }
0x27: {  	s9 =	sshll.u32 s2, $0x4;
	s8 =	sadd.s32 s8, s4  }
0x28: {  	s11 =	simm.s32 $0x2;
	s10 =	sand.u32 $0x70, s9;
	s8 =	sshll.u32 s8, $0x7  }
0x29: {  	s15 =	simm.s32 $0x3;
	s9 =	sand.u32 $0xF0, s9;
	s8 =	sor.u32 s10, s8  }
0x2a: {  	s4 =	sshll.u32 s4, $0x6;
	v11 =	vadd.s32 s11, v0;
	v14 =	vadd.s32 s15, v0;
	v2 =	vmov s9;
	v1 =	vld [tilespmem:s8+$0xC80]  }
0x2b: {  	s11 =	simm.s32 $0x7;
	v6 =	vmov s4;
	v13 =	vand.u32 $0xF, v11;
	v17 =	vand.u32 $0xF, v14  }
0x2c: {  	v11 =	vshll.u32 v11, $0x7;
	v39 =	vadd.s32 s11, v0;
	v2 =	vshll.u32 v2, $0x3  }
0x2d: {  	v19 =	vor.u32 v6, v17;
	v24 =	vand.u32 $0x380, v11;
	v44 =	vand.u32 $0xF, v39  }
0x2e: {  	v39 =	vshll.u32 v39, $0x7;
	v2 =	vand.u32 $0x400, v2;
	v45 =	vor.u32 v6, v44  }
0x2f: {  	v39 =	vand.u32 $0x380, v39;
	v4 =	vshll.u32 v1, $0x6;
	v1 =	vor.u32 s9, v0  }
0x30: {  	v45 =	vshll.u32 v45, $0x8;
	s9 =	simm.s32 $0x5;
	v1 =	vand.u32 $0x7F, v1;
	v10 =	vand.u32 $0xFFFFFF80, v4  }
0x31: {  	v16 =	vor.u32 v4, v13;
	v13 =	vor.u32 v6, v13;
	v56 =	vadd.s32 s9, v0  }
0x32: {  	s10 =	simm.s32 $0x1;
	v44 =	vor.u32 v4, v44;
	v7 =	vor.u32 v2, v1;
	v5 =	vor.u32 $0x10, v10  }
0x33: {  	v9 =	vor.u32 $0x20, v10;
	v10 =	vor.u32 $0x30, v10;
	v2 =	vadd.s32 s10, v0  }
0x34: {  	v13 =	vshll.u32 v13, $0x8;
	v40 =	vand.u32 $0xF, v56;
	v48 =	vand.u32 $0x4F, v44  }
0x35: {  	v8 =	vor.u32 $0x1000, v7;
	v3 =	vor.u32 $0x2000, v7;
	v1 =	vor.u32 $0x3000, v7  }
0x36: {  	v12 =	vand.u32 $0xF, v2;
	v18 =	vshll.u32 v2, $0x7;
	v2 =	vshll.u32 v14, $0x7  }
0x37: {  	s10 =	simm.s32 $0x6;
	v14 =	vor.u32 v4, v17;
	v13 =	vand.u32 $0x7FFFC800, v13;
	v11 =	vor.u32 v24, v7  }
0x38: {  	v38 =	vadd.s32 s10, v0;
	v42 =	vor.u32 v4, v40;
	v40 =	vor.u32 v6, v40  }
0x39: {  	v15 =	vor.u32 v4, v12;
	v12 =	vor.u32 v6, v12;
	v17 =	vand.u32 $0x380, v2  }
0x3a: {  	v18 =	vand.u32 $0x380, v18;
	v27 =	vor.u32 v24, v8;
	v29 =	vor.u32 v13, v11  }
0x3b: {  	v11 =	vor.u32 v24, v1;
	v34 =	vand.u32 $0x4F, v14;
	v41 =	vand.u32 $0xF, v38  }
0x3c: {  	v38 =	vshll.u32 v38, $0x7;
	v46 =	vand.u32 $0x4F, v42;
	v59 =	vor.u32 v39, v1  }
0x3d: {  	v2 =	vld [tilespmem:s8+$0x1C80];
	v12 =	vshll.u32 v12, $0x8;
	v20 =	vor.u32 v17, v7;
	v22 =	vor.u32 v17, v1  }
0x3e: {  	v27 =	vor.u32 v13, v27;
	v32 =	vor.u32 v18, v8;
	v11 =	vor.u32 v13, v11;
	v25 =	vld.idx.msk [tilespmem:v16+s6+$0x0], $0xffff  }
0x3f: {  	v43 =	vor.u32 v4, v41;
	v41 =	vor.u32 v6, v41;
	v38 =	vand.u32 $0x380, v38;
	v31 =	vld.idx.msk [tilespmem:v14+s6+$0x0], $0xffff  }
0x40: {  	v51 =	vor.u32 v46, v9;
	v23 =	vand.u32 $0x7FFFC800, v12;
	v12 =	vor.u32 v18, v7;
	v21 =	vld.idx.msk [tilespmem:v15+s6+$0x0], $0xffff  }
0x41: {  	v16 =	vand.u32 $0x4F, v16;
	v57 =	vshll.u32 v41, $0x8;
	v61 =	vand.u32 $0x4F, v43;
	v58 =	vld.idx.msk [tilespmem:v42+s6+$0x0], $0xffff  }
0x42: {  	v12 =	vor.u32 v23, v12;
	v30 =	vor.u32 v16, v5;
	v15 =	vand.u32 $0x4F, v15  }
0x43: {  	v14 =	vor.u32 v18, v3;
	v18 =	vor.u32 v18, v1;
	v26 =	vor.u32 v15, v5  }
0x44: {  	v33 =	vor.u32 v15, v9;
	v15 =	vor.u32 v15, v10;
	v35 =	vmul.f32 v25, v2  }
0x45: {  	v60 =	vld.idx.msk [tilespmem:v43+s6+$0x0], $0xffff;
	v43 =	vor.u32 v61, v5;
	v25 =	vor.u32 v34, v10;
	v28 =	vmul.f32 v21, v2  }
0x46: {  	v31 =	vmul.f32 v31, v2;
	[tilespmem:v29+s22+$0x0] =	vst.idx.msk $0xffff, v35;
	v35 =	vshll.u32 v56, $0x7;
	v41 =	vmul.f32 v58, v2  }
0x47: {  	v21 =	vor.u32 v16, v10;
	v16 =	vor.u32 v16, v9;
	v35 =	vand.u32 $0x380, v35;
	[tilespmem:v12+s22+$0x0] =	vst.idx.msk $0xffff, v28  }
0x48: {  	v50 =	vor.u32 v35, v8;
	v12 =	vshll.u32 v19, $0x8;
	v19 =	vor.u32 v24, v3;
	v24 =	vld.idx.msk [tilespmem:v26+s6+$0x0], $0xffff  }
0x49: {  	v26 =	vor.u32 v23, v32;
	v28 =	vor.u32 v13, v19;
	v19 =	vor.u32 v23, v14  }
0x4a: {  	v29 =	vand.u32 $0x7FFFC800, v12;
	v12 =	vor.u32 v17, v8;
	v14 =	vadd.s32 s1, v0  }
0x4b: {  	v13 =	vld.idx.msk [tilespmem:v30+s6+$0x0], $0xffff;
	v30 =	vor.u32 v29, v12;
	v12 =	vor.u32 v29, v22;
	v22 =	vand.u32 $0xF, v14  }
0x4c: {  	v42 =	vmul.f32 v60, v2;
	v20 =	vor.u32 v29, v20;
	v53 =	vor.u32 v4, v22  }
0x4d: {  	v32 =	vor.u32 v34, v9;
	v22 =	vor.u32 v6, v22;
	v24 =	vmul.f32 v24, v2  }
0x4e: {  	v17 =	vor.u32 v17, v3;
	v36 =	vshll.u32 v14, $0x7;
	v14 =	vshll.u32 v22, $0x8  }
0x4f: {  	v29 =	vor.u32 v29, v17;
	v22 =	vand.u32 $0x4F, v53;
	v37 =	vand.u32 $0x7FFFC800, v14;
	[tilespmem:v26+s22+$0x0] =	vst.idx.msk $0xffff, v24  }
0x50: {  	v24 =	vmul.f32 v13, v2;
	v13 =	vor.u32 v23, v18;
	v23 =	vor.u32 v34, v5  }
0x51: {  	v14 =	vor.u32 v22, v10;
	[tilespmem:v20+s22+$0x0] =	vst.idx.msk $0xffff, v31;
	v20 =	vshll.u32 v40, $0x8;
	v26 =	vand.u32 $0x380, v36;
	v54 =	vld.idx.msk [tilespmem:v53+s6+$0x0], $0xffff  }
0x52: {  	v31 =	vor.u32 v39, v7;
	v40 =	vor.u32 v48, v5;
	v18 =	vld.idx.msk [tilespmem:v33+s6+$0x0], $0xffff;
	v55 =	vor.u32 v26, v7  }
0x53: {  	v34 =	vor.u32 v22, v9;
	v22 =	vor.u32 v22, v5;
	v17 =	vor.u32 v37, v55  }
0x54: {  	v47 =	vand.u32 $0x7FFFC800, v20;
	v20 =	vor.u32 v35, v7;
	v36 =	vor.u32 v26, v8  }
0x55: {  	v49 =	vor.u32 v26, v3;
	v50 =	vor.u32 v47, v50;
	v36 =	vor.u32 v37, v36;
	v23 =	vld.idx.msk [tilespmem:v23+s6+$0x0], $0xffff  }
0x56: {  	[tilespmem:v27+s22+$0x0] =	vst.idx.msk $0xffff, v24;
	v24 =	vor.u32 v46, v5;
	v33 =	vmul.f32 v54, v2;
	v54 =	vand.u32 $0x7FFFC800, v45  }
0x57: {  	s15 =	simm.s32 $0x4;
	v62 =	vld.idx.msk [tilespmem:v16+s6+$0x0], $0xffff;
	v16 =	vor.u32 v38, v3;
	v18 =	vmul.f32 v18, v2;
	v31 =	vor.u32 v54, v31  }
0x58: {  	v55 =	vadd.s32 s15, v0;
	[tilespmem:v17+s22+$0x0] =	vst.idx.msk $0xffff, v33;
	v17 =	vor.u32 v47, v20;
	v20 =	vor.u32 v38, v8  }
0x59: {  	v44 =	vld.idx.msk [tilespmem:v44+s6+$0x0], $0xffff;
	[tilespmem:v19+s22+$0x0] =	vst.idx.msk $0xffff, v18;
	v19 =	vand.u32 $0x7FFFC800, v57;
	v18 =	vor.u32 v38, v7;
	v57 =	vand.u32 $0xF, v55  }
0x5a: {  	v22 =	vld.idx.msk [tilespmem:v22+s6+$0x0], $0xffff;
	v27 =	vor.u32 v19, v18;
	v18 =	vor.u32 v19, v20;
	v23 =	vmul.f32 v23, v2  }
0x5b: {  	v20 =	vor.u32 v38, v1;
	v52 =	vld.idx.msk [tilespmem:v15+s6+$0x0], $0xffff;
	v15 =	vor.u32 v61, v10;
	v60 =	vor.u32 v4, v57  }
0x5c: {  	v20 =	vor.u32 v19, v20;
	[tilespmem:v30+s22+$0x0] =	vst.idx.msk $0xffff, v23;
	v23 =	vor.u32 v35, v3  }
0x5d: {  	[tilespmem:v17+s22+$0x0] =	vst.idx.msk $0xffff, v41;
	v17 =	vor.u32 v19, v16;
	v16 =	vor.u32 v48, v10  }
0x5e: {  	v30 =	vmul.f32 v44, v2;
	v19 =	vor.u32 v48, v9;
	v41 =	vmul.f32 v62, v2  }
0x5f: {  	v62 =	vor.u32 v35, v1;
	v35 =	vor.u32 v46, v10;
	v63 =	vmul.f32 v22, v2;
	v53 =	vld.idx.msk [tilespmem:v24+s6+$0x0], $0xffff  }
0x60: {  	v22 =	vor.u32 v47, v23;
	v32 =	vld.idx.msk [tilespmem:v32+s6+$0x0], $0xffff;
	v23 =	vor.u32 v39, v8;
	v24 =	vor.u32 v26, v1  }
0x61: {  	v26 =	vor.u32 v61, v9;
	[tilespmem:v27+s22+$0x0] =	vst.idx.msk $0xffff, v42;
	v23 =	vor.u32 v54, v23  }
0x62: {  	v27 =	vor.u32 v54, v59;
	v24 =	vor.u32 v37, v24;
	[tilespmem:v28+s22+$0x0] =	vst.idx.msk $0xffff, v41  }
0x63: {  	v37 =	vor.u32 v37, v49;
	v59 =	vshll.u32 v55, $0x7;
	v43 =	vld.idx.msk [tilespmem:v43+s6+$0x0], $0xffff;
	[tilespmem:v36+s22+$0x0] =	vst.idx.msk $0xffff, v63  }
0x64: {  	v28 =	vor.u32 v6, v57;
	v42 =	vand.u32 $0x4F, v60;
	v56 =	vld.idx.msk [tilespmem:v34+s6+$0x0], $0xffff;
	v58 =	vmul.f32 v53, v2  }
0x65: {  	v28 =	vshll.u32 v28, $0x8;
	v38 =	vld.idx.msk [tilespmem:v21+s6+$0x0], $0xffff;
	v36 =	vmul.f32 v52, v2;
	v61 =	vmul.f32 v32, v2  }
0x66: {  	v63 =	vor.u32 v39, v3;
	v21 =	vand.u32 $0x7FFFC800, v28;
	v28 =	vand.u32 $0x380, v59;
	[tilespmem:v50+s22+$0x0] =	vst.idx.msk $0xffff, v58  }
0x67: {  	v34 =	vor.u32 v42, v10;
	v46 =	vor.u32 v28, v7;
	[tilespmem:v29+s22+$0x0] =	vst.idx.msk $0xffff, v61;
	v41 =	vld.idx.msk [tilespmem:v51+s6+$0x0], $0xffff  }
0x68: {  	v32 =	vor.u32 v47, v62;
	v33 =	vmul.f32 v43, v2;
	v29 =	vor.u32 v42, v9;
	v39 =	vld.idx.msk [tilespmem:v25+s6+$0x0], $0xffff  }
0x69: {  	s4 =	simm.s32 $0x8;
	v45 =	vld.idx.msk [tilespmem:v60+s6+$0x0], $0xffff;
	v43 =	vor.u32 v28, v8;
	v44 =	vmul.f32 v56, v2;
	v25 =	vor.u32 v54, v63  }
.LBB2_4:
0x6a: {  	s8 =	sadd.s32 $0x1, s4;
	s9 =	sadd.s32 $0x2, s4;
	s10 =	sadd.s32 $0x3, s4;
	v46 =	vor.u32 v21, v46;
	v42 =	vor.u32 v42, v5;
	v38 =	vmul.f32 v38, v2  }
0x6b: {  	p1 =	slt.u32 s4, $0xC;
	v47 =	vadd.s32 s8, v0;
	v48 =	vadd.s32 s9, v0;
	v49 =	vadd.s32 s10, v0;
	[tilespmem:v37+s22+$0x0] =	vst.idx.msk $0xffff, v44;
	s8 =	smov.u32 s4;
	s4 =	sadd.s32 $0x4, s4  }
0x6c: {  	v41 =	vmul.f32 v41, v2;
	v37 =	vand.u32 $0xF, v47;
	v44 =	vand.u32 $0xF, v48;
	v50 =	vld.idx.msk [tilespmem:v14+s6+$0x0], $0xffff;
	[tilespmem:v11+s22+$0x0] =	vst.idx.msk $0xffff, v38  }
0x6d: {  	v14 =	vmul.f32 v39, v2;
	v11 =	vmovc v20;
	v38 =	vor.u32 v4, v37;
	v51 =	vor.u32 v4, v44  }
0x6e: {  	v20 =	vor.u32 v6, v37;
	v37 =	vand.u32 $0xF, v49;
	v39 =	vmul.f32 v45, v2;
	[tilespmem:v13+s22+$0x0] =	vst.idx.msk $0xffff, v36  }
0x6f: {  	v45 =	vshll.u32 v49, $0x7;
	v13 =	vshll.u32 v47, $0x7;
	v36 =	vor.u32 v6, v37;
	[tilespmem:v12+s22+$0x0] =	vst.idx.msk $0xffff, v14;
	v12 =	vmovc v27  }
0x70: {  	v37 =	vor.u32 v4, v37;
	v27 =	vor.u32 v6, v44;
	v44 =	vand.u32 $0x380, v45;
	[tilespmem:v31+s22+$0x0] =	vst.idx.msk $0xffff, v30  }
0x71: {  	v43 =	vor.u32 v21, v43;
	v20 =	vshll.u32 v20, $0x8;
	v31 =	vor.u32 v44, v7;
	v14 =	vmovc v34;
	v30 =	vld.idx.msk [tilespmem:v40+s6+$0x0], $0xffff  }
0x72: {  	v27 =	vshll.u32 v27, $0x8;
	v40 =	vshll.u32 v48, $0x7;
	v34 =	vld.idx.msk [tilespmem:v38+s6+$0x0], $0xffff;
	[tilespmem:v46+s22+$0x0] =	vst.idx.msk $0xffff, v39;
	v39 =	vmul.f32 v50, v2  }
0x73: {  	v45 =	vand.u32 $0x380, v13;
	v47 =	vor.u32 v44, v1;
	v13 =	vmovc v32;
	v46 =	vand.u32 $0x4F, v38;
	v38 =	vld.idx.msk [tilespmem:v51+s6+$0x0], $0xffff  }
0x74: {  	v32 =	vand.u32 $0x7FFFC800, v20;
	v20 =	vor.u32 v45, v7;
	v48 =	vand.u32 $0x4F, v37;
	v42 =	vld.idx.msk [tilespmem:v42+s6+$0x0], $0xffff;
	[tilespmem:v24+s22+$0x0] =	vst.idx.msk $0xffff, v39  }
0x75: {  	v24 =	vor.u32 v32, v20;
	v39 =	vand.u32 $0x380, v40;
	v40 =	vor.u32 v28, v3;
	[tilespmem:v22+s22+$0x0] =	vst.idx.msk $0xffff, v41  }
0x76: {  	v22 =	vand.u32 $0x7FFFC800, v27;
	v20 =	vor.u32 v39, v7;
	v41 =	vand.u32 $0x4F, v51;
	v35 =	vld.idx.msk [tilespmem:v35+s6+$0x0], $0xffff;
	[tilespmem:v18+s22+$0x0] =	vst.idx.msk $0xffff, v33  }
0x77: {  	v27 =	vor.u32 v46, v5;
	v18 =	vor.u32 v39, v8;
	v30 =	vmul.f32 v30, v2  }
0x78: {  	v33 =	vor.u32 v22, v20;
	v49 =	vor.u32 v41, v5;
	v18 =	vor.u32 v22, v18;
	v37 =	vld.idx.msk [tilespmem:v37+s6+$0x0], $0xffff  }
0x79: {  	v50 =	vor.u32 v45, v8;
	v20 =	vor.u32 v39, v1;
	v34 =	vmul.f32 v34, v2  }
0x7a: {  	v51 =	vor.u32 v46, v9;
	v52 =	vor.u32 v41, v10;
	v20 =	vor.u32 v22, v20;
	v26 =	vld.idx.msk [tilespmem:v26+s6+$0x0], $0xffff  }
0x7b: {  	v36 =	vshll.u32 v36, $0x8;
	v53 =	vor.u32 v45, v3;
	v38 =	vmul.f32 v38, v2;
	[tilespmem:v23+s22+$0x0] =	vst.idx.msk $0xffff, v30  }
0x7c: {  	v23 =	vor.u32 v39, v3;
	[tilespmem:v24+s22+$0x0] =	vst.idx.msk $0xffff, v34;
	v24 =	vmul.f32 v42, v2;
	v34 =	vld.idx.msk [tilespmem:v19+s6+$0x0], $0xffff  }
0x7d: {  	v54 =	vor.u32 v48, v10;
	v50 =	vor.u32 v32, v50;
	v42 =	vor.u32 v22, v23;
	v39 =	vld.idx.msk [tilespmem:v27+s6+$0x0], $0xffff  }
0x7e: {  	v22 =	vor.u32 v32, v53;
	v19 =	vor.u32 v48, v9;
	v30 =	vmul.f32 v37, v2  }
0x7f: {  	v28 =	vor.u32 v28, v1;
	v53 =	vand.u32 $0x7FFFC800, v36;
	v23 =	vor.u32 v44, v8;
	[tilespmem:v33+s22+$0x0] =	vst.idx.msk $0xffff, v38  }
0x80: {  	v31 =	vor.u32 v53, v31;
	v23 =	vor.u32 v53, v23;
	v33 =	vld.idx.msk [tilespmem:v49+s6+$0x0], $0xffff;
	[tilespmem:v43+s22+$0x0] =	vst.idx.msk $0xffff, v24  }
0x81: {  	v27 =	vor.u32 v53, v47;
	v24 =	vor.u32 v21, v28;
	v28 =	vmul.f32 v26, v2  }
0x82: {  	v36 =	vadd.s32 s8, v0;
	v37 =	vor.u32 v21, v40;
	v26 =	vor.u32 v41, v9;
	v29 =	vld.idx.msk [tilespmem:v29+s6+$0x0], $0xffff  }
0x83: {  	v21 =	vand.u32 $0xF, v36;
	v43 =	vshll.u32 v36, $0x7;
	v36 =	vmul.f32 v39, v2;
	[tilespmem:v17+s22+$0x0] =	vst.idx.msk $0xffff, v28;
	v17 =	vmovc v42  }
0x84: {  	v39 =	vmul.f32 v34, v2;
	v28 =	vor.u32 v4, v21;
	v21 =	vor.u32 v6, v21;
	v38 =	vld.idx.msk [tilespmem:v15+s6+$0x0], $0xffff  }
0x85: {  	v21 =	vshll.u32 v21, $0x8;
	v42 =	vand.u32 $0x4F, v28;
	v15 =	vmovc v52;
	[tilespmem:v50+s22+$0x0] =	vst.idx.msk $0xffff, v36;
	v36 =	vmul.f32 v35, v2  }
.Ltmp0:
0x86: {  	v21 =	vand.u32 $0x7FFFC800, v21;
	v35 =	vor.u32 v45, v1;
	v33 =	vmul.f32 v33, v2;
	v41 =	vld.idx.msk [tilespmem:v51+s6+$0x0], $0xffff;
	(pc) =	sbr.rel @p1 .LBB2_4-.Ltmp0, $4  }
0x87: {  	v34 =	vor.u32 v42, v10;
	v32 =	vor.u32 v32, v35;
	[tilespmem:v25+s22+$0x0] =	vst.idx.msk $0xffff, v39  }
0x88: {  	v40 =	vor.u32 v48, v5;
	v25 =	vor.u32 v44, v3;
	v44 =	vmul.f32 v29, v2;
	v39 =	vld.idx.msk [tilespmem:v16+s6+$0x0], $0xffff  }
0x89: {  	v35 =	vor.u32 v46, v10;
	v29 =	vor.u32 v42, v9;
	v16 =	vmovc v54;
	v45 =	vld.idx.msk [tilespmem:v28+s6+$0x0], $0xffff;
	v28 =	vand.u32 $0x380, v43  }
0x8a: {  	v25 =	vor.u32 v53, v25;
	v46 =	vor.u32 v28, v7;
	v43 =	vor.u32 v28, v8  }
0x8b: {  	v4 =	vor.u32 v21, v46  }
0x8c: {  	v5 =	vor.u32 v42, v5;
	_ =	sdelay $0x1  }
0x8d: {  	v6 =	vmul.f32 v45, v2  }
0x8e: {  	[tilespmem:v31+s22+$0x0] =	vst.idx.msk $0xffff, v30  }
0x8f: {  	v7 =	vld.idx.msk [tilespmem:v40+s6+$0x0], $0xffff;
	[tilespmem:v4+s22+$0x0] =	vst.idx.msk $0xffff, v6  }
0x90: {  	v4 =	vld.idx.msk [tilespmem:v5+s6+$0x0], $0xffff;
	_ =	sdelay $0x1  }
0x91: {  	v54 =	vor.u32 v21, v43;
	_ =	sdelay $0x1  }
0x92: {  	[tilespmem:v18+s22+$0x0] =	vst.idx.msk $0xffff, v33;
	v55 =	vmul.f32 v7, v2  }
0x93: {  	v56 =	vld.idx.msk [tilespmem:v26+s6+$0x0], $0xffff;
	v4 =	vmul.f32 v4, v2  }
0x94: {  	[tilespmem:v23+s22+$0x0] =	vst.idx.msk $0xffff, v55  }
0x95: {  	v6 =	vld.idx.msk [tilespmem:v19+s6+$0x0], $0xffff;
	[tilespmem:v54+s22+$0x0] =	vst.idx.msk $0xffff, v4  }
0x96: {  	v4 =	vld.idx.msk [tilespmem:v29+s6+$0x0], $0xffff  }
0x97: {  	v3 =	vor.u32 v28, v3  }
0x98: {  	v3 =	vor.u32 v21, v3;
	v57 =	vmul.f32 v56, v2  }
0x99: {  	[tilespmem:v37+s22+$0x0] =	vst.idx.msk $0xffff, v44;
	v58 =	vmul.f32 v41, v2  }
0x9a: {  	v8 =	vld.idx.msk [tilespmem:v14+s6+$0x0], $0xffff;
	[tilespmem:v17+s22+$0x0] =	vst.idx.msk $0xffff, v57;
	v59 =	vmul.f32 v6, v2  }
0x9b: {  	[tilespmem:v22+s22+$0x0] =	vst.idx.msk $0xffff, v58;
	v60 =	vld.idx.msk [tilespmem:v15+s6+$0x0], $0xffff;
	v4 =	vmul.f32 v4, v2  }
0x9c: {  	v9 =	vld.idx.msk [tilespmem:v35+s6+$0x0], $0xffff;
	[tilespmem:v25+s22+$0x0] =	vst.idx.msk $0xffff, v59  }
0x9d: {  	v61 =	vmul.f32 v38, v2;
	v5 =	vld.idx.msk [tilespmem:v16+s6+$0x0], $0xffff;
	[tilespmem:v3+s22+$0x0] =	vst.idx.msk $0xffff, v4  }
0x9e: {  	[tilespmem:v13+s22+$0x0] =	vst.idx.msk $0xffff, v36;
	v3 =	vmul.f32 v39, v2;
	v4 =	vld.idx.msk [tilespmem:v34+s6+$0x0], $0xffff  }
0x9f: {  	v1 =	vor.u32 v28, v1;
	s2 =	sadd.s32 $0x1, s2;
	[tilespmem:v11+s22+$0x0] =	vst.idx.msk $0xffff, v61;
	v62 =	vmul.f32 v8, v2  }
0xa0: {  	v1 =	vor.u32 v21, v1;
	p1 =	sne.s32 s2, $0x20;
	[tilespmem:v12+s22+$0x0] =	vst.idx.msk $0xffff, v3;
	v3 =	vmul.f32 v60, v2  }
.Ltmp1:
0xa1: {  	[tilespmem:v24+s22+$0x0] =	vst.idx.msk $0xffff, v62;
	v63 =	vmul.f32 v9, v2;
	(pc) =	sbr.rel @p1 .LBB2_3-.Ltmp1, $4  }
0xa2: {  	[tilespmem:v20+s22+$0x0] =	vst.idx.msk $0xffff, v3;
	v3 =	vmul.f32 v5, v2  }
0xa3: {  	[tilespmem:v32+s22+$0x0] =	vst.idx.msk $0xffff, v63;
	v2 =	vmul.f32 v4, v2  }
0xa4: {  	[tilespmem:v27+s22+$0x0] =	vst.idx.msk $0xffff, v3  }
0xa5: {  	[tilespmem:v1+s22+$0x0] =	vst.idx.msk $0xffff, v2  }
0xa6: {  	s1 =	sshll.u32 s29, $0xF  }
0xa7: {  	s1 =	sadd.s32 s1, s12  }
0xa8: {  	[hbm4b:s1+s6] =	stream.linear.scatter [tilespmem:s22], [sflag:$0x3], $0x8000, $0x38;
	[tilespmem:$0x12C80] =	vst v63  }
0xa9: {  	s1 =	simm.s32 @!p0 $0x4  }
0xaa: {  	_ =	swait.ge @!p0 [sflag:s1], $0x8000  }
0xab: {  	[sflag:s1] =	ssyncset.done @!p0 $0x0  }
0xac: {  	s2 =	simm.s32 $0x0;
	[sflag:s1] =	ssyncadd.s32 @!p0 $0xFFFF8000;
	s1 =	simm.s32 $0x0  }
.LBB2_7:
0xad: {  	s4 =	sshrl.u32 s2, $0x4;
	s8 =	sshll.u32 s2, $0x7  }
0xae: {  	s9 =	sshll.u32 s2, $0x4;
	s8 =	sand.u32 $0x400, s8;
	s10 =	sshll.u32 s4, $0x7  }
0xaf: {  	s15 =	simm.s32 $0x3;
	s11 =	sand.u32 $0x70, s9;
	s8 =	sadd.s32 s8, s10  }
0xb0: {  	s9 =	sand.u32 $0xF0, s9;
	s4 =	sshll.u32 s4, $0x6;
	s8 =	sor.u32 s11, s8  }
0xb1: {  	v14 =	vadd.s32 s15, v0;
	v2 =	vmov s9;
	v6 =	vmov s4;
	s11 =	simm.s32 $0x2;
	v1 =	vld [tilespmem:s8+$0xD80]  }
0xb2: {  	v17 =	vand.u32 $0xF, v14;
	v2 =	vshll.u32 v2, $0x3;
	v11 =	vadd.s32 s11, v0;
	s11 =	simm.s32 $0x7  }
0xb3: {  	v19 =	vor.u32 v6, v17;
	v2 =	vand.u32 $0x400, v2;
	v39 =	vadd.s32 s11, v0  }
0xb4: {  	v13 =	vand.u32 $0xF, v11;
	v11 =	vshll.u32 v11, $0x7;
	v44 =	vand.u32 $0xF, v39  }
0xb5: {  	v24 =	vand.u32 $0x380, v11;
	v39 =	vshll.u32 v39, $0x7;
	v45 =	vor.u32 v6, v44  }
0xb6: {  	v39 =	vand.u32 $0x380, v39;
	v4 =	vshll.u32 v1, $0x6;
	v1 =	vor.u32 s9, v0  }
0xb7: {  	v45 =	vshll.u32 v45, $0x8;
	s9 =	simm.s32 $0x5;
	v1 =	vand.u32 $0x7F, v1;
	v10 =	vand.u32 $0xFFFFFF80, v4  }
0xb8: {  	v16 =	vor.u32 v4, v13;
	v13 =	vor.u32 v6, v13;
	v56 =	vadd.s32 s9, v0  }
0xb9: {  	s10 =	simm.s32 $0x1;
	v44 =	vor.u32 v4, v44;
	v7 =	vor.u32 v2, v1;
	v5 =	vor.u32 $0x10, v10  }
0xba: {  	v9 =	vor.u32 $0x20, v10;
	v10 =	vor.u32 $0x30, v10;
	v2 =	vadd.s32 s10, v0  }
0xbb: {  	v13 =	vshll.u32 v13, $0x8;
	v40 =	vand.u32 $0xF, v56;
	v48 =	vand.u32 $0x4F, v44  }
0xbc: {  	v8 =	vor.u32 $0x1000, v7;
	v3 =	vor.u32 $0x2000, v7;
	v1 =	vor.u32 $0x3000, v7  }
0xbd: {  	v12 =	vand.u32 $0xF, v2;
	v18 =	vshll.u32 v2, $0x7;
	v2 =	vshll.u32 v14, $0x7  }
0xbe: {  	s10 =	simm.s32 $0x6;
	v14 =	vor.u32 v4, v17;
	v13 =	vand.u32 $0x7FFFC800, v13;
	v11 =	vor.u32 v24, v7  }
0xbf: {  	v38 =	vadd.s32 s10, v0;
	v42 =	vor.u32 v4, v40;
	v40 =	vor.u32 v6, v40  }
0xc0: {  	v15 =	vor.u32 v4, v12;
	v12 =	vor.u32 v6, v12;
	v17 =	vand.u32 $0x380, v2  }
0xc1: {  	v18 =	vand.u32 $0x380, v18;
	v27 =	vor.u32 v24, v8;
	v29 =	vor.u32 v13, v11  }
0xc2: {  	v11 =	vor.u32 v24, v1;
	v34 =	vand.u32 $0x4F, v14;
	v41 =	vand.u32 $0xF, v38  }
0xc3: {  	v38 =	vshll.u32 v38, $0x7;
	v46 =	vand.u32 $0x4F, v42;
	v59 =	vor.u32 v39, v1  }
0xc4: {  	v2 =	vld [tilespmem:s8+$0x1D80];
	v12 =	vshll.u32 v12, $0x8;
	v20 =	vor.u32 v17, v7;
	v22 =	vor.u32 v17, v1  }
0xc5: {  	v27 =	vor.u32 v13, v27;
	v32 =	vor.u32 v18, v8;
	v11 =	vor.u32 v13, v11;
	v25 =	vld.idx.msk [tilespmem:v16+s6+$0x0], $0xffff  }
0xc6: {  	v43 =	vor.u32 v4, v41;
	v41 =	vor.u32 v6, v41;
	v38 =	vand.u32 $0x380, v38;
	v31 =	vld.idx.msk [tilespmem:v14+s6+$0x0], $0xffff  }
0xc7: {  	v51 =	vor.u32 v46, v9;
	v23 =	vand.u32 $0x7FFFC800, v12;
	v12 =	vor.u32 v18, v7;
	v21 =	vld.idx.msk [tilespmem:v15+s6+$0x0], $0xffff  }
0xc8: {  	v16 =	vand.u32 $0x4F, v16;
	v57 =	vshll.u32 v41, $0x8;
	v61 =	vand.u32 $0x4F, v43;
	v58 =	vld.idx.msk [tilespmem:v42+s6+$0x0], $0xffff  }
0xc9: {  	v12 =	vor.u32 v23, v12;
	v30 =	vor.u32 v16, v5;
	v15 =	vand.u32 $0x4F, v15  }
0xca: {  	v14 =	vor.u32 v18, v3;
	v18 =	vor.u32 v18, v1;
	v26 =	vor.u32 v15, v5  }
0xcb: {  	v33 =	vor.u32 v15, v9;
	v15 =	vor.u32 v15, v10;
	v35 =	vmul.f32 v25, v2  }
0xcc: {  	v60 =	vld.idx.msk [tilespmem:v43+s6+$0x0], $0xffff;
	v43 =	vor.u32 v61, v5;
	v25 =	vor.u32 v34, v10;
	v28 =	vmul.f32 v21, v2  }
0xcd: {  	v31 =	vmul.f32 v31, v2;
	[tilespmem:v29+s23+$0x0] =	vst.idx.msk $0xffff, v35;
	v35 =	vshll.u32 v56, $0x7;
	v41 =	vmul.f32 v58, v2  }
0xce: {  	v21 =	vor.u32 v16, v10;
	v16 =	vor.u32 v16, v9;
	v35 =	vand.u32 $0x380, v35;
	[tilespmem:v12+s23+$0x0] =	vst.idx.msk $0xffff, v28  }
0xcf: {  	v50 =	vor.u32 v35, v8;
	v12 =	vshll.u32 v19, $0x8;
	v19 =	vor.u32 v24, v3;
	v24 =	vld.idx.msk [tilespmem:v26+s6+$0x0], $0xffff  }
0xd0: {  	v26 =	vor.u32 v23, v32;
	v28 =	vor.u32 v13, v19;
	v19 =	vor.u32 v23, v14  }
0xd1: {  	v29 =	vand.u32 $0x7FFFC800, v12;
	v12 =	vor.u32 v17, v8;
	v14 =	vadd.s32 s1, v0  }
0xd2: {  	v13 =	vld.idx.msk [tilespmem:v30+s6+$0x0], $0xffff;
	v30 =	vor.u32 v29, v12;
	v12 =	vor.u32 v29, v22;
	v22 =	vand.u32 $0xF, v14  }
0xd3: {  	v42 =	vmul.f32 v60, v2;
	v20 =	vor.u32 v29, v20;
	v53 =	vor.u32 v4, v22  }
0xd4: {  	v32 =	vor.u32 v34, v9;
	v22 =	vor.u32 v6, v22;
	v24 =	vmul.f32 v24, v2  }
0xd5: {  	v17 =	vor.u32 v17, v3;
	v36 =	vshll.u32 v14, $0x7;
	v14 =	vshll.u32 v22, $0x8  }
0xd6: {  	v29 =	vor.u32 v29, v17;
	v22 =	vand.u32 $0x4F, v53;
	v37 =	vand.u32 $0x7FFFC800, v14;
	[tilespmem:v26+s23+$0x0] =	vst.idx.msk $0xffff, v24  }
0xd7: {  	v24 =	vmul.f32 v13, v2;
	v13 =	vor.u32 v23, v18;
	v23 =	vor.u32 v34, v5  }
0xd8: {  	v14 =	vor.u32 v22, v10;
	[tilespmem:v20+s23+$0x0] =	vst.idx.msk $0xffff, v31;
	v20 =	vshll.u32 v40, $0x8;
	v26 =	vand.u32 $0x380, v36;
	v54 =	vld.idx.msk [tilespmem:v53+s6+$0x0], $0xffff  }
0xd9: {  	v31 =	vor.u32 v39, v7;
	v40 =	vor.u32 v48, v5;
	v18 =	vld.idx.msk [tilespmem:v33+s6+$0x0], $0xffff;
	v55 =	vor.u32 v26, v7  }
0xda: {  	v34 =	vor.u32 v22, v9;
	v22 =	vor.u32 v22, v5;
	v17 =	vor.u32 v37, v55  }
0xdb: {  	v47 =	vand.u32 $0x7FFFC800, v20;
	v20 =	vor.u32 v35, v7;
	v36 =	vor.u32 v26, v8  }
0xdc: {  	v49 =	vor.u32 v26, v3;
	v50 =	vor.u32 v47, v50;
	v36 =	vor.u32 v37, v36;
	v23 =	vld.idx.msk [tilespmem:v23+s6+$0x0], $0xffff  }
0xdd: {  	[tilespmem:v27+s23+$0x0] =	vst.idx.msk $0xffff, v24;
	v24 =	vor.u32 v46, v5;
	v33 =	vmul.f32 v54, v2;
	v54 =	vand.u32 $0x7FFFC800, v45  }
0xde: {  	s15 =	simm.s32 $0x4;
	v62 =	vld.idx.msk [tilespmem:v16+s6+$0x0], $0xffff;
	v16 =	vor.u32 v38, v3;
	v18 =	vmul.f32 v18, v2;
	v31 =	vor.u32 v54, v31  }
0xdf: {  	v55 =	vadd.s32 s15, v0;
	[tilespmem:v17+s23+$0x0] =	vst.idx.msk $0xffff, v33;
	v17 =	vor.u32 v47, v20;
	v20 =	vor.u32 v38, v8  }
0xe0: {  	v44 =	vld.idx.msk [tilespmem:v44+s6+$0x0], $0xffff;
	[tilespmem:v19+s23+$0x0] =	vst.idx.msk $0xffff, v18;
	v19 =	vand.u32 $0x7FFFC800, v57;
	v18 =	vor.u32 v38, v7;
	v57 =	vand.u32 $0xF, v55  }
0xe1: {  	v22 =	vld.idx.msk [tilespmem:v22+s6+$0x0], $0xffff;
	v27 =	vor.u32 v19, v18;
	v18 =	vor.u32 v19, v20;
	v23 =	vmul.f32 v23, v2  }
0xe2: {  	v20 =	vor.u32 v38, v1;
	v52 =	vld.idx.msk [tilespmem:v15+s6+$0x0], $0xffff;
	v15 =	vor.u32 v61, v10;
	v60 =	vor.u32 v4, v57  }
0xe3: {  	v20 =	vor.u32 v19, v20;
	[tilespmem:v30+s23+$0x0] =	vst.idx.msk $0xffff, v23;
	v23 =	vor.u32 v35, v3  }
0xe4: {  	[tilespmem:v17+s23+$0x0] =	vst.idx.msk $0xffff, v41;
	v17 =	vor.u32 v19, v16;
	v16 =	vor.u32 v48, v10  }
0xe5: {  	v30 =	vmul.f32 v44, v2;
	v19 =	vor.u32 v48, v9;
	v41 =	vmul.f32 v62, v2  }
0xe6: {  	v62 =	vor.u32 v35, v1;
	v35 =	vor.u32 v46, v10;
	v63 =	vmul.f32 v22, v2;
	v53 =	vld.idx.msk [tilespmem:v24+s6+$0x0], $0xffff  }
0xe7: {  	v22 =	vor.u32 v47, v23;
	v32 =	vld.idx.msk [tilespmem:v32+s6+$0x0], $0xffff;
	v23 =	vor.u32 v39, v8;
	v24 =	vor.u32 v26, v1  }
0xe8: {  	v26 =	vor.u32 v61, v9;
	[tilespmem:v27+s23+$0x0] =	vst.idx.msk $0xffff, v42;
	v23 =	vor.u32 v54, v23  }
0xe9: {  	v27 =	vor.u32 v54, v59;
	v24 =	vor.u32 v37, v24;
	[tilespmem:v28+s23+$0x0] =	vst.idx.msk $0xffff, v41  }
0xea: {  	v37 =	vor.u32 v37, v49;
	v59 =	vshll.u32 v55, $0x7;
	v43 =	vld.idx.msk [tilespmem:v43+s6+$0x0], $0xffff;
	[tilespmem:v36+s23+$0x0] =	vst.idx.msk $0xffff, v63  }
0xeb: {  	v28 =	vor.u32 v6, v57;
	v42 =	vand.u32 $0x4F, v60;
	v56 =	vld.idx.msk [tilespmem:v34+s6+$0x0], $0xffff;
	v58 =	vmul.f32 v53, v2  }
0xec: {  	v28 =	vshll.u32 v28, $0x8;
	v38 =	vld.idx.msk [tilespmem:v21+s6+$0x0], $0xffff;
	v36 =	vmul.f32 v52, v2;
	v61 =	vmul.f32 v32, v2  }
0xed: {  	v63 =	vor.u32 v39, v3;
	v21 =	vand.u32 $0x7FFFC800, v28;
	v28 =	vand.u32 $0x380, v59;
	[tilespmem:v50+s23+$0x0] =	vst.idx.msk $0xffff, v58  }
0xee: {  	v34 =	vor.u32 v42, v10;
	v46 =	vor.u32 v28, v7;
	[tilespmem:v29+s23+$0x0] =	vst.idx.msk $0xffff, v61;
	v41 =	vld.idx.msk [tilespmem:v51+s6+$0x0], $0xffff  }
0xef: {  	v32 =	vor.u32 v47, v62;
	v33 =	vmul.f32 v43, v2;
	v29 =	vor.u32 v42, v9;
	v39 =	vld.idx.msk [tilespmem:v25+s6+$0x0], $0xffff  }
0xf0: {  	s4 =	simm.s32 $0x8;
	v45 =	vld.idx.msk [tilespmem:v60+s6+$0x0], $0xffff;
	v43 =	vor.u32 v28, v8;
	v44 =	vmul.f32 v56, v2;
	v25 =	vor.u32 v54, v63  }
.LBB2_8:
0xf1: {  	s8 =	sadd.s32 $0x1, s4;
	s9 =	sadd.s32 $0x2, s4;
	s10 =	sadd.s32 $0x3, s4;
	v46 =	vor.u32 v21, v46;
	v42 =	vor.u32 v42, v5;
	v38 =	vmul.f32 v38, v2  }
0xf2: {  	p0 =	slt.u32 s4, $0xC;
	v47 =	vadd.s32 s8, v0;
	v48 =	vadd.s32 s9, v0;
	v49 =	vadd.s32 s10, v0;
	[tilespmem:v37+s23+$0x0] =	vst.idx.msk $0xffff, v44;
	s8 =	smov.u32 s4;
	s4 =	sadd.s32 $0x4, s4  }
0xf3: {  	v41 =	vmul.f32 v41, v2;
	v37 =	vand.u32 $0xF, v47;
	v44 =	vand.u32 $0xF, v48;
	v50 =	vld.idx.msk [tilespmem:v14+s6+$0x0], $0xffff;
	[tilespmem:v11+s23+$0x0] =	vst.idx.msk $0xffff, v38  }
0xf4: {  	v14 =	vmul.f32 v39, v2;
	v11 =	vmovc v20;
	v38 =	vor.u32 v4, v37;
	v51 =	vor.u32 v4, v44  }
0xf5: {  	v20 =	vor.u32 v6, v37;
	v37 =	vand.u32 $0xF, v49;
	v39 =	vmul.f32 v45, v2;
	[tilespmem:v13+s23+$0x0] =	vst.idx.msk $0xffff, v36  }
0xf6: {  	v45 =	vshll.u32 v49, $0x7;
	v13 =	vshll.u32 v47, $0x7;
	v36 =	vor.u32 v6, v37;
	[tilespmem:v12+s23+$0x0] =	vst.idx.msk $0xffff, v14;
	v12 =	vmovc v27  }
0xf7: {  	v37 =	vor.u32 v4, v37;
	v27 =	vor.u32 v6, v44;
	v44 =	vand.u32 $0x380, v45;
	[tilespmem:v31+s23+$0x0] =	vst.idx.msk $0xffff, v30  }
0xf8: {  	v43 =	vor.u32 v21, v43;
	v20 =	vshll.u32 v20, $0x8;
	v31 =	vor.u32 v44, v7;
	v14 =	vmovc v34;
	v30 =	vld.idx.msk [tilespmem:v40+s6+$0x0], $0xffff  }
0xf9: {  	v27 =	vshll.u32 v27, $0x8;
	v40 =	vshll.u32 v48, $0x7;
	v34 =	vld.idx.msk [tilespmem:v38+s6+$0x0], $0xffff;
	[tilespmem:v46+s23+$0x0] =	vst.idx.msk $0xffff, v39;
	v39 =	vmul.f32 v50, v2  }
0xfa: {  	v45 =	vand.u32 $0x380, v13;
	v47 =	vor.u32 v44, v1;
	v13 =	vmovc v32;
	v46 =	vand.u32 $0x4F, v38;
	v38 =	vld.idx.msk [tilespmem:v51+s6+$0x0], $0xffff  }
0xfb: {  	v32 =	vand.u32 $0x7FFFC800, v20;
	v20 =	vor.u32 v45, v7;
	v48 =	vand.u32 $0x4F, v37;
	v42 =	vld.idx.msk [tilespmem:v42+s6+$0x0], $0xffff;
	[tilespmem:v24+s23+$0x0] =	vst.idx.msk $0xffff, v39  }
0xfc: {  	v24 =	vor.u32 v32, v20;
	v39 =	vand.u32 $0x380, v40;
	v40 =	vor.u32 v28, v3;
	[tilespmem:v22+s23+$0x0] =	vst.idx.msk $0xffff, v41  }
0xfd: {  	v22 =	vand.u32 $0x7FFFC800, v27;
	v20 =	vor.u32 v39, v7;
	v41 =	vand.u32 $0x4F, v51;
	v35 =	vld.idx.msk [tilespmem:v35+s6+$0x0], $0xffff;
	[tilespmem:v18+s23+$0x0] =	vst.idx.msk $0xffff, v33  }
0xfe: {  	v27 =	vor.u32 v46, v5;
	v18 =	vor.u32 v39, v8;
	v30 =	vmul.f32 v30, v2  }
0xff: {  	v33 =	vor.u32 v22, v20;
	v49 =	vor.u32 v41, v5;
	v18 =	vor.u32 v22, v18;
	v37 =	vld.idx.msk [tilespmem:v37+s6+$0x0], $0xffff  }
0x100: {  	v50 =	vor.u32 v45, v8;
	v20 =	vor.u32 v39, v1;
	v34 =	vmul.f32 v34, v2  }
0x101: {  	v51 =	vor.u32 v46, v9;
	v52 =	vor.u32 v41, v10;
	v20 =	vor.u32 v22, v20;
	v26 =	vld.idx.msk [tilespmem:v26+s6+$0x0], $0xffff  }
0x102: {  	v36 =	vshll.u32 v36, $0x8;
	v53 =	vor.u32 v45, v3;
	v38 =	vmul.f32 v38, v2;
	[tilespmem:v23+s23+$0x0] =	vst.idx.msk $0xffff, v30  }
0x103: {  	v23 =	vor.u32 v39, v3;
	[tilespmem:v24+s23+$0x0] =	vst.idx.msk $0xffff, v34;
	v24 =	vmul.f32 v42, v2;
	v34 =	vld.idx.msk [tilespmem:v19+s6+$0x0], $0xffff  }
0x104: {  	v54 =	vor.u32 v48, v10;
	v50 =	vor.u32 v32, v50;
	v42 =	vor.u32 v22, v23;
	v39 =	vld.idx.msk [tilespmem:v27+s6+$0x0], $0xffff  }
0x105: {  	v22 =	vor.u32 v32, v53;
	v19 =	vor.u32 v48, v9;
	v30 =	vmul.f32 v37, v2  }
0x106: {  	v28 =	vor.u32 v28, v1;
	v53 =	vand.u32 $0x7FFFC800, v36;
	v23 =	vor.u32 v44, v8;
	[tilespmem:v33+s23+$0x0] =	vst.idx.msk $0xffff, v38  }
0x107: {  	v31 =	vor.u32 v53, v31;
	v23 =	vor.u32 v53, v23;
	v33 =	vld.idx.msk [tilespmem:v49+s6+$0x0], $0xffff;
	[tilespmem:v43+s23+$0x0] =	vst.idx.msk $0xffff, v24  }
0x108: {  	v27 =	vor.u32 v53, v47;
	v24 =	vor.u32 v21, v28;
	v28 =	vmul.f32 v26, v2  }
0x109: {  	v36 =	vadd.s32 s8, v0;
	v37 =	vor.u32 v21, v40;
	v26 =	vor.u32 v41, v9;
	v29 =	vld.idx.msk [tilespmem:v29+s6+$0x0], $0xffff  }
0x10a: {  	v21 =	vand.u32 $0xF, v36;
	v43 =	vshll.u32 v36, $0x7;
	v36 =	vmul.f32 v39, v2;
	[tilespmem:v17+s23+$0x0] =	vst.idx.msk $0xffff, v28;
	v17 =	vmovc v42  }
0x10b: {  	v39 =	vmul.f32 v34, v2;
	v28 =	vor.u32 v4, v21;
	v21 =	vor.u32 v6, v21;
	v38 =	vld.idx.msk [tilespmem:v15+s6+$0x0], $0xffff  }
0x10c: {  	v21 =	vshll.u32 v21, $0x8;
	v42 =	vand.u32 $0x4F, v28;
	v15 =	vmovc v52;
	[tilespmem:v50+s23+$0x0] =	vst.idx.msk $0xffff, v36;
	v36 =	vmul.f32 v35, v2  }
.Ltmp2:
0x10d: {  	v21 =	vand.u32 $0x7FFFC800, v21;
	v35 =	vor.u32 v45, v1;
	v33 =	vmul.f32 v33, v2;
	v41 =	vld.idx.msk [tilespmem:v51+s6+$0x0], $0xffff;
	(pc) =	sbr.rel @p0 .LBB2_8-.Ltmp2, $4  }
0x10e: {  	v34 =	vor.u32 v42, v10;
	v32 =	vor.u32 v32, v35;
	[tilespmem:v25+s23+$0x0] =	vst.idx.msk $0xffff, v39  }
0x10f: {  	v40 =	vor.u32 v48, v5;
	v25 =	vor.u32 v44, v3;
	v44 =	vmul.f32 v29, v2;
	v39 =	vld.idx.msk [tilespmem:v16+s6+$0x0], $0xffff  }
0x110: {  	v35 =	vor.u32 v46, v10;
	v29 =	vor.u32 v42, v9;
	v16 =	vmovc v54;
	v45 =	vld.idx.msk [tilespmem:v28+s6+$0x0], $0xffff;
	v28 =	vand.u32 $0x380, v43  }
0x111: {  	v25 =	vor.u32 v53, v25;
	v46 =	vor.u32 v28, v7;
	v43 =	vor.u32 v28, v8  }
0x112: {  	v4 =	vor.u32 v21, v46  }
0x113: {  	v5 =	vor.u32 v42, v5;
	_ =	sdelay $0x1  }
0x114: {  	v6 =	vmul.f32 v45, v2  }
0x115: {  	[tilespmem:v31+s23+$0x0] =	vst.idx.msk $0xffff, v30  }
0x116: {  	v7 =	vld.idx.msk [tilespmem:v40+s6+$0x0], $0xffff;
	[tilespmem:v4+s23+$0x0] =	vst.idx.msk $0xffff, v6  }
0x117: {  	v4 =	vld.idx.msk [tilespmem:v5+s6+$0x0], $0xffff;
	_ =	sdelay $0x1  }
0x118: {  	v54 =	vor.u32 v21, v43;
	_ =	sdelay $0x1  }
0x119: {  	[tilespmem:v18+s23+$0x0] =	vst.idx.msk $0xffff, v33;
	v55 =	vmul.f32 v7, v2  }
0x11a: {  	v56 =	vld.idx.msk [tilespmem:v26+s6+$0x0], $0xffff;
	v4 =	vmul.f32 v4, v2  }
0x11b: {  	[tilespmem:v23+s23+$0x0] =	vst.idx.msk $0xffff, v55  }
0x11c: {  	v6 =	vld.idx.msk [tilespmem:v19+s6+$0x0], $0xffff;
	[tilespmem:v54+s23+$0x0] =	vst.idx.msk $0xffff, v4  }
0x11d: {  	v4 =	vld.idx.msk [tilespmem:v29+s6+$0x0], $0xffff  }
0x11e: {  	v3 =	vor.u32 v28, v3  }
0x11f: {  	v3 =	vor.u32 v21, v3;
	v57 =	vmul.f32 v56, v2  }
0x120: {  	[tilespmem:v37+s23+$0x0] =	vst.idx.msk $0xffff, v44;
	v58 =	vmul.f32 v41, v2  }
0x121: {  	v8 =	vld.idx.msk [tilespmem:v14+s6+$0x0], $0xffff;
	[tilespmem:v17+s23+$0x0] =	vst.idx.msk $0xffff, v57;
	v59 =	vmul.f32 v6, v2  }
0x122: {  	[tilespmem:v22+s23+$0x0] =	vst.idx.msk $0xffff, v58;
	v60 =	vld.idx.msk [tilespmem:v15+s6+$0x0], $0xffff;
	v4 =	vmul.f32 v4, v2  }
0x123: {  	v9 =	vld.idx.msk [tilespmem:v35+s6+$0x0], $0xffff;
	[tilespmem:v25+s23+$0x0] =	vst.idx.msk $0xffff, v59  }
0x124: {  	v61 =	vmul.f32 v38, v2;
	v5 =	vld.idx.msk [tilespmem:v16+s6+$0x0], $0xffff;
	[tilespmem:v3+s23+$0x0] =	vst.idx.msk $0xffff, v4  }
0x125: {  	[tilespmem:v13+s23+$0x0] =	vst.idx.msk $0xffff, v36;
	v3 =	vmul.f32 v39, v2;
	v4 =	vld.idx.msk [tilespmem:v34+s6+$0x0], $0xffff  }
0x126: {  	v1 =	vor.u32 v28, v1;
	s2 =	sadd.s32 $0x1, s2;
	[tilespmem:v11+s23+$0x0] =	vst.idx.msk $0xffff, v61;
	v62 =	vmul.f32 v8, v2  }
0x127: {  	v1 =	vor.u32 v21, v1;
	p0 =	sne.s32 s2, $0x20;
	[tilespmem:v12+s23+$0x0] =	vst.idx.msk $0xffff, v3;
	v3 =	vmul.f32 v60, v2  }
.Ltmp3:
0x128: {  	[tilespmem:v24+s23+$0x0] =	vst.idx.msk $0xffff, v62;
	v63 =	vmul.f32 v9, v2;
	(pc) =	sbr.rel @p0 .LBB2_7-.Ltmp3, $4  }
0x129: {  	[tilespmem:v20+s23+$0x0] =	vst.idx.msk $0xffff, v3;
	v3 =	vmul.f32 v5, v2  }
0x12a: {  	[tilespmem:v32+s23+$0x0] =	vst.idx.msk $0xffff, v63;
	v2 =	vmul.f32 v4, v2  }
0x12b: {  	[tilespmem:v27+s23+$0x0] =	vst.idx.msk $0xffff, v3  }
0x12c: {  	[tilespmem:v1+s23+$0x0] =	vst.idx.msk $0xffff, v2  }
0x12d: {  	s1 =	sadd.s32 s30, s7  }
0x12e: {  	s1 =	sshll.u32 s1, $0xB  }
0x12f: {  	s1 =	sadd.s32 s5, s1  }
0x130: {  	s2 =	simm.s32 $0x0;
	s4 =	sadd.s32 $0x1000, s1  }
0x131: {  	[hbm4b:s4+s2] =	stream.linear.scatter [tilespmem:s23], [sflag:$0x4], $0x8000, $0x38;
	[tilespmem:$0x12C80] =	vst v63  }
0x132: {  	_ =	swait.ge [sflag:s24], $0x8000  }
0x133: {  	[sflag:s24] =	ssyncset.done $0x0  }
0x134: {  	s4 =	simm.s32 $0x0;
	[sflag:s24] =	ssyncadd.s32 $0xFFFF8000  }
.LBB2_11:
0x135: {  	s8 =	sshrl.u32 s4, $0x4;
	s9 =	sshll.u32 s4, $0x7  }
0x136: {  	s10 =	sshll.u32 s4, $0x4;
	s9 =	sand.u32 $0x400, s9;
	s11 =	sshll.u32 s8, $0x7  }
0x137: {  	s15 =	sand.u32 $0x70, s10;
	s10 =	sand.u32 $0xF0, s10;
	s9 =	sadd.s32 s9, s11  }
0x138: {  	s8 =	sshll.u32 s8, $0x6;
	v2 =	vmov s10;
	s11 =	simm.s32 $0x2;
	s9 =	sor.u32 s15, s9  }
0x139: {  	v6 =	vmov s8;
	v2 =	vshll.u32 v2, $0x3;
	v11 =	vadd.s32 s11, v0;
	s15 =	simm.s32 $0x3;
	v1 =	vld [tilespmem:s9+$0xE80]  }
0x13a: {  	s11 =	simm.s32 $0x7;
	v2 =	vand.u32 $0x400, v2;
	v13 =	vand.u32 $0xF, v11;
	v14 =	vadd.s32 s15, v0  }
0x13b: {  	v11 =	vshll.u32 v11, $0x7;
	v39 =	vadd.s32 s11, v0;
	v17 =	vand.u32 $0xF, v14  }
0x13c: {  	v24 =	vand.u32 $0x380, v11;
	v44 =	vand.u32 $0xF, v39;
	v39 =	vshll.u32 v39, $0x7  }
0x13d: {  	v19 =	vor.u32 v6, v17;
	v45 =	vor.u32 v6, v44;
	v39 =	vand.u32 $0x380, v39  }
0x13e: {  	v45 =	vshll.u32 v45, $0x8;
	v4 =	vshll.u32 v1, $0x6;
	v1 =	vor.u32 s10, v0  }
0x13f: {  	v1 =	vand.u32 $0x7F, v1;
	v10 =	vand.u32 $0xFFFFFF80, v4;
	v16 =	vor.u32 v4, v13  }
0x140: {  	v13 =	vor.u32 v6, v13;
	v44 =	vor.u32 v4, v44;
	v7 =	vor.u32 v2, v1  }
0x141: {  	s10 =	simm.s32 $0x1;
	v5 =	vor.u32 $0x10, v10;
	v9 =	vor.u32 $0x20, v10;
	v10 =	vor.u32 $0x30, v10  }
0x142: {  	v2 =	vadd.s32 s10, v0;
	v13 =	vshll.u32 v13, $0x8;
	v48 =	vand.u32 $0x4F, v44  }
0x143: {  	v8 =	vor.u32 $0x1000, v7;
	v3 =	vor.u32 $0x2000, v7;
	v1 =	vor.u32 $0x3000, v7  }
0x144: {  	v12 =	vand.u32 $0xF, v2;
	v18 =	vshll.u32 v2, $0x7;
	v2 =	vshll.u32 v14, $0x7  }
0x145: {  	s10 =	simm.s32 $0x6;
	v14 =	vor.u32 v4, v17;
	v13 =	vand.u32 $0x7FFFC800, v13;
	v11 =	vor.u32 v24, v7  }
0x146: {  	v38 =	vadd.s32 s10, v0;
	v15 =	vor.u32 v4, v12;
	v12 =	vor.u32 v6, v12  }
0x147: {  	v17 =	vand.u32 $0x380, v2;
	v18 =	vand.u32 $0x380, v18;
	v27 =	vor.u32 v24, v8  }
0x148: {  	v29 =	vor.u32 v13, v11;
	v11 =	vor.u32 v24, v1;
	v34 =	vand.u32 $0x4F, v14  }
0x149: {  	v41 =	vand.u32 $0xF, v38;
	v38 =	vshll.u32 v38, $0x7;
	v59 =	vor.u32 v39, v1  }
0x14a: {  	v12 =	vshll.u32 v12, $0x8;
	v20 =	vor.u32 v17, v7;
	v22 =	vor.u32 v17, v1  }
0x14b: {  	v2 =	vld [tilespmem:s9+$0x1E80];
	s9 =	simm.s32 $0x5;
	v27 =	vor.u32 v13, v27;
	v32 =	vor.u32 v18, v8;
	v11 =	vor.u32 v13, v11  }
0x14c: {  	v56 =	vadd.s32 s9, v0;
	v43 =	vor.u32 v4, v41;
	v41 =	vor.u32 v6, v41  }
0x14d: {  	v38 =	vand.u32 $0x380, v38;
	v23 =	vand.u32 $0x7FFFC800, v12;
	v12 =	vor.u32 v18, v7;
	v25 =	vld.idx.msk [tilespmem:v16+s6+$0x0], $0xffff  }
0x14e: {  	v16 =	vand.u32 $0x4F, v16;
	v40 =	vand.u32 $0xF, v56;
	v57 =	vshll.u32 v41, $0x8  }
0x14f: {  	v61 =	vand.u32 $0x4F, v43;
	v12 =	vor.u32 v23, v12;
	v30 =	vor.u32 v16, v5;
	v21 =	vld.idx.msk [tilespmem:v15+s6+$0x0], $0xffff  }
0x150: {  	v42 =	vor.u32 v4, v40;
	v40 =	vor.u32 v6, v40;
	v31 =	vld.idx.msk [tilespmem:v14+s6+$0x0], $0xffff;
	v14 =	vor.u32 v18, v3  }
0x151: {  	v18 =	vor.u32 v18, v1;
	v46 =	vand.u32 $0x4F, v42;
	v15 =	vand.u32 $0x4F, v15  }
0x152: {  	v51 =	vor.u32 v46, v9;
	v26 =	vor.u32 v15, v5;
	v60 =	vld.idx.msk [tilespmem:v43+s6+$0x0], $0xffff;
	v35 =	vmul.f32 v25, v2  }
0x153: {  	v33 =	vor.u32 v15, v9;
	v15 =	vor.u32 v15, v10;
	v43 =	vor.u32 v61, v5  }
0x154: {  	v25 =	vor.u32 v34, v10;
	[tilespmem:v29+s22+$0x0] =	vst.idx.msk $0xffff, v35;
	v35 =	vshll.u32 v56, $0x7;
	v28 =	vmul.f32 v21, v2  }
0x155: {  	v31 =	vmul.f32 v31, v2;
	v21 =	vor.u32 v16, v10;
	v35 =	vand.u32 $0x380, v35  }
0x156: {  	v58 =	vld.idx.msk [tilespmem:v42+s6+$0x0], $0xffff;
	v16 =	vor.u32 v16, v9;
	v50 =	vor.u32 v35, v8;
	[tilespmem:v12+s22+$0x0] =	vst.idx.msk $0xffff, v28  }
0x157: {  	v42 =	vmul.f32 v60, v2;
	v12 =	vshll.u32 v19, $0x8;
	v19 =	vor.u32 v24, v3;
	v24 =	vld.idx.msk [tilespmem:v26+s6+$0x0], $0xffff  }
0x158: {  	v26 =	vor.u32 v23, v32;
	v28 =	vor.u32 v13, v19;
	v19 =	vor.u32 v23, v14  }
0x159: {  	v29 =	vand.u32 $0x7FFFC800, v12;
	v12 =	vor.u32 v17, v8;
	v14 =	vadd.s32 s2, v0  }
0x15a: {  	v13 =	vld.idx.msk [tilespmem:v30+s6+$0x0], $0xffff;
	v30 =	vor.u32 v29, v12;
	v12 =	vor.u32 v29, v22;
	v22 =	vand.u32 $0xF, v14  }
0x15b: {  	v32 =	vor.u32 v34, v9;
	v20 =	vor.u32 v29, v20;
	v53 =	vor.u32 v4, v22  }
0x15c: {  	v17 =	vor.u32 v17, v3;
	v22 =	vor.u32 v6, v22;
	v24 =	vmul.f32 v24, v2  }
0x15d: {  	v41 =	vmul.f32 v58, v2;
	v36 =	vshll.u32 v14, $0x7;
	v14 =	vshll.u32 v22, $0x8  }
0x15e: {  	v29 =	vor.u32 v29, v17;
	v22 =	vand.u32 $0x4F, v53;
	v37 =	vand.u32 $0x7FFFC800, v14;
	[tilespmem:v26+s22+$0x0] =	vst.idx.msk $0xffff, v24  }
0x15f: {  	v24 =	vmul.f32 v13, v2;
	v13 =	vor.u32 v23, v18;
	v23 =	vor.u32 v34, v5  }
0x160: {  	v14 =	vor.u32 v22, v10;
	[tilespmem:v20+s22+$0x0] =	vst.idx.msk $0xffff, v31;
	v20 =	vshll.u32 v40, $0x8;
	v26 =	vand.u32 $0x380, v36;
	v54 =	vld.idx.msk [tilespmem:v53+s6+$0x0], $0xffff  }
0x161: {  	v31 =	vor.u32 v39, v7;
	v40 =	vor.u32 v48, v5;
	v18 =	vld.idx.msk [tilespmem:v33+s6+$0x0], $0xffff;
	v55 =	vor.u32 v26, v7  }
0x162: {  	v34 =	vor.u32 v22, v9;
	v22 =	vor.u32 v22, v5;
	v17 =	vor.u32 v37, v55  }
0x163: {  	v47 =	vand.u32 $0x7FFFC800, v20;
	v20 =	vor.u32 v35, v7;
	v36 =	vor.u32 v26, v8  }
0x164: {  	v49 =	vor.u32 v26, v3;
	v50 =	vor.u32 v47, v50;
	v36 =	vor.u32 v37, v36;
	v23 =	vld.idx.msk [tilespmem:v23+s6+$0x0], $0xffff  }
0x165: {  	[tilespmem:v27+s22+$0x0] =	vst.idx.msk $0xffff, v24;
	v24 =	vor.u32 v46, v5;
	v33 =	vmul.f32 v54, v2;
	v54 =	vand.u32 $0x7FFFC800, v45  }
0x166: {  	s15 =	simm.s32 $0x4;
	v62 =	vld.idx.msk [tilespmem:v16+s6+$0x0], $0xffff;
	v16 =	vor.u32 v38, v3;
	v18 =	vmul.f32 v18, v2;
	v31 =	vor.u32 v54, v31  }
0x167: {  	v55 =	vadd.s32 s15, v0;
	[tilespmem:v17+s22+$0x0] =	vst.idx.msk $0xffff, v33;
	v17 =	vor.u32 v47, v20;
	v20 =	vor.u32 v38, v8  }
0x168: {  	v44 =	vld.idx.msk [tilespmem:v44+s6+$0x0], $0xffff;
	[tilespmem:v19+s22+$0x0] =	vst.idx.msk $0xffff, v18;
	v19 =	vand.u32 $0x7FFFC800, v57;
	v18 =	vor.u32 v38, v7;
	v57 =	vand.u32 $0xF, v55  }
0x169: {  	v22 =	vld.idx.msk [tilespmem:v22+s6+$0x0], $0xffff;
	v27 =	vor.u32 v19, v18;
	v18 =	vor.u32 v19, v20;
	v23 =	vmul.f32 v23, v2  }
0x16a: {  	v20 =	vor.u32 v38, v1;
	v52 =	vld.idx.msk [tilespmem:v15+s6+$0x0], $0xffff;
	v15 =	vor.u32 v61, v10;
	v60 =	vor.u32 v4, v57  }
0x16b: {  	v20 =	vor.u32 v19, v20;
	[tilespmem:v30+s22+$0x0] =	vst.idx.msk $0xffff, v23;
	v23 =	vor.u32 v35, v3  }
0x16c: {  	[tilespmem:v17+s22+$0x0] =	vst.idx.msk $0xffff, v41;
	v17 =	vor.u32 v19, v16;
	v16 =	vor.u32 v48, v10  }
0x16d: {  	v30 =	vmul.f32 v44, v2;
	v19 =	vor.u32 v48, v9;
	v41 =	vmul.f32 v62, v2  }
0x16e: {  	v62 =	vor.u32 v35, v1;
	v35 =	vor.u32 v46, v10;
	v63 =	vmul.f32 v22, v2;
	v53 =	vld.idx.msk [tilespmem:v24+s6+$0x0], $0xffff  }
0x16f: {  	v22 =	vor.u32 v47, v23;
	v32 =	vld.idx.msk [tilespmem:v32+s6+$0x0], $0xffff;
	v23 =	vor.u32 v39, v8;
	v24 =	vor.u32 v26, v1  }
0x170: {  	v26 =	vor.u32 v61, v9;
	[tilespmem:v27+s22+$0x0] =	vst.idx.msk $0xffff, v42;
	v23 =	vor.u32 v54, v23  }
0x171: {  	v27 =	vor.u32 v54, v59;
	v24 =	vor.u32 v37, v24;
	[tilespmem:v28+s22+$0x0] =	vst.idx.msk $0xffff, v41  }
0x172: {  	v37 =	vor.u32 v37, v49;
	v59 =	vshll.u32 v55, $0x7;
	v43 =	vld.idx.msk [tilespmem:v43+s6+$0x0], $0xffff;
	[tilespmem:v36+s22+$0x0] =	vst.idx.msk $0xffff, v63  }
0x173: {  	v28 =	vor.u32 v6, v57;
	v42 =	vand.u32 $0x4F, v60;
	v56 =	vld.idx.msk [tilespmem:v34+s6+$0x0], $0xffff;
	v58 =	vmul.f32 v53, v2  }
0x174: {  	v28 =	vshll.u32 v28, $0x8;
	v38 =	vld.idx.msk [tilespmem:v21+s6+$0x0], $0xffff;
	v36 =	vmul.f32 v52, v2;
	v61 =	vmul.f32 v32, v2  }
0x175: {  	v63 =	vor.u32 v39, v3;
	v21 =	vand.u32 $0x7FFFC800, v28;
	v28 =	vand.u32 $0x380, v59;
	[tilespmem:v50+s22+$0x0] =	vst.idx.msk $0xffff, v58  }
0x176: {  	v34 =	vor.u32 v42, v10;
	v46 =	vor.u32 v28, v7;
	[tilespmem:v29+s22+$0x0] =	vst.idx.msk $0xffff, v61;
	v41 =	vld.idx.msk [tilespmem:v51+s6+$0x0], $0xffff  }
0x177: {  	v32 =	vor.u32 v47, v62;
	v33 =	vmul.f32 v43, v2;
	v29 =	vor.u32 v42, v9;
	v39 =	vld.idx.msk [tilespmem:v25+s6+$0x0], $0xffff  }
0x178: {  	s8 =	simm.s32 $0x8;
	v45 =	vld.idx.msk [tilespmem:v60+s6+$0x0], $0xffff;
	v43 =	vor.u32 v28, v8;
	v44 =	vmul.f32 v56, v2;
	v25 =	vor.u32 v54, v63  }
.LBB2_12:
0x179: {  	s9 =	sadd.s32 $0x1, s8;
	s10 =	sadd.s32 $0x2, s8;
	s11 =	sadd.s32 $0x3, s8;
	v46 =	vor.u32 v21, v46;
	v42 =	vor.u32 v42, v5;
	v38 =	vmul.f32 v38, v2  }
0x17a: {  	p0 =	slt.u32 s8, $0xC;
	v47 =	vadd.s32 s9, v0;
	v48 =	vadd.s32 s10, v0;
	v49 =	vadd.s32 s11, v0;
	[tilespmem:v37+s22+$0x0] =	vst.idx.msk $0xffff, v44;
	s9 =	smov.u32 s8;
	s8 =	sadd.s32 $0x4, s8  }
0x17b: {  	v41 =	vmul.f32 v41, v2;
	v37 =	vand.u32 $0xF, v47;
	v44 =	vand.u32 $0xF, v48;
	v50 =	vld.idx.msk [tilespmem:v14+s6+$0x0], $0xffff;
	[tilespmem:v11+s22+$0x0] =	vst.idx.msk $0xffff, v38  }
0x17c: {  	v14 =	vmul.f32 v39, v2;
	v11 =	vmovc v20;
	v38 =	vor.u32 v4, v37;
	v51 =	vor.u32 v4, v44  }
0x17d: {  	v20 =	vor.u32 v6, v37;
	v37 =	vand.u32 $0xF, v49;
	v39 =	vmul.f32 v45, v2;
	[tilespmem:v13+s22+$0x0] =	vst.idx.msk $0xffff, v36  }
0x17e: {  	v45 =	vshll.u32 v49, $0x7;
	v13 =	vshll.u32 v47, $0x7;
	v36 =	vor.u32 v6, v37;
	[tilespmem:v12+s22+$0x0] =	vst.idx.msk $0xffff, v14;
	v12 =	vmovc v27  }
0x17f: {  	v37 =	vor.u32 v4, v37;
	v27 =	vor.u32 v6, v44;
	v44 =	vand.u32 $0x380, v45;
	[tilespmem:v31+s22+$0x0] =	vst.idx.msk $0xffff, v30  }
0x180: {  	v43 =	vor.u32 v21, v43;
	v20 =	vshll.u32 v20, $0x8;
	v31 =	vor.u32 v44, v7;
	v14 =	vmovc v34;
	v30 =	vld.idx.msk [tilespmem:v40+s6+$0x0], $0xffff  }
0x181: {  	v27 =	vshll.u32 v27, $0x8;
	v40 =	vshll.u32 v48, $0x7;
	v34 =	vld.idx.msk [tilespmem:v38+s6+$0x0], $0xffff;
	[tilespmem:v46+s22+$0x0] =	vst.idx.msk $0xffff, v39;
	v39 =	vmul.f32 v50, v2  }
0x182: {  	v45 =	vand.u32 $0x380, v13;
	v47 =	vor.u32 v44, v1;
	v13 =	vmovc v32;
	v46 =	vand.u32 $0x4F, v38;
	v38 =	vld.idx.msk [tilespmem:v51+s6+$0x0], $0xffff  }
0x183: {  	v32 =	vand.u32 $0x7FFFC800, v20;
	v20 =	vor.u32 v45, v7;
	v48 =	vand.u32 $0x4F, v37;
	v42 =	vld.idx.msk [tilespmem:v42+s6+$0x0], $0xffff;
	[tilespmem:v24+s22+$0x0] =	vst.idx.msk $0xffff, v39  }
0x184: {  	v24 =	vor.u32 v32, v20;
	v39 =	vand.u32 $0x380, v40;
	v40 =	vor.u32 v28, v3;
	[tilespmem:v22+s22+$0x0] =	vst.idx.msk $0xffff, v41  }
0x185: {  	v22 =	vand.u32 $0x7FFFC800, v27;
	v20 =	vor.u32 v39, v7;
	v41 =	vand.u32 $0x4F, v51;
	v35 =	vld.idx.msk [tilespmem:v35+s6+$0x0], $0xffff;
	[tilespmem:v18+s22+$0x0] =	vst.idx.msk $0xffff, v33  }
0x186: {  	v27 =	vor.u32 v46, v5;
	v18 =	vor.u32 v39, v8;
	v30 =	vmul.f32 v30, v2  }
0x187: {  	v33 =	vor.u32 v22, v20;
	v49 =	vor.u32 v41, v5;
	v18 =	vor.u32 v22, v18;
	v37 =	vld.idx.msk [tilespmem:v37+s6+$0x0], $0xffff  }
0x188: {  	v50 =	vor.u32 v45, v8;
	v20 =	vor.u32 v39, v1;
	v34 =	vmul.f32 v34, v2  }
0x189: {  	v51 =	vor.u32 v46, v9;
	v52 =	vor.u32 v41, v10;
	v20 =	vor.u32 v22, v20;
	v26 =	vld.idx.msk [tilespmem:v26+s6+$0x0], $0xffff  }
0x18a: {  	v36 =	vshll.u32 v36, $0x8;
	v53 =	vor.u32 v45, v3;
	v38 =	vmul.f32 v38, v2;
	[tilespmem:v23+s22+$0x0] =	vst.idx.msk $0xffff, v30  }
0x18b: {  	v23 =	vor.u32 v39, v3;
	[tilespmem:v24+s22+$0x0] =	vst.idx.msk $0xffff, v34;
	v24 =	vmul.f32 v42, v2;
	v34 =	vld.idx.msk [tilespmem:v19+s6+$0x0], $0xffff  }
0x18c: {  	v54 =	vor.u32 v48, v10;
	v50 =	vor.u32 v32, v50;
	v42 =	vor.u32 v22, v23;
	v39 =	vld.idx.msk [tilespmem:v27+s6+$0x0], $0xffff  }
0x18d: {  	v22 =	vor.u32 v32, v53;
	v19 =	vor.u32 v48, v9;
	v30 =	vmul.f32 v37, v2  }
0x18e: {  	v28 =	vor.u32 v28, v1;
	v53 =	vand.u32 $0x7FFFC800, v36;
	v23 =	vor.u32 v44, v8;
	[tilespmem:v33+s22+$0x0] =	vst.idx.msk $0xffff, v38  }
0x18f: {  	v31 =	vor.u32 v53, v31;
	v23 =	vor.u32 v53, v23;
	v33 =	vld.idx.msk [tilespmem:v49+s6+$0x0], $0xffff;
	[tilespmem:v43+s22+$0x0] =	vst.idx.msk $0xffff, v24  }
0x190: {  	v27 =	vor.u32 v53, v47;
	v24 =	vor.u32 v21, v28;
	v28 =	vmul.f32 v26, v2  }
0x191: {  	v36 =	vadd.s32 s9, v0;
	v37 =	vor.u32 v21, v40;
	v26 =	vor.u32 v41, v9;
	v29 =	vld.idx.msk [tilespmem:v29+s6+$0x0], $0xffff  }
0x192: {  	v21 =	vand.u32 $0xF, v36;
	v43 =	vshll.u32 v36, $0x7;
	v36 =	vmul.f32 v39, v2;
	[tilespmem:v17+s22+$0x0] =	vst.idx.msk $0xffff, v28;
	v17 =	vmovc v42  }
0x193: {  	v39 =	vmul.f32 v34, v2;
	v28 =	vor.u32 v4, v21;
	v21 =	vor.u32 v6, v21;
	v38 =	vld.idx.msk [tilespmem:v15+s6+$0x0], $0xffff  }
0x194: {  	v21 =	vshll.u32 v21, $0x8;
	v42 =	vand.u32 $0x4F, v28;
	v15 =	vmovc v52;
	[tilespmem:v50+s22+$0x0] =	vst.idx.msk $0xffff, v36;
	v36 =	vmul.f32 v35, v2  }
.Ltmp4:
0x195: {  	v21 =	vand.u32 $0x7FFFC800, v21;
	v35 =	vor.u32 v45, v1;
	v33 =	vmul.f32 v33, v2;
	v41 =	vld.idx.msk [tilespmem:v51+s6+$0x0], $0xffff;
	(pc) =	sbr.rel @p0 .LBB2_12-.Ltmp4, $4  }
0x196: {  	v34 =	vor.u32 v42, v10;
	v32 =	vor.u32 v32, v35;
	[tilespmem:v25+s22+$0x0] =	vst.idx.msk $0xffff, v39  }
0x197: {  	v40 =	vor.u32 v48, v5;
	v25 =	vor.u32 v44, v3;
	v44 =	vmul.f32 v29, v2;
	v39 =	vld.idx.msk [tilespmem:v16+s6+$0x0], $0xffff  }
0x198: {  	v35 =	vor.u32 v46, v10;
	v29 =	vor.u32 v42, v9;
	v16 =	vmovc v54;
	v45 =	vld.idx.msk [tilespmem:v28+s6+$0x0], $0xffff;
	v28 =	vand.u32 $0x380, v43  }
0x199: {  	v25 =	vor.u32 v53, v25;
	v46 =	vor.u32 v28, v7;
	v43 =	vor.u32 v28, v8  }
0x19a: {  	v4 =	vor.u32 v21, v46  }
0x19b: {  	v5 =	vor.u32 v42, v5;
	_ =	sdelay $0x1  }
0x19c: {  	v6 =	vmul.f32 v45, v2  }
0x19d: {  	[tilespmem:v31+s22+$0x0] =	vst.idx.msk $0xffff, v30  }
0x19e: {  	v7 =	vld.idx.msk [tilespmem:v40+s6+$0x0], $0xffff;
	[tilespmem:v4+s22+$0x0] =	vst.idx.msk $0xffff, v6  }
0x19f: {  	v4 =	vld.idx.msk [tilespmem:v5+s6+$0x0], $0xffff;
	_ =	sdelay $0x1  }
0x1a0: {  	v54 =	vor.u32 v21, v43;
	_ =	sdelay $0x1  }
0x1a1: {  	[tilespmem:v18+s22+$0x0] =	vst.idx.msk $0xffff, v33;
	v55 =	vmul.f32 v7, v2  }
0x1a2: {  	v56 =	vld.idx.msk [tilespmem:v26+s6+$0x0], $0xffff;
	v4 =	vmul.f32 v4, v2  }
0x1a3: {  	[tilespmem:v23+s22+$0x0] =	vst.idx.msk $0xffff, v55  }
0x1a4: {  	v6 =	vld.idx.msk [tilespmem:v19+s6+$0x0], $0xffff;
	[tilespmem:v54+s22+$0x0] =	vst.idx.msk $0xffff, v4  }
0x1a5: {  	v4 =	vld.idx.msk [tilespmem:v29+s6+$0x0], $0xffff  }
0x1a6: {  	v3 =	vor.u32 v28, v3  }
0x1a7: {  	v3 =	vor.u32 v21, v3;
	v57 =	vmul.f32 v56, v2  }
0x1a8: {  	[tilespmem:v37+s22+$0x0] =	vst.idx.msk $0xffff, v44;
	v58 =	vmul.f32 v41, v2  }
0x1a9: {  	v8 =	vld.idx.msk [tilespmem:v14+s6+$0x0], $0xffff;
	[tilespmem:v17+s22+$0x0] =	vst.idx.msk $0xffff, v57;
	v59 =	vmul.f32 v6, v2  }
0x1aa: {  	[tilespmem:v22+s22+$0x0] =	vst.idx.msk $0xffff, v58;
	v60 =	vld.idx.msk [tilespmem:v15+s6+$0x0], $0xffff;
	v4 =	vmul.f32 v4, v2  }
0x1ab: {  	v9 =	vld.idx.msk [tilespmem:v35+s6+$0x0], $0xffff;
	[tilespmem:v25+s22+$0x0] =	vst.idx.msk $0xffff, v59  }
0x1ac: {  	v61 =	vmul.f32 v38, v2;
	v5 =	vld.idx.msk [tilespmem:v16+s6+$0x0], $0xffff;
	[tilespmem:v3+s22+$0x0] =	vst.idx.msk $0xffff, v4  }
0x1ad: {  	[tilespmem:v13+s22+$0x0] =	vst.idx.msk $0xffff, v36;
	v3 =	vmul.f32 v39, v2;
	v4 =	vld.idx.msk [tilespmem:v34+s6+$0x0], $0xffff  }
0x1ae: {  	v1 =	vor.u32 v28, v1;
	s4 =	sadd.s32 $0x1, s4;
	[tilespmem:v11+s22+$0x0] =	vst.idx.msk $0xffff, v61;
	v62 =	vmul.f32 v8, v2  }
0x1af: {  	v1 =	vor.u32 v21, v1;
	p0 =	sne.s32 s4, $0x20;
	[tilespmem:v12+s22+$0x0] =	vst.idx.msk $0xffff, v3;
	v3 =	vmul.f32 v60, v2  }
.Ltmp5:
0x1b0: {  	[tilespmem:v24+s22+$0x0] =	vst.idx.msk $0xffff, v62;
	v63 =	vmul.f32 v9, v2;
	(pc) =	sbr.rel @p0 .LBB2_11-.Ltmp5, $4  }
0x1b1: {  	[tilespmem:v20+s22+$0x0] =	vst.idx.msk $0xffff, v3;
	v3 =	vmul.f32 v5, v2  }
0x1b2: {  	[tilespmem:v32+s22+$0x0] =	vst.idx.msk $0xffff, v63;
	v2 =	vmul.f32 v4, v2  }
0x1b3: {  	[tilespmem:v27+s22+$0x0] =	vst.idx.msk $0xffff, v3  }
0x1b4: {  	[tilespmem:v1+s22+$0x0] =	vst.idx.msk $0xffff, v2  }
0x1b5: {  	s4 =	sadd.s32 $0x2000, s1;
	s2 =	simm.s32 $0x0  }
0x1b6: {  	[hbm4b:s4+s2] =	stream.linear.scatter [tilespmem:s22], [sflag:$0x3], $0x8000, $0x38;
	[tilespmem:$0x12C80] =	vst v63  }
0x1b7: {  	_ =	swait.ge [sflag:s25], $0x8000  }
0x1b8: {  	[sflag:s25] =	ssyncset.done $0x0  }
0x1b9: {  	s4 =	simm.s32 $0x0;
	[sflag:s25] =	ssyncadd.s32 $0xFFFF8000  }
.LBB2_15:
0x1ba: {  	s8 =	sshrl.u32 s4, $0x4;
	s9 =	sshll.u32 s4, $0x7  }
0x1bb: {  	s10 =	sshll.u32 s4, $0x4;
	s9 =	sand.u32 $0x400, s9;
	s11 =	sshll.u32 s8, $0x7  }
0x1bc: {  	s15 =	sand.u32 $0x70, s10;
	s10 =	sand.u32 $0xF0, s10;
	s9 =	sadd.s32 s9, s11  }
0x1bd: {  	s8 =	sshll.u32 s8, $0x6;
	v2 =	vmov s10;
	s11 =	simm.s32 $0x2;
	s9 =	sor.u32 s15, s9  }
0x1be: {  	v6 =	vmov s8;
	v2 =	vshll.u32 v2, $0x3;
	v11 =	vadd.s32 s11, v0;
	s15 =	simm.s32 $0x3;
	v1 =	vld [tilespmem:s9+$0xF80]  }
0x1bf: {  	s11 =	simm.s32 $0x7;
	v2 =	vand.u32 $0x400, v2;
	v13 =	vand.u32 $0xF, v11;
	v14 =	vadd.s32 s15, v0  }
0x1c0: {  	v11 =	vshll.u32 v11, $0x7;
	v39 =	vadd.s32 s11, v0;
	v17 =	vand.u32 $0xF, v14  }
0x1c1: {  	v24 =	vand.u32 $0x380, v11;
	v44 =	vand.u32 $0xF, v39;
	v39 =	vshll.u32 v39, $0x7  }
0x1c2: {  	v19 =	vor.u32 v6, v17;
	v45 =	vor.u32 v6, v44;
	v39 =	vand.u32 $0x380, v39  }
0x1c3: {  	v45 =	vshll.u32 v45, $0x8;
	v4 =	vshll.u32 v1, $0x6;
	v1 =	vor.u32 s10, v0  }
0x1c4: {  	v1 =	vand.u32 $0x7F, v1;
	v10 =	vand.u32 $0xFFFFFF80, v4;
	v16 =	vor.u32 v4, v13  }
0x1c5: {  	v13 =	vor.u32 v6, v13;
	v44 =	vor.u32 v4, v44;
	v7 =	vor.u32 v2, v1  }
0x1c6: {  	s10 =	simm.s32 $0x1;
	v5 =	vor.u32 $0x10, v10;
	v9 =	vor.u32 $0x20, v10;
	v10 =	vor.u32 $0x30, v10  }
0x1c7: {  	v2 =	vadd.s32 s10, v0;
	v13 =	vshll.u32 v13, $0x8;
	v48 =	vand.u32 $0x4F, v44  }
0x1c8: {  	v8 =	vor.u32 $0x1000, v7;
	v3 =	vor.u32 $0x2000, v7;
	v1 =	vor.u32 $0x3000, v7  }
0x1c9: {  	v12 =	vand.u32 $0xF, v2;
	v18 =	vshll.u32 v2, $0x7;
	v2 =	vshll.u32 v14, $0x7  }
0x1ca: {  	s10 =	simm.s32 $0x6;
	v14 =	vor.u32 v4, v17;
	v13 =	vand.u32 $0x7FFFC800, v13;
	v11 =	vor.u32 v24, v7  }
0x1cb: {  	v38 =	vadd.s32 s10, v0;
	v15 =	vor.u32 v4, v12;
	v12 =	vor.u32 v6, v12  }
0x1cc: {  	v17 =	vand.u32 $0x380, v2;
	v18 =	vand.u32 $0x380, v18;
	v27 =	vor.u32 v24, v8  }
0x1cd: {  	v29 =	vor.u32 v13, v11;
	v11 =	vor.u32 v24, v1;
	v34 =	vand.u32 $0x4F, v14  }
0x1ce: {  	v41 =	vand.u32 $0xF, v38;
	v38 =	vshll.u32 v38, $0x7;
	v59 =	vor.u32 v39, v1  }
0x1cf: {  	v12 =	vshll.u32 v12, $0x8;
	v20 =	vor.u32 v17, v7;
	v22 =	vor.u32 v17, v1  }
0x1d0: {  	v2 =	vld [tilespmem:s9+$0x1F80];
	s9 =	simm.s32 $0x5;
	v27 =	vor.u32 v13, v27;
	v32 =	vor.u32 v18, v8;
	v11 =	vor.u32 v13, v11  }
0x1d1: {  	v56 =	vadd.s32 s9, v0;
	v43 =	vor.u32 v4, v41;
	v41 =	vor.u32 v6, v41  }
0x1d2: {  	v38 =	vand.u32 $0x380, v38;
	v23 =	vand.u32 $0x7FFFC800, v12;
	v12 =	vor.u32 v18, v7;
	v25 =	vld.idx.msk [tilespmem:v16+s6+$0x0], $0xffff  }
0x1d3: {  	v16 =	vand.u32 $0x4F, v16;
	v40 =	vand.u32 $0xF, v56;
	v57 =	vshll.u32 v41, $0x8  }
0x1d4: {  	v61 =	vand.u32 $0x4F, v43;
	v12 =	vor.u32 v23, v12;
	v30 =	vor.u32 v16, v5;
	v21 =	vld.idx.msk [tilespmem:v15+s6+$0x0], $0xffff  }
0x1d5: {  	v42 =	vor.u32 v4, v40;
	v40 =	vor.u32 v6, v40;
	v31 =	vld.idx.msk [tilespmem:v14+s6+$0x0], $0xffff;
	v14 =	vor.u32 v18, v3  }
0x1d6: {  	v18 =	vor.u32 v18, v1;
	v46 =	vand.u32 $0x4F, v42;
	v15 =	vand.u32 $0x4F, v15  }
0x1d7: {  	v51 =	vor.u32 v46, v9;
	v26 =	vor.u32 v15, v5;
	v60 =	vld.idx.msk [tilespmem:v43+s6+$0x0], $0xffff;
	v35 =	vmul.f32 v25, v2  }
0x1d8: {  	v33 =	vor.u32 v15, v9;
	v15 =	vor.u32 v15, v10;
	v43 =	vor.u32 v61, v5  }
0x1d9: {  	v25 =	vor.u32 v34, v10;
	[tilespmem:v29+s23+$0x0] =	vst.idx.msk $0xffff, v35;
	v35 =	vshll.u32 v56, $0x7;
	v28 =	vmul.f32 v21, v2  }
0x1da: {  	v31 =	vmul.f32 v31, v2;
	v21 =	vor.u32 v16, v10;
	v35 =	vand.u32 $0x380, v35  }
0x1db: {  	v58 =	vld.idx.msk [tilespmem:v42+s6+$0x0], $0xffff;
	v16 =	vor.u32 v16, v9;
	v50 =	vor.u32 v35, v8;
	[tilespmem:v12+s23+$0x0] =	vst.idx.msk $0xffff, v28  }
0x1dc: {  	v42 =	vmul.f32 v60, v2;
	v12 =	vshll.u32 v19, $0x8;
	v19 =	vor.u32 v24, v3;
	v24 =	vld.idx.msk [tilespmem:v26+s6+$0x0], $0xffff  }
0x1dd: {  	v26 =	vor.u32 v23, v32;
	v28 =	vor.u32 v13, v19;
	v19 =	vor.u32 v23, v14  }
0x1de: {  	v29 =	vand.u32 $0x7FFFC800, v12;
	v12 =	vor.u32 v17, v8;
	v14 =	vadd.s32 s2, v0  }
0x1df: {  	v13 =	vld.idx.msk [tilespmem:v30+s6+$0x0], $0xffff;
	v30 =	vor.u32 v29, v12;
	v12 =	vor.u32 v29, v22;
	v22 =	vand.u32 $0xF, v14  }
0x1e0: {  	v32 =	vor.u32 v34, v9;
	v20 =	vor.u32 v29, v20;
	v53 =	vor.u32 v4, v22  }
0x1e1: {  	v17 =	vor.u32 v17, v3;
	v22 =	vor.u32 v6, v22;
	v24 =	vmul.f32 v24, v2  }
0x1e2: {  	v41 =	vmul.f32 v58, v2;
	v36 =	vshll.u32 v14, $0x7;
	v14 =	vshll.u32 v22, $0x8  }
0x1e3: {  	v29 =	vor.u32 v29, v17;
	v22 =	vand.u32 $0x4F, v53;
	v37 =	vand.u32 $0x7FFFC800, v14;
	[tilespmem:v26+s23+$0x0] =	vst.idx.msk $0xffff, v24  }
0x1e4: {  	v24 =	vmul.f32 v13, v2;
	v13 =	vor.u32 v23, v18;
	v23 =	vor.u32 v34, v5  }
0x1e5: {  	v14 =	vor.u32 v22, v10;
	[tilespmem:v20+s23+$0x0] =	vst.idx.msk $0xffff, v31;
	v20 =	vshll.u32 v40, $0x8;
	v26 =	vand.u32 $0x380, v36;
	v54 =	vld.idx.msk [tilespmem:v53+s6+$0x0], $0xffff  }
0x1e6: {  	v31 =	vor.u32 v39, v7;
	v40 =	vor.u32 v48, v5;
	v18 =	vld.idx.msk [tilespmem:v33+s6+$0x0], $0xffff;
	v55 =	vor.u32 v26, v7  }
0x1e7: {  	v34 =	vor.u32 v22, v9;
	v22 =	vor.u32 v22, v5;
	v17 =	vor.u32 v37, v55  }
0x1e8: {  	v47 =	vand.u32 $0x7FFFC800, v20;
	v20 =	vor.u32 v35, v7;
	v36 =	vor.u32 v26, v8  }
0x1e9: {  	v49 =	vor.u32 v26, v3;
	v50 =	vor.u32 v47, v50;
	v36 =	vor.u32 v37, v36;
	v23 =	vld.idx.msk [tilespmem:v23+s6+$0x0], $0xffff  }
0x1ea: {  	[tilespmem:v27+s23+$0x0] =	vst.idx.msk $0xffff, v24;
	v24 =	vor.u32 v46, v5;
	v33 =	vmul.f32 v54, v2;
	v54 =	vand.u32 $0x7FFFC800, v45  }
0x1eb: {  	s15 =	simm.s32 $0x4;
	v62 =	vld.idx.msk [tilespmem:v16+s6+$0x0], $0xffff;
	v16 =	vor.u32 v38, v3;
	v18 =	vmul.f32 v18, v2;
	v31 =	vor.u32 v54, v31  }
0x1ec: {  	v55 =	vadd.s32 s15, v0;
	[tilespmem:v17+s23+$0x0] =	vst.idx.msk $0xffff, v33;
	v17 =	vor.u32 v47, v20;
	v20 =	vor.u32 v38, v8  }
0x1ed: {  	v44 =	vld.idx.msk [tilespmem:v44+s6+$0x0], $0xffff;
	[tilespmem:v19+s23+$0x0] =	vst.idx.msk $0xffff, v18;
	v19 =	vand.u32 $0x7FFFC800, v57;
	v18 =	vor.u32 v38, v7;
	v57 =	vand.u32 $0xF, v55  }
0x1ee: {  	v22 =	vld.idx.msk [tilespmem:v22+s6+$0x0], $0xffff;
	v27 =	vor.u32 v19, v18;
	v18 =	vor.u32 v19, v20;
	v23 =	vmul.f32 v23, v2  }
0x1ef: {  	v20 =	vor.u32 v38, v1;
	v52 =	vld.idx.msk [tilespmem:v15+s6+$0x0], $0xffff;
	v15 =	vor.u32 v61, v10;
	v60 =	vor.u32 v4, v57  }
0x1f0: {  	v20 =	vor.u32 v19, v20;
	[tilespmem:v30+s23+$0x0] =	vst.idx.msk $0xffff, v23;
	v23 =	vor.u32 v35, v3  }
0x1f1: {  	[tilespmem:v17+s23+$0x0] =	vst.idx.msk $0xffff, v41;
	v17 =	vor.u32 v19, v16;
	v16 =	vor.u32 v48, v10  }
0x1f2: {  	v30 =	vmul.f32 v44, v2;
	v19 =	vor.u32 v48, v9;
	v41 =	vmul.f32 v62, v2  }
0x1f3: {  	v62 =	vor.u32 v35, v1;
	v35 =	vor.u32 v46, v10;
	v63 =	vmul.f32 v22, v2;
	v53 =	vld.idx.msk [tilespmem:v24+s6+$0x0], $0xffff  }
0x1f4: {  	v22 =	vor.u32 v47, v23;
	v32 =	vld.idx.msk [tilespmem:v32+s6+$0x0], $0xffff;
	v23 =	vor.u32 v39, v8;
	v24 =	vor.u32 v26, v1  }
0x1f5: {  	v26 =	vor.u32 v61, v9;
	[tilespmem:v27+s23+$0x0] =	vst.idx.msk $0xffff, v42;
	v23 =	vor.u32 v54, v23  }
0x1f6: {  	v27 =	vor.u32 v54, v59;
	v24 =	vor.u32 v37, v24;
	[tilespmem:v28+s23+$0x0] =	vst.idx.msk $0xffff, v41  }
0x1f7: {  	v37 =	vor.u32 v37, v49;
	v59 =	vshll.u32 v55, $0x7;
	v43 =	vld.idx.msk [tilespmem:v43+s6+$0x0], $0xffff;
	[tilespmem:v36+s23+$0x0] =	vst.idx.msk $0xffff, v63  }
0x1f8: {  	v28 =	vor.u32 v6, v57;
	v42 =	vand.u32 $0x4F, v60;
	v56 =	vld.idx.msk [tilespmem:v34+s6+$0x0], $0xffff;
	v58 =	vmul.f32 v53, v2  }
0x1f9: {  	v28 =	vshll.u32 v28, $0x8;
	v38 =	vld.idx.msk [tilespmem:v21+s6+$0x0], $0xffff;
	v36 =	vmul.f32 v52, v2;
	v61 =	vmul.f32 v32, v2  }
0x1fa: {  	v63 =	vor.u32 v39, v3;
	v21 =	vand.u32 $0x7FFFC800, v28;
	v28 =	vand.u32 $0x380, v59;
	[tilespmem:v50+s23+$0x0] =	vst.idx.msk $0xffff, v58  }
0x1fb: {  	v34 =	vor.u32 v42, v10;
	v46 =	vor.u32 v28, v7;
	[tilespmem:v29+s23+$0x0] =	vst.idx.msk $0xffff, v61;
	v41 =	vld.idx.msk [tilespmem:v51+s6+$0x0], $0xffff  }
0x1fc: {  	v32 =	vor.u32 v47, v62;
	v33 =	vmul.f32 v43, v2;
	v29 =	vor.u32 v42, v9;
	v39 =	vld.idx.msk [tilespmem:v25+s6+$0x0], $0xffff  }
0x1fd: {  	s8 =	simm.s32 $0x8;
	v45 =	vld.idx.msk [tilespmem:v60+s6+$0x0], $0xffff;
	v43 =	vor.u32 v28, v8;
	v44 =	vmul.f32 v56, v2;
	v25 =	vor.u32 v54, v63  }
.LBB2_16:
0x1fe: {  	s9 =	sadd.s32 $0x1, s8;
	s10 =	sadd.s32 $0x2, s8;
	s11 =	sadd.s32 $0x3, s8;
	v46 =	vor.u32 v21, v46;
	v42 =	vor.u32 v42, v5;
	v38 =	vmul.f32 v38, v2  }
0x1ff: {  	p0 =	slt.u32 s8, $0xC;
	v47 =	vadd.s32 s9, v0;
	v48 =	vadd.s32 s10, v0;
	v49 =	vadd.s32 s11, v0;
	[tilespmem:v37+s23+$0x0] =	vst.idx.msk $0xffff, v44;
	s9 =	smov.u32 s8;
	s8 =	sadd.s32 $0x4, s8  }
0x200: {  	v41 =	vmul.f32 v41, v2;
	v37 =	vand.u32 $0xF, v47;
	v44 =	vand.u32 $0xF, v48;
	v50 =	vld.idx.msk [tilespmem:v14+s6+$0x0], $0xffff;
	[tilespmem:v11+s23+$0x0] =	vst.idx.msk $0xffff, v38  }
0x201: {  	v14 =	vmul.f32 v39, v2;
	v11 =	vmovc v20;
	v38 =	vor.u32 v4, v37;
	v51 =	vor.u32 v4, v44  }
0x202: {  	v20 =	vor.u32 v6, v37;
	v37 =	vand.u32 $0xF, v49;
	v39 =	vmul.f32 v45, v2;
	[tilespmem:v13+s23+$0x0] =	vst.idx.msk $0xffff, v36  }
0x203: {  	v45 =	vshll.u32 v49, $0x7;
	v13 =	vshll.u32 v47, $0x7;
	v36 =	vor.u32 v6, v37;
	[tilespmem:v12+s23+$0x0] =	vst.idx.msk $0xffff, v14;
	v12 =	vmovc v27  }
0x204: {  	v37 =	vor.u32 v4, v37;
	v27 =	vor.u32 v6, v44;
	v44 =	vand.u32 $0x380, v45;
	[tilespmem:v31+s23+$0x0] =	vst.idx.msk $0xffff, v30  }
0x205: {  	v43 =	vor.u32 v21, v43;
	v20 =	vshll.u32 v20, $0x8;
	v31 =	vor.u32 v44, v7;
	v14 =	vmovc v34;
	v30 =	vld.idx.msk [tilespmem:v40+s6+$0x0], $0xffff  }
0x206: {  	v27 =	vshll.u32 v27, $0x8;
	v40 =	vshll.u32 v48, $0x7;
	v34 =	vld.idx.msk [tilespmem:v38+s6+$0x0], $0xffff;
	[tilespmem:v46+s23+$0x0] =	vst.idx.msk $0xffff, v39;
	v39 =	vmul.f32 v50, v2  }
0x207: {  	v45 =	vand.u32 $0x380, v13;
	v47 =	vor.u32 v44, v1;
	v13 =	vmovc v32;
	v46 =	vand.u32 $0x4F, v38;
	v38 =	vld.idx.msk [tilespmem:v51+s6+$0x0], $0xffff  }
0x208: {  	v32 =	vand.u32 $0x7FFFC800, v20;
	v20 =	vor.u32 v45, v7;
	v48 =	vand.u32 $0x4F, v37;
	v42 =	vld.idx.msk [tilespmem:v42+s6+$0x0], $0xffff;
	[tilespmem:v24+s23+$0x0] =	vst.idx.msk $0xffff, v39  }
0x209: {  	v24 =	vor.u32 v32, v20;
	v39 =	vand.u32 $0x380, v40;
	v40 =	vor.u32 v28, v3;
	[tilespmem:v22+s23+$0x0] =	vst.idx.msk $0xffff, v41  }
0x20a: {  	v22 =	vand.u32 $0x7FFFC800, v27;
	v20 =	vor.u32 v39, v7;
	v41 =	vand.u32 $0x4F, v51;
	v35 =	vld.idx.msk [tilespmem:v35+s6+$0x0], $0xffff;
	[tilespmem:v18+s23+$0x0] =	vst.idx.msk $0xffff, v33  }
0x20b: {  	v27 =	vor.u32 v46, v5;
	v18 =	vor.u32 v39, v8;
	v30 =	vmul.f32 v30, v2  }
0x20c: {  	v33 =	vor.u32 v22, v20;
	v49 =	vor.u32 v41, v5;
	v18 =	vor.u32 v22, v18;
	v37 =	vld.idx.msk [tilespmem:v37+s6+$0x0], $0xffff  }
0x20d: {  	v50 =	vor.u32 v45, v8;
	v20 =	vor.u32 v39, v1;
	v34 =	vmul.f32 v34, v2  }
0x20e: {  	v51 =	vor.u32 v46, v9;
	v52 =	vor.u32 v41, v10;
	v20 =	vor.u32 v22, v20;
	v26 =	vld.idx.msk [tilespmem:v26+s6+$0x0], $0xffff  }
0x20f: {  	v36 =	vshll.u32 v36, $0x8;
	v53 =	vor.u32 v45, v3;
	v38 =	vmul.f32 v38, v2;
	[tilespmem:v23+s23+$0x0] =	vst.idx.msk $0xffff, v30  }
0x210: {  	v23 =	vor.u32 v39, v3;
	[tilespmem:v24+s23+$0x0] =	vst.idx.msk $0xffff, v34;
	v24 =	vmul.f32 v42, v2;
	v34 =	vld.idx.msk [tilespmem:v19+s6+$0x0], $0xffff  }
0x211: {  	v54 =	vor.u32 v48, v10;
	v50 =	vor.u32 v32, v50;
	v42 =	vor.u32 v22, v23;
	v39 =	vld.idx.msk [tilespmem:v27+s6+$0x0], $0xffff  }
0x212: {  	v22 =	vor.u32 v32, v53;
	v19 =	vor.u32 v48, v9;
	v30 =	vmul.f32 v37, v2  }
0x213: {  	v28 =	vor.u32 v28, v1;
	v53 =	vand.u32 $0x7FFFC800, v36;
	v23 =	vor.u32 v44, v8;
	[tilespmem:v33+s23+$0x0] =	vst.idx.msk $0xffff, v38  }
0x214: {  	v31 =	vor.u32 v53, v31;
	v23 =	vor.u32 v53, v23;
	v33 =	vld.idx.msk [tilespmem:v49+s6+$0x0], $0xffff;
	[tilespmem:v43+s23+$0x0] =	vst.idx.msk $0xffff, v24  }
0x215: {  	v27 =	vor.u32 v53, v47;
	v24 =	vor.u32 v21, v28;
	v28 =	vmul.f32 v26, v2  }
0x216: {  	v36 =	vadd.s32 s9, v0;
	v37 =	vor.u32 v21, v40;
	v26 =	vor.u32 v41, v9;
	v29 =	vld.idx.msk [tilespmem:v29+s6+$0x0], $0xffff  }
0x217: {  	v21 =	vand.u32 $0xF, v36;
	v43 =	vshll.u32 v36, $0x7;
	v36 =	vmul.f32 v39, v2;
	[tilespmem:v17+s23+$0x0] =	vst.idx.msk $0xffff, v28;
	v17 =	vmovc v42  }
0x218: {  	v39 =	vmul.f32 v34, v2;
	v28 =	vor.u32 v4, v21;
	v21 =	vor.u32 v6, v21;
	v38 =	vld.idx.msk [tilespmem:v15+s6+$0x0], $0xffff  }
0x219: {  	v21 =	vshll.u32 v21, $0x8;
	v42 =	vand.u32 $0x4F, v28;
	v15 =	vmovc v52;
	[tilespmem:v50+s23+$0x0] =	vst.idx.msk $0xffff, v36;
	v36 =	vmul.f32 v35, v2  }
.Ltmp6:
0x21a: {  	v21 =	vand.u32 $0x7FFFC800, v21;
	v35 =	vor.u32 v45, v1;
	v33 =	vmul.f32 v33, v2;
	v41 =	vld.idx.msk [tilespmem:v51+s6+$0x0], $0xffff;
	(pc) =	sbr.rel @p0 .LBB2_16-.Ltmp6, $4  }
0x21b: {  	v34 =	vor.u32 v42, v10;
	v32 =	vor.u32 v32, v35;
	[tilespmem:v25+s23+$0x0] =	vst.idx.msk $0xffff, v39  }
0x21c: {  	v40 =	vor.u32 v48, v5;
	v25 =	vor.u32 v44, v3;
	v44 =	vmul.f32 v29, v2;
	v39 =	vld.idx.msk [tilespmem:v16+s6+$0x0], $0xffff  }
0x21d: {  	v35 =	vor.u32 v46, v10;
	v29 =	vor.u32 v42, v9;
	v16 =	vmovc v54;
	v45 =	vld.idx.msk [tilespmem:v28+s6+$0x0], $0xffff;
	v28 =	vand.u32 $0x380, v43  }
0x21e: {  	v25 =	vor.u32 v53, v25;
	v46 =	vor.u32 v28, v7;
	v43 =	vor.u32 v28, v8  }
0x21f: {  	v4 =	vor.u32 v21, v46  }
0x220: {  	v5 =	vor.u32 v42, v5;
	_ =	sdelay $0x1  }
0x221: {  	v6 =	vmul.f32 v45, v2  }
0x222: {  	[tilespmem:v31+s23+$0x0] =	vst.idx.msk $0xffff, v30  }
0x223: {  	v7 =	vld.idx.msk [tilespmem:v40+s6+$0x0], $0xffff;
	[tilespmem:v4+s23+$0x0] =	vst.idx.msk $0xffff, v6  }
0x224: {  	v4 =	vld.idx.msk [tilespmem:v5+s6+$0x0], $0xffff;
	_ =	sdelay $0x1  }
0x225: {  	v54 =	vor.u32 v21, v43;
	_ =	sdelay $0x1  }
0x226: {  	[tilespmem:v18+s23+$0x0] =	vst.idx.msk $0xffff, v33;
	v55 =	vmul.f32 v7, v2  }
0x227: {  	v56 =	vld.idx.msk [tilespmem:v26+s6+$0x0], $0xffff;
	v4 =	vmul.f32 v4, v2  }
0x228: {  	[tilespmem:v23+s23+$0x0] =	vst.idx.msk $0xffff, v55  }
0x229: {  	v6 =	vld.idx.msk [tilespmem:v19+s6+$0x0], $0xffff;
	[tilespmem:v54+s23+$0x0] =	vst.idx.msk $0xffff, v4  }
0x22a: {  	v4 =	vld.idx.msk [tilespmem:v29+s6+$0x0], $0xffff  }
0x22b: {  	v3 =	vor.u32 v28, v3  }
0x22c: {  	v3 =	vor.u32 v21, v3;
	v57 =	vmul.f32 v56, v2  }
0x22d: {  	[tilespmem:v37+s23+$0x0] =	vst.idx.msk $0xffff, v44;
	v58 =	vmul.f32 v41, v2  }
0x22e: {  	v8 =	vld.idx.msk [tilespmem:v14+s6+$0x0], $0xffff;
	[tilespmem:v17+s23+$0x0] =	vst.idx.msk $0xffff, v57;
	v59 =	vmul.f32 v6, v2  }
0x22f: {  	[tilespmem:v22+s23+$0x0] =	vst.idx.msk $0xffff, v58;
	v60 =	vld.idx.msk [tilespmem:v15+s6+$0x0], $0xffff;
	v4 =	vmul.f32 v4, v2  }
0x230: {  	v9 =	vld.idx.msk [tilespmem:v35+s6+$0x0], $0xffff;
	[tilespmem:v25+s23+$0x0] =	vst.idx.msk $0xffff, v59  }
0x231: {  	v61 =	vmul.f32 v38, v2;
	v5 =	vld.idx.msk [tilespmem:v16+s6+$0x0], $0xffff;
	[tilespmem:v3+s23+$0x0] =	vst.idx.msk $0xffff, v4  }
0x232: {  	[tilespmem:v13+s23+$0x0] =	vst.idx.msk $0xffff, v36;
	v3 =	vmul.f32 v39, v2;
	v4 =	vld.idx.msk [tilespmem:v34+s6+$0x0], $0xffff  }
0x233: {  	v1 =	vor.u32 v28, v1;
	s4 =	sadd.s32 $0x1, s4;
	[tilespmem:v11+s23+$0x0] =	vst.idx.msk $0xffff, v61;
	v62 =	vmul.f32 v8, v2  }
0x234: {  	v1 =	vor.u32 v21, v1;
	p0 =	sne.s32 s4, $0x20;
	[tilespmem:v12+s23+$0x0] =	vst.idx.msk $0xffff, v3;
	v3 =	vmul.f32 v60, v2  }
.Ltmp7:
0x235: {  	[tilespmem:v24+s23+$0x0] =	vst.idx.msk $0xffff, v62;
	v63 =	vmul.f32 v9, v2;
	(pc) =	sbr.rel @p0 .LBB2_15-.Ltmp7, $4  }
0x236: {  	[tilespmem:v20+s23+$0x0] =	vst.idx.msk $0xffff, v3;
	v3 =	vmul.f32 v5, v2  }
0x237: {  	[tilespmem:v32+s23+$0x0] =	vst.idx.msk $0xffff, v63;
	v2 =	vmul.f32 v4, v2  }
0x238: {  	[tilespmem:v27+s23+$0x0] =	vst.idx.msk $0xffff, v3  }
0x239: {  	[tilespmem:v1+s23+$0x0] =	vst.idx.msk $0xffff, v2  }
0x23a: {  	s2 =	sadd.s32 $0x3000, s1;
	s1 =	simm.s32 $0x0;
	s15 =	sadd.s32 s30, s13  }
0x23b: {  	[hbm4b:s2+s1] =	stream.linear.scatter [tilespmem:s23], [sflag:$0x4], $0x8000, $0x38;
	[tilespmem:$0x12C80] =	vst v63  }
0x23c: {  	s2 =	smin.u32 s15, $0x7F8  }
0x23d: {  	s2 =	sshll.u32 s2, $0x5  }
0x23e: {  	s4 =	sadd.s32 s0, s2  }
0x23f: {  	[tilespmem:s17], [sflag:$0x1] =	stream.linear.gather [hbm4b:s4+s1], $0x800, $0x38;
	[tilespmem:$0x12C80] =	vst v63  }
0x240: {  	s2 =	sadd.s32 s3, s2  }
0x241: {  	[tilespmem:s18], [sflag:$0x1] =	stream.linear.gather [hbm4b:s2+s1], $0x800, $0x38;
	[tilespmem:$0x12C80] =	vst v63  }
0x242: {  	_ =	swait.ge [sflag:s26], $0x800  }
0x243: {  	[sflag:s26] =	ssyncset.done $0x0  }
0x244: {  	[sflag:s26] =	ssyncadd.s32 $0xFFFFF800  }
0x245: {  	_ =	swait.ge [sflag:s26], $0x800  }
0x246: {  	[sflag:s26] =	ssyncset.done $0x0  }
0x247: {  	[sflag:s26] =	ssyncadd.s32 $0xFFFFF800  }
0x248: {  	_ =	swait.ge [sflag:s24], $0x8000  }
0x249: {  	[sflag:s24] =	ssyncset.done $0x0  }
0x24a: {  	s2 =	simm.s32 $0x0;
	[sflag:s24] =	ssyncadd.s32 $0xFFFF8000  }
.LBB2_19:
0x24b: {  	s4 =	sshrl.u32 s2, $0x4;
	s8 =	sand.u32 $0x8, s2  }
0x24c: {  	s9 =	sshll.u32 s2, $0x4;
	s8 =	sadd.s32 s8, s4  }
0x24d: {  	s11 =	simm.s32 $0x2;
	s10 =	sand.u32 $0x70, s9;
	s8 =	sshll.u32 s8, $0x7  }
0x24e: {  	s15 =	simm.s32 $0x3;
	s9 =	sand.u32 $0xF0, s9;
	s8 =	sor.u32 s10, s8  }
0x24f: {  	s4 =	sshll.u32 s4, $0x6;
	v11 =	vadd.s32 s11, v0;
	v14 =	vadd.s32 s15, v0;
	v2 =	vmov s9;
	v1 =	vld [tilespmem:s8+$0x1480]  }
0x250: {  	s11 =	simm.s32 $0x7;
	v6 =	vmov s4;
	v13 =	vand.u32 $0xF, v11;
	v17 =	vand.u32 $0xF, v14  }
0x251: {  	v11 =	vshll.u32 v11, $0x7;
	v39 =	vadd.s32 s11, v0;
	v2 =	vshll.u32 v2, $0x3  }
0x252: {  	v19 =	vor.u32 v6, v17;
	v24 =	vand.u32 $0x380, v11;
	v44 =	vand.u32 $0xF, v39  }
0x253: {  	v39 =	vshll.u32 v39, $0x7;
	v2 =	vand.u32 $0x400, v2;
	v45 =	vor.u32 v6, v44  }
0x254: {  	v39 =	vand.u32 $0x380, v39;
	v4 =	vshll.u32 v1, $0x6;
	v1 =	vor.u32 s9, v0  }
0x255: {  	v45 =	vshll.u32 v45, $0x8;
	s9 =	simm.s32 $0x5;
	v1 =	vand.u32 $0x7F, v1;
	v10 =	vand.u32 $0xFFFFFF80, v4  }
0x256: {  	v16 =	vor.u32 v4, v13;
	v13 =	vor.u32 v6, v13;
	v56 =	vadd.s32 s9, v0  }
0x257: {  	s10 =	simm.s32 $0x1;
	v44 =	vor.u32 v4, v44;
	v7 =	vor.u32 v2, v1;
	v5 =	vor.u32 $0x10, v10  }
0x258: {  	v9 =	vor.u32 $0x20, v10;
	v10 =	vor.u32 $0x30, v10;
	v2 =	vadd.s32 s10, v0  }
0x259: {  	v13 =	vshll.u32 v13, $0x8;
	v40 =	vand.u32 $0xF, v56;
	v48 =	vand.u32 $0x4F, v44  }
0x25a: {  	v8 =	vor.u32 $0x1000, v7;
	v3 =	vor.u32 $0x2000, v7;
	v1 =	vor.u32 $0x3000, v7  }
0x25b: {  	v12 =	vand.u32 $0xF, v2;
	v18 =	vshll.u32 v2, $0x7;
	v2 =	vshll.u32 v14, $0x7  }
0x25c: {  	s10 =	simm.s32 $0x6;
	v14 =	vor.u32 v4, v17;
	v13 =	vand.u32 $0x7FFFC800, v13;
	v11 =	vor.u32 v24, v7  }
0x25d: {  	v38 =	vadd.s32 s10, v0;
	v42 =	vor.u32 v4, v40;
	v40 =	vor.u32 v6, v40  }
0x25e: {  	v15 =	vor.u32 v4, v12;
	v12 =	vor.u32 v6, v12;
	v17 =	vand.u32 $0x380, v2  }
0x25f: {  	v18 =	vand.u32 $0x380, v18;
	v27 =	vor.u32 v24, v8;
	v29 =	vor.u32 v13, v11  }
0x260: {  	v11 =	vor.u32 v24, v1;
	v34 =	vand.u32 $0x4F, v14;
	v41 =	vand.u32 $0xF, v38  }
0x261: {  	v38 =	vshll.u32 v38, $0x7;
	v46 =	vand.u32 $0x4F, v42;
	v59 =	vor.u32 v39, v1  }
0x262: {  	v2 =	vld [tilespmem:s8+$0x2480];
	v12 =	vshll.u32 v12, $0x8;
	v20 =	vor.u32 v17, v7;
	v22 =	vor.u32 v17, v1  }
0x263: {  	v27 =	vor.u32 v13, v27;
	v32 =	vor.u32 v18, v8;
	v11 =	vor.u32 v13, v11;
	v25 =	vld.idx.msk [tilespmem:v16+s6+$0x0], $0xffff  }
0x264: {  	v43 =	vor.u32 v4, v41;
	v41 =	vor.u32 v6, v41;
	v38 =	vand.u32 $0x380, v38;
	v31 =	vld.idx.msk [tilespmem:v14+s6+$0x0], $0xffff  }
0x265: {  	v51 =	vor.u32 v46, v9;
	v23 =	vand.u32 $0x7FFFC800, v12;
	v12 =	vor.u32 v18, v7;
	v21 =	vld.idx.msk [tilespmem:v15+s6+$0x0], $0xffff  }
0x266: {  	v16 =	vand.u32 $0x4F, v16;
	v57 =	vshll.u32 v41, $0x8;
	v61 =	vand.u32 $0x4F, v43;
	v58 =	vld.idx.msk [tilespmem:v42+s6+$0x0], $0xffff  }
0x267: {  	v12 =	vor.u32 v23, v12;
	v30 =	vor.u32 v16, v5;
	v15 =	vand.u32 $0x4F, v15  }
0x268: {  	v14 =	vor.u32 v18, v3;
	v18 =	vor.u32 v18, v1;
	v26 =	vor.u32 v15, v5  }
0x269: {  	v33 =	vor.u32 v15, v9;
	v15 =	vor.u32 v15, v10;
	v35 =	vmul.f32 v25, v2  }
0x26a: {  	v60 =	vld.idx.msk [tilespmem:v43+s6+$0x0], $0xffff;
	v43 =	vor.u32 v61, v5;
	v25 =	vor.u32 v34, v10;
	v28 =	vmul.f32 v21, v2  }
0x26b: {  	v31 =	vmul.f32 v31, v2;
	[tilespmem:v29+s22+$0x0] =	vst.idx.msk $0xffff, v35;
	v35 =	vshll.u32 v56, $0x7;
	v41 =	vmul.f32 v58, v2  }
0x26c: {  	v21 =	vor.u32 v16, v10;
	v16 =	vor.u32 v16, v9;
	v35 =	vand.u32 $0x380, v35;
	[tilespmem:v12+s22+$0x0] =	vst.idx.msk $0xffff, v28  }
0x26d: {  	v50 =	vor.u32 v35, v8;
	v12 =	vshll.u32 v19, $0x8;
	v19 =	vor.u32 v24, v3;
	v24 =	vld.idx.msk [tilespmem:v26+s6+$0x0], $0xffff  }
0x26e: {  	v26 =	vor.u32 v23, v32;
	v28 =	vor.u32 v13, v19;
	v19 =	vor.u32 v23, v14  }
0x26f: {  	v29 =	vand.u32 $0x7FFFC800, v12;
	v12 =	vor.u32 v17, v8;
	v14 =	vadd.s32 s1, v0  }
0x270: {  	v13 =	vld.idx.msk [tilespmem:v30+s6+$0x0], $0xffff;
	v30 =	vor.u32 v29, v12;
	v12 =	vor.u32 v29, v22;
	v22 =	vand.u32 $0xF, v14  }
0x271: {  	v42 =	vmul.f32 v60, v2;
	v20 =	vor.u32 v29, v20;
	v53 =	vor.u32 v4, v22  }
0x272: {  	v32 =	vor.u32 v34, v9;
	v22 =	vor.u32 v6, v22;
	v24 =	vmul.f32 v24, v2  }
0x273: {  	v17 =	vor.u32 v17, v3;
	v36 =	vshll.u32 v14, $0x7;
	v14 =	vshll.u32 v22, $0x8  }
0x274: {  	v29 =	vor.u32 v29, v17;
	v22 =	vand.u32 $0x4F, v53;
	v37 =	vand.u32 $0x7FFFC800, v14;
	[tilespmem:v26+s22+$0x0] =	vst.idx.msk $0xffff, v24  }
0x275: {  	v24 =	vmul.f32 v13, v2;
	v13 =	vor.u32 v23, v18;
	v23 =	vor.u32 v34, v5  }
0x276: {  	v14 =	vor.u32 v22, v10;
	[tilespmem:v20+s22+$0x0] =	vst.idx.msk $0xffff, v31;
	v20 =	vshll.u32 v40, $0x8;
	v26 =	vand.u32 $0x380, v36;
	v54 =	vld.idx.msk [tilespmem:v53+s6+$0x0], $0xffff  }
0x277: {  	v31 =	vor.u32 v39, v7;
	v40 =	vor.u32 v48, v5;
	v18 =	vld.idx.msk [tilespmem:v33+s6+$0x0], $0xffff;
	v55 =	vor.u32 v26, v7  }
0x278: {  	v34 =	vor.u32 v22, v9;
	v22 =	vor.u32 v22, v5;
	v17 =	vor.u32 v37, v55  }
0x279: {  	v47 =	vand.u32 $0x7FFFC800, v20;
	v20 =	vor.u32 v35, v7;
	v36 =	vor.u32 v26, v8  }
0x27a: {  	v49 =	vor.u32 v26, v3;
	v50 =	vor.u32 v47, v50;
	v36 =	vor.u32 v37, v36;
	v23 =	vld.idx.msk [tilespmem:v23+s6+$0x0], $0xffff  }
0x27b: {  	[tilespmem:v27+s22+$0x0] =	vst.idx.msk $0xffff, v24;
	v24 =	vor.u32 v46, v5;
	v33 =	vmul.f32 v54, v2;
	v54 =	vand.u32 $0x7FFFC800, v45  }
0x27c: {  	s15 =	simm.s32 $0x4;
	v62 =	vld.idx.msk [tilespmem:v16+s6+$0x0], $0xffff;
	v16 =	vor.u32 v38, v3;
	v18 =	vmul.f32 v18, v2;
	v31 =	vor.u32 v54, v31  }
0x27d: {  	v55 =	vadd.s32 s15, v0;
	[tilespmem:v17+s22+$0x0] =	vst.idx.msk $0xffff, v33;
	v17 =	vor.u32 v47, v20;
	v20 =	vor.u32 v38, v8  }
0x27e: {  	v44 =	vld.idx.msk [tilespmem:v44+s6+$0x0], $0xffff;
	[tilespmem:v19+s22+$0x0] =	vst.idx.msk $0xffff, v18;
	v19 =	vand.u32 $0x7FFFC800, v57;
	v18 =	vor.u32 v38, v7;
	v57 =	vand.u32 $0xF, v55  }
0x27f: {  	v22 =	vld.idx.msk [tilespmem:v22+s6+$0x0], $0xffff;
	v27 =	vor.u32 v19, v18;
	v18 =	vor.u32 v19, v20;
	v23 =	vmul.f32 v23, v2  }
0x280: {  	v20 =	vor.u32 v38, v1;
	v52 =	vld.idx.msk [tilespmem:v15+s6+$0x0], $0xffff;
	v15 =	vor.u32 v61, v10;
	v60 =	vor.u32 v4, v57  }
0x281: {  	v20 =	vor.u32 v19, v20;
	[tilespmem:v30+s22+$0x0] =	vst.idx.msk $0xffff, v23;
	v23 =	vor.u32 v35, v3  }
0x282: {  	[tilespmem:v17+s22+$0x0] =	vst.idx.msk $0xffff, v41;
	v17 =	vor.u32 v19, v16;
	v16 =	vor.u32 v48, v10  }
0x283: {  	v30 =	vmul.f32 v44, v2;
	v19 =	vor.u32 v48, v9;
	v41 =	vmul.f32 v62, v2  }
0x284: {  	v62 =	vor.u32 v35, v1;
	v35 =	vor.u32 v46, v10;
	v63 =	vmul.f32 v22, v2;
	v53 =	vld.idx.msk [tilespmem:v24+s6+$0x0], $0xffff  }
0x285: {  	v22 =	vor.u32 v47, v23;
	v32 =	vld.idx.msk [tilespmem:v32+s6+$0x0], $0xffff;
	v23 =	vor.u32 v39, v8;
	v24 =	vor.u32 v26, v1  }
0x286: {  	v26 =	vor.u32 v61, v9;
	[tilespmem:v27+s22+$0x0] =	vst.idx.msk $0xffff, v42;
	v23 =	vor.u32 v54, v23  }
0x287: {  	v27 =	vor.u32 v54, v59;
	v24 =	vor.u32 v37, v24;
	[tilespmem:v28+s22+$0x0] =	vst.idx.msk $0xffff, v41  }
0x288: {  	v37 =	vor.u32 v37, v49;
	v59 =	vshll.u32 v55, $0x7;
	v43 =	vld.idx.msk [tilespmem:v43+s6+$0x0], $0xffff;
	[tilespmem:v36+s22+$0x0] =	vst.idx.msk $0xffff, v63  }
0x289: {  	v28 =	vor.u32 v6, v57;
	v42 =	vand.u32 $0x4F, v60;
	v56 =	vld.idx.msk [tilespmem:v34+s6+$0x0], $0xffff;
	v58 =	vmul.f32 v53, v2  }
0x28a: {  	v28 =	vshll.u32 v28, $0x8;
	v38 =	vld.idx.msk [tilespmem:v21+s6+$0x0], $0xffff;
	v36 =	vmul.f32 v52, v2;
	v61 =	vmul.f32 v32, v2  }
0x28b: {  	v63 =	vor.u32 v39, v3;
	v21 =	vand.u32 $0x7FFFC800, v28;
	v28 =	vand.u32 $0x380, v59;
	[tilespmem:v50+s22+$0x0] =	vst.idx.msk $0xffff, v58  }
0x28c: {  	v34 =	vor.u32 v42, v10;
	v46 =	vor.u32 v28, v7;
	[tilespmem:v29+s22+$0x0] =	vst.idx.msk $0xffff, v61;
	v41 =	vld.idx.msk [tilespmem:v51+s6+$0x0], $0xffff  }
0x28d: {  	v32 =	vor.u32 v47, v62;
	v33 =	vmul.f32 v43, v2;
	v29 =	vor.u32 v42, v9;
	v39 =	vld.idx.msk [tilespmem:v25+s6+$0x0], $0xffff  }
0x28e: {  	s4 =	simm.s32 $0x8;
	v45 =	vld.idx.msk [tilespmem:v60+s6+$0x0], $0xffff;
	v43 =	vor.u32 v28, v8;
	v44 =	vmul.f32 v56, v2;
	v25 =	vor.u32 v54, v63  }
.LBB2_20:
0x28f: {  	s8 =	sadd.s32 $0x1, s4;
	s9 =	sadd.s32 $0x2, s4;
	s10 =	sadd.s32 $0x3, s4;
	v46 =	vor.u32 v21, v46;
	v42 =	vor.u32 v42, v5;
	v38 =	vmul.f32 v38, v2  }
0x290: {  	p0 =	slt.u32 s4, $0xC;
	v47 =	vadd.s32 s8, v0;
	v48 =	vadd.s32 s9, v0;
	v49 =	vadd.s32 s10, v0;
	[tilespmem:v37+s22+$0x0] =	vst.idx.msk $0xffff, v44;
	s8 =	smov.u32 s4;
	s4 =	sadd.s32 $0x4, s4  }
0x291: {  	v41 =	vmul.f32 v41, v2;
	v37 =	vand.u32 $0xF, v47;
	v44 =	vand.u32 $0xF, v48;
	v50 =	vld.idx.msk [tilespmem:v14+s6+$0x0], $0xffff;
	[tilespmem:v11+s22+$0x0] =	vst.idx.msk $0xffff, v38  }
0x292: {  	v14 =	vmul.f32 v39, v2;
	v11 =	vmovc v20;
	v38 =	vor.u32 v4, v37;
	v51 =	vor.u32 v4, v44  }
0x293: {  	v20 =	vor.u32 v6, v37;
	v37 =	vand.u32 $0xF, v49;
	v39 =	vmul.f32 v45, v2;
	[tilespmem:v13+s22+$0x0] =	vst.idx.msk $0xffff, v36  }
0x294: {  	v45 =	vshll.u32 v49, $0x7;
	v13 =	vshll.u32 v47, $0x7;
	v36 =	vor.u32 v6, v37;
	[tilespmem:v12+s22+$0x0] =	vst.idx.msk $0xffff, v14;
	v12 =	vmovc v27  }
0x295: {  	v37 =	vor.u32 v4, v37;
	v27 =	vor.u32 v6, v44;
	v44 =	vand.u32 $0x380, v45;
	[tilespmem:v31+s22+$0x0] =	vst.idx.msk $0xffff, v30  }
0x296: {  	v43 =	vor.u32 v21, v43;
	v20 =	vshll.u32 v20, $0x8;
	v31 =	vor.u32 v44, v7;
	v14 =	vmovc v34;
	v30 =	vld.idx.msk [tilespmem:v40+s6+$0x0], $0xffff  }
0x297: {  	v27 =	vshll.u32 v27, $0x8;
	v40 =	vshll.u32 v48, $0x7;
	v34 =	vld.idx.msk [tilespmem:v38+s6+$0x0], $0xffff;
	[tilespmem:v46+s22+$0x0] =	vst.idx.msk $0xffff, v39;
	v39 =	vmul.f32 v50, v2  }
0x298: {  	v45 =	vand.u32 $0x380, v13;
	v47 =	vor.u32 v44, v1;
	v13 =	vmovc v32;
	v46 =	vand.u32 $0x4F, v38;
	v38 =	vld.idx.msk [tilespmem:v51+s6+$0x0], $0xffff  }
0x299: {  	v32 =	vand.u32 $0x7FFFC800, v20;
	v20 =	vor.u32 v45, v7;
	v48 =	vand.u32 $0x4F, v37;
	v42 =	vld.idx.msk [tilespmem:v42+s6+$0x0], $0xffff;
	[tilespmem:v24+s22+$0x0] =	vst.idx.msk $0xffff, v39  }
0x29a: {  	v24 =	vor.u32 v32, v20;
	v39 =	vand.u32 $0x380, v40;
	v40 =	vor.u32 v28, v3;
	[tilespmem:v22+s22+$0x0] =	vst.idx.msk $0xffff, v41  }
0x29b: {  	v22 =	vand.u32 $0x7FFFC800, v27;
	v20 =	vor.u32 v39, v7;
	v41 =	vand.u32 $0x4F, v51;
	v35 =	vld.idx.msk [tilespmem:v35+s6+$0x0], $0xffff;
	[tilespmem:v18+s22+$0x0] =	vst.idx.msk $0xffff, v33  }
0x29c: {  	v27 =	vor.u32 v46, v5;
	v18 =	vor.u32 v39, v8;
	v30 =	vmul.f32 v30, v2  }
0x29d: {  	v33 =	vor.u32 v22, v20;
	v49 =	vor.u32 v41, v5;
	v18 =	vor.u32 v22, v18;
	v37 =	vld.idx.msk [tilespmem:v37+s6+$0x0], $0xffff  }
0x29e: {  	v50 =	vor.u32 v45, v8;
	v20 =	vor.u32 v39, v1;
	v34 =	vmul.f32 v34, v2  }
0x29f: {  	v51 =	vor.u32 v46, v9;
	v52 =	vor.u32 v41, v10;
	v20 =	vor.u32 v22, v20;
	v26 =	vld.idx.msk [tilespmem:v26+s6+$0x0], $0xffff  }
0x2a0: {  	v36 =	vshll.u32 v36, $0x8;
	v53 =	vor.u32 v45, v3;
	v38 =	vmul.f32 v38, v2;
	[tilespmem:v23+s22+$0x0] =	vst.idx.msk $0xffff, v30  }
0x2a1: {  	v23 =	vor.u32 v39, v3;
	[tilespmem:v24+s22+$0x0] =	vst.idx.msk $0xffff, v34;
	v24 =	vmul.f32 v42, v2;
	v34 =	vld.idx.msk [tilespmem:v19+s6+$0x0], $0xffff  }
0x2a2: {  	v54 =	vor.u32 v48, v10;
	v50 =	vor.u32 v32, v50;
	v42 =	vor.u32 v22, v23;
	v39 =	vld.idx.msk [tilespmem:v27+s6+$0x0], $0xffff  }
0x2a3: {  	v22 =	vor.u32 v32, v53;
	v19 =	vor.u32 v48, v9;
	v30 =	vmul.f32 v37, v2  }
0x2a4: {  	v28 =	vor.u32 v28, v1;
	v53 =	vand.u32 $0x7FFFC800, v36;
	v23 =	vor.u32 v44, v8;
	[tilespmem:v33+s22+$0x0] =	vst.idx.msk $0xffff, v38  }
0x2a5: {  	v31 =	vor.u32 v53, v31;
	v23 =	vor.u32 v53, v23;
	v33 =	vld.idx.msk [tilespmem:v49+s6+$0x0], $0xffff;
	[tilespmem:v43+s22+$0x0] =	vst.idx.msk $0xffff, v24  }
0x2a6: {  	v27 =	vor.u32 v53, v47;
	v24 =	vor.u32 v21, v28;
	v28 =	vmul.f32 v26, v2  }
0x2a7: {  	v36 =	vadd.s32 s8, v0;
	v37 =	vor.u32 v21, v40;
	v26 =	vor.u32 v41, v9;
	v29 =	vld.idx.msk [tilespmem:v29+s6+$0x0], $0xffff  }
0x2a8: {  	v21 =	vand.u32 $0xF, v36;
	v43 =	vshll.u32 v36, $0x7;
	v36 =	vmul.f32 v39, v2;
	[tilespmem:v17+s22+$0x0] =	vst.idx.msk $0xffff, v28;
	v17 =	vmovc v42  }
0x2a9: {  	v39 =	vmul.f32 v34, v2;
	v28 =	vor.u32 v4, v21;
	v21 =	vor.u32 v6, v21;
	v38 =	vld.idx.msk [tilespmem:v15+s6+$0x0], $0xffff  }
0x2aa: {  	v21 =	vshll.u32 v21, $0x8;
	v42 =	vand.u32 $0x4F, v28;
	v15 =	vmovc v52;
	[tilespmem:v50+s22+$0x0] =	vst.idx.msk $0xffff, v36;
	v36 =	vmul.f32 v35, v2  }
.Ltmp8:
0x2ab: {  	v21 =	vand.u32 $0x7FFFC800, v21;
	v35 =	vor.u32 v45, v1;
	v33 =	vmul.f32 v33, v2;
	v41 =	vld.idx.msk [tilespmem:v51+s6+$0x0], $0xffff;
	(pc) =	sbr.rel @p0 .LBB2_20-.Ltmp8, $4  }
0x2ac: {  	v34 =	vor.u32 v42, v10;
	v32 =	vor.u32 v32, v35;
	[tilespmem:v25+s22+$0x0] =	vst.idx.msk $0xffff, v39  }
0x2ad: {  	v40 =	vor.u32 v48, v5;
	v25 =	vor.u32 v44, v3;
	v44 =	vmul.f32 v29, v2;
	v39 =	vld.idx.msk [tilespmem:v16+s6+$0x0], $0xffff  }
0x2ae: {  	v35 =	vor.u32 v46, v10;
	v29 =	vor.u32 v42, v9;
	v16 =	vmovc v54;
	v45 =	vld.idx.msk [tilespmem:v28+s6+$0x0], $0xffff;
	v28 =	vand.u32 $0x380, v43  }
0x2af: {  	v25 =	vor.u32 v53, v25;
	v46 =	vor.u32 v28, v7;
	v43 =	vor.u32 v28, v8  }
0x2b0: {  	v4 =	vor.u32 v21, v46  }
0x2b1: {  	v5 =	vor.u32 v42, v5;
	_ =	sdelay $0x1  }
0x2b2: {  	v6 =	vmul.f32 v45, v2  }
0x2b3: {  	[tilespmem:v31+s22+$0x0] =	vst.idx.msk $0xffff, v30  }
0x2b4: {  	v7 =	vld.idx.msk [tilespmem:v40+s6+$0x0], $0xffff;
	[tilespmem:v4+s22+$0x0] =	vst.idx.msk $0xffff, v6  }
0x2b5: {  	v4 =	vld.idx.msk [tilespmem:v5+s6+$0x0], $0xffff;
	_ =	sdelay $0x1  }
0x2b6: {  	v54 =	vor.u32 v21, v43;
	_ =	sdelay $0x1  }
0x2b7: {  	[tilespmem:v18+s22+$0x0] =	vst.idx.msk $0xffff, v33;
	v55 =	vmul.f32 v7, v2  }
0x2b8: {  	v56 =	vld.idx.msk [tilespmem:v26+s6+$0x0], $0xffff;
	v4 =	vmul.f32 v4, v2  }
0x2b9: {  	[tilespmem:v23+s22+$0x0] =	vst.idx.msk $0xffff, v55  }
0x2ba: {  	v6 =	vld.idx.msk [tilespmem:v19+s6+$0x0], $0xffff;
	[tilespmem:v54+s22+$0x0] =	vst.idx.msk $0xffff, v4  }
0x2bb: {  	v4 =	vld.idx.msk [tilespmem:v29+s6+$0x0], $0xffff  }
0x2bc: {  	v3 =	vor.u32 v28, v3  }
0x2bd: {  	v3 =	vor.u32 v21, v3;
	v57 =	vmul.f32 v56, v2  }
0x2be: {  	[tilespmem:v37+s22+$0x0] =	vst.idx.msk $0xffff, v44;
	v58 =	vmul.f32 v41, v2  }
0x2bf: {  	v8 =	vld.idx.msk [tilespmem:v14+s6+$0x0], $0xffff;
	[tilespmem:v17+s22+$0x0] =	vst.idx.msk $0xffff, v57;
	v59 =	vmul.f32 v6, v2  }
0x2c0: {  	[tilespmem:v22+s22+$0x0] =	vst.idx.msk $0xffff, v58;
	v60 =	vld.idx.msk [tilespmem:v15+s6+$0x0], $0xffff;
	v4 =	vmul.f32 v4, v2  }
0x2c1: {  	v9 =	vld.idx.msk [tilespmem:v35+s6+$0x0], $0xffff;
	[tilespmem:v25+s22+$0x0] =	vst.idx.msk $0xffff, v59  }
0x2c2: {  	v61 =	vmul.f32 v38, v2;
	v5 =	vld.idx.msk [tilespmem:v16+s6+$0x0], $0xffff;
	[tilespmem:v3+s22+$0x0] =	vst.idx.msk $0xffff, v4  }
0x2c3: {  	[tilespmem:v13+s22+$0x0] =	vst.idx.msk $0xffff, v36;
	v3 =	vmul.f32 v39, v2;
	v4 =	vld.idx.msk [tilespmem:v34+s6+$0x0], $0xffff  }
0x2c4: {  	v1 =	vor.u32 v28, v1;
	s2 =	sadd.s32 $0x1, s2;
	[tilespmem:v11+s22+$0x0] =	vst.idx.msk $0xffff, v61;
	v62 =	vmul.f32 v8, v2  }
0x2c5: {  	v1 =	vor.u32 v21, v1;
	p0 =	sne.s32 s2, $0x20;
	[tilespmem:v12+s22+$0x0] =	vst.idx.msk $0xffff, v3;
	v3 =	vmul.f32 v60, v2  }
.Ltmp9:
0x2c6: {  	[tilespmem:v24+s22+$0x0] =	vst.idx.msk $0xffff, v62;
	v63 =	vmul.f32 v9, v2;
	(pc) =	sbr.rel @p0 .LBB2_19-.Ltmp9, $4  }
0x2c7: {  	[tilespmem:v20+s22+$0x0] =	vst.idx.msk $0xffff, v3;
	v3 =	vmul.f32 v5, v2  }
0x2c8: {  	[tilespmem:v32+s22+$0x0] =	vst.idx.msk $0xffff, v63;
	v2 =	vmul.f32 v4, v2  }
0x2c9: {  	[tilespmem:v27+s22+$0x0] =	vst.idx.msk $0xffff, v3  }
0x2ca: {  	[tilespmem:v1+s22+$0x0] =	vst.idx.msk $0xffff, v2  }
0x2cb: {  	s1 =	sor.u32 $0x1, s31  }
0x2cc: {  	s2 =	sshll.u32 s1, $0xE  }
0x2cd: {  	s4 =	sadd.s32 s2, s12;
	s2 =	simm.s32 $0x0  }
0x2ce: {  	[hbm4b:s4+s2] =	stream.linear.scatter [tilespmem:s22], [sflag:$0x3], $0x8000, $0x38;
	[tilespmem:$0x12C80] =	vst v63  }
0x2cf: {  	_ =	swait.ge [sflag:s25], $0x8000  }
0x2d0: {  	[sflag:s25] =	ssyncset.done $0x0  }
0x2d1: {  	s4 =	simm.s32 $0x0;
	[sflag:s25] =	ssyncadd.s32 $0xFFFF8000  }
.LBB2_23:
0x2d2: {  	s8 =	sshrl.u32 s4, $0x4;
	s9 =	sshll.u32 s4, $0x7  }
0x2d3: {  	s10 =	sshll.u32 s4, $0x4;
	s9 =	sand.u32 $0x400, s9;
	s11 =	sshll.u32 s8, $0x7  }
0x2d4: {  	s31 =	simm.s32 $0x3;
	s15 =	sand.u32 $0x70, s10;
	s9 =	sadd.s32 s9, s11  }
0x2d5: {  	s10 =	sand.u32 $0xF0, s10;
	s8 =	sshll.u32 s8, $0x6;
	s9 =	sor.u32 s15, s9  }
0x2d6: {  	v14 =	vadd.s32 s31, v0;
	v2 =	vmov s10;
	v6 =	vmov s8;
	s15 =	simm.s32 $0x2;
	v1 =	vld [tilespmem:s9+$0x1580]  }
0x2d7: {  	v17 =	vand.u32 $0xF, v14;
	v2 =	vshll.u32 v2, $0x3;
	v11 =	vadd.s32 s15, v0;
	s15 =	simm.s32 $0x7  }
0x2d8: {  	v19 =	vor.u32 v6, v17;
	v2 =	vand.u32 $0x400, v2;
	v39 =	vadd.s32 s15, v0  }
0x2d9: {  	v13 =	vand.u32 $0xF, v11;
	v11 =	vshll.u32 v11, $0x7;
	v44 =	vand.u32 $0xF, v39  }
0x2da: {  	v24 =	vand.u32 $0x380, v11;
	v39 =	vshll.u32 v39, $0x7;
	v45 =	vor.u32 v6, v44  }
0x2db: {  	v39 =	vand.u32 $0x380, v39;
	v4 =	vshll.u32 v1, $0x6;
	v1 =	vor.u32 s10, v0  }
0x2dc: {  	v45 =	vshll.u32 v45, $0x8;
	s10 =	simm.s32 $0x5;
	v1 =	vand.u32 $0x7F, v1;
	v10 =	vand.u32 $0xFFFFFF80, v4  }
0x2dd: {  	v16 =	vor.u32 v4, v13;
	v13 =	vor.u32 v6, v13;
	v56 =	vadd.s32 s10, v0  }
0x2de: {  	s11 =	simm.s32 $0x1;
	v44 =	vor.u32 v4, v44;
	v7 =	vor.u32 v2, v1;
	v5 =	vor.u32 $0x10, v10  }
0x2df: {  	v9 =	vor.u32 $0x20, v10;
	v10 =	vor.u32 $0x30, v10;
	v2 =	vadd.s32 s11, v0  }
0x2e0: {  	v13 =	vshll.u32 v13, $0x8;
	v40 =	vand.u32 $0xF, v56;
	v48 =	vand.u32 $0x4F, v44  }
0x2e1: {  	v8 =	vor.u32 $0x1000, v7;
	v3 =	vor.u32 $0x2000, v7;
	v1 =	vor.u32 $0x3000, v7  }
0x2e2: {  	v12 =	vand.u32 $0xF, v2;
	v18 =	vshll.u32 v2, $0x7;
	v2 =	vshll.u32 v14, $0x7  }
0x2e3: {  	s11 =	simm.s32 $0x6;
	v14 =	vor.u32 v4, v17;
	v13 =	vand.u32 $0x7FFFC800, v13;
	v11 =	vor.u32 v24, v7  }
0x2e4: {  	v38 =	vadd.s32 s11, v0;
	v42 =	vor.u32 v4, v40;
	v40 =	vor.u32 v6, v40  }
0x2e5: {  	v15 =	vor.u32 v4, v12;
	v12 =	vor.u32 v6, v12;
	v17 =	vand.u32 $0x380, v2  }
0x2e6: {  	v18 =	vand.u32 $0x380, v18;
	v27 =	vor.u32 v24, v8;
	v29 =	vor.u32 v13, v11  }
0x2e7: {  	v11 =	vor.u32 v24, v1;
	v34 =	vand.u32 $0x4F, v14;
	v41 =	vand.u32 $0xF, v38  }
0x2e8: {  	v38 =	vshll.u32 v38, $0x7;
	v46 =	vand.u32 $0x4F, v42;
	v59 =	vor.u32 v39, v1  }
0x2e9: {  	v2 =	vld [tilespmem:s9+$0x2580];
	v12 =	vshll.u32 v12, $0x8;
	v20 =	vor.u32 v17, v7;
	v22 =	vor.u32 v17, v1  }
0x2ea: {  	v27 =	vor.u32 v13, v27;
	v32 =	vor.u32 v18, v8;
	v11 =	vor.u32 v13, v11;
	v25 =	vld.idx.msk [tilespmem:v16+s6+$0x0], $0xffff  }
0x2eb: {  	v43 =	vor.u32 v4, v41;
	v41 =	vor.u32 v6, v41;
	v38 =	vand.u32 $0x380, v38;
	v31 =	vld.idx.msk [tilespmem:v14+s6+$0x0], $0xffff  }
0x2ec: {  	v51 =	vor.u32 v46, v9;
	v23 =	vand.u32 $0x7FFFC800, v12;
	v12 =	vor.u32 v18, v7;
	v21 =	vld.idx.msk [tilespmem:v15+s6+$0x0], $0xffff  }
0x2ed: {  	v16 =	vand.u32 $0x4F, v16;
	v57 =	vshll.u32 v41, $0x8;
	v61 =	vand.u32 $0x4F, v43;
	v58 =	vld.idx.msk [tilespmem:v42+s6+$0x0], $0xffff  }
0x2ee: {  	v12 =	vor.u32 v23, v12;
	v30 =	vor.u32 v16, v5;
	v15 =	vand.u32 $0x4F, v15  }
0x2ef: {  	v14 =	vor.u32 v18, v3;
	v18 =	vor.u32 v18, v1;
	v26 =	vor.u32 v15, v5  }
0x2f0: {  	v33 =	vor.u32 v15, v9;
	v15 =	vor.u32 v15, v10;
	v35 =	vmul.f32 v25, v2  }
0x2f1: {  	v60 =	vld.idx.msk [tilespmem:v43+s6+$0x0], $0xffff;
	v43 =	vor.u32 v61, v5;
	v25 =	vor.u32 v34, v10;
	v28 =	vmul.f32 v21, v2  }
0x2f2: {  	v31 =	vmul.f32 v31, v2;
	[tilespmem:v29+s23+$0x0] =	vst.idx.msk $0xffff, v35;
	v35 =	vshll.u32 v56, $0x7;
	v41 =	vmul.f32 v58, v2  }
0x2f3: {  	v21 =	vor.u32 v16, v10;
	v16 =	vor.u32 v16, v9;
	v35 =	vand.u32 $0x380, v35;
	[tilespmem:v12+s23+$0x0] =	vst.idx.msk $0xffff, v28  }
0x2f4: {  	v50 =	vor.u32 v35, v8;
	v12 =	vshll.u32 v19, $0x8;
	v19 =	vor.u32 v24, v3;
	v24 =	vld.idx.msk [tilespmem:v26+s6+$0x0], $0xffff  }
0x2f5: {  	v26 =	vor.u32 v23, v32;
	v28 =	vor.u32 v13, v19;
	v19 =	vor.u32 v23, v14  }
0x2f6: {  	v29 =	vand.u32 $0x7FFFC800, v12;
	v12 =	vor.u32 v17, v8;
	v14 =	vadd.s32 s2, v0  }
0x2f7: {  	v13 =	vld.idx.msk [tilespmem:v30+s6+$0x0], $0xffff;
	v30 =	vor.u32 v29, v12;
	v12 =	vor.u32 v29, v22;
	v22 =	vand.u32 $0xF, v14  }
0x2f8: {  	v42 =	vmul.f32 v60, v2;
	v20 =	vor.u32 v29, v20;
	v53 =	vor.u32 v4, v22  }
0x2f9: {  	v32 =	vor.u32 v34, v9;
	v22 =	vor.u32 v6, v22;
	v24 =	vmul.f32 v24, v2  }
0x2fa: {  	v17 =	vor.u32 v17, v3;
	v36 =	vshll.u32 v14, $0x7;
	v14 =	vshll.u32 v22, $0x8  }
0x2fb: {  	v29 =	vor.u32 v29, v17;
	v22 =	vand.u32 $0x4F, v53;
	v37 =	vand.u32 $0x7FFFC800, v14;
	[tilespmem:v26+s23+$0x0] =	vst.idx.msk $0xffff, v24  }
0x2fc: {  	v24 =	vmul.f32 v13, v2;
	v13 =	vor.u32 v23, v18;
	v23 =	vor.u32 v34, v5  }
0x2fd: {  	v14 =	vor.u32 v22, v10;
	[tilespmem:v20+s23+$0x0] =	vst.idx.msk $0xffff, v31;
	v20 =	vshll.u32 v40, $0x8;
	v26 =	vand.u32 $0x380, v36;
	v54 =	vld.idx.msk [tilespmem:v53+s6+$0x0], $0xffff  }
0x2fe: {  	v31 =	vor.u32 v39, v7;
	v40 =	vor.u32 v48, v5;
	v18 =	vld.idx.msk [tilespmem:v33+s6+$0x0], $0xffff;
	v55 =	vor.u32 v26, v7  }
0x2ff: {  	v34 =	vor.u32 v22, v9;
	v22 =	vor.u32 v22, v5;
	v17 =	vor.u32 v37, v55  }
0x300: {  	v47 =	vand.u32 $0x7FFFC800, v20;
	v20 =	vor.u32 v35, v7;
	v36 =	vor.u32 v26, v8  }
0x301: {  	v49 =	vor.u32 v26, v3;
	v50 =	vor.u32 v47, v50;
	v36 =	vor.u32 v37, v36;
	v23 =	vld.idx.msk [tilespmem:v23+s6+$0x0], $0xffff  }
0x302: {  	[tilespmem:v27+s23+$0x0] =	vst.idx.msk $0xffff, v24;
	v24 =	vor.u32 v46, v5;
	v33 =	vmul.f32 v54, v2;
	v54 =	vand.u32 $0x7FFFC800, v45  }
0x303: {  	s31 =	simm.s32 $0x4;
	v62 =	vld.idx.msk [tilespmem:v16+s6+$0x0], $0xffff;
	v16 =	vor.u32 v38, v3;
	v18 =	vmul.f32 v18, v2;
	v31 =	vor.u32 v54, v31  }
0x304: {  	v55 =	vadd.s32 s31, v0;
	[tilespmem:v17+s23+$0x0] =	vst.idx.msk $0xffff, v33;
	v17 =	vor.u32 v47, v20;
	v20 =	vor.u32 v38, v8  }
0x305: {  	v44 =	vld.idx.msk [tilespmem:v44+s6+$0x0], $0xffff;
	[tilespmem:v19+s23+$0x0] =	vst.idx.msk $0xffff, v18;
	v19 =	vand.u32 $0x7FFFC800, v57;
	v18 =	vor.u32 v38, v7;
	v57 =	vand.u32 $0xF, v55  }
0x306: {  	v22 =	vld.idx.msk [tilespmem:v22+s6+$0x0], $0xffff;
	v27 =	vor.u32 v19, v18;
	v18 =	vor.u32 v19, v20;
	v23 =	vmul.f32 v23, v2  }
0x307: {  	v20 =	vor.u32 v38, v1;
	v52 =	vld.idx.msk [tilespmem:v15+s6+$0x0], $0xffff;
	v15 =	vor.u32 v61, v10;
	v60 =	vor.u32 v4, v57  }
0x308: {  	v20 =	vor.u32 v19, v20;
	[tilespmem:v30+s23+$0x0] =	vst.idx.msk $0xffff, v23;
	v23 =	vor.u32 v35, v3  }
0x309: {  	[tilespmem:v17+s23+$0x0] =	vst.idx.msk $0xffff, v41;
	v17 =	vor.u32 v19, v16;
	v16 =	vor.u32 v48, v10  }
0x30a: {  	v30 =	vmul.f32 v44, v2;
	v19 =	vor.u32 v48, v9;
	v41 =	vmul.f32 v62, v2  }
0x30b: {  	v62 =	vor.u32 v35, v1;
	v35 =	vor.u32 v46, v10;
	v63 =	vmul.f32 v22, v2;
	v53 =	vld.idx.msk [tilespmem:v24+s6+$0x0], $0xffff  }
0x30c: {  	v22 =	vor.u32 v47, v23;
	v32 =	vld.idx.msk [tilespmem:v32+s6+$0x0], $0xffff;
	v23 =	vor.u32 v39, v8;
	v24 =	vor.u32 v26, v1  }
0x30d: {  	v26 =	vor.u32 v61, v9;
	[tilespmem:v27+s23+$0x0] =	vst.idx.msk $0xffff, v42;
	v23 =	vor.u32 v54, v23  }
0x30e: {  	v27 =	vor.u32 v54, v59;
	v24 =	vor.u32 v37, v24;
	[tilespmem:v28+s23+$0x0] =	vst.idx.msk $0xffff, v41  }
0x30f: {  	v37 =	vor.u32 v37, v49;
	v59 =	vshll.u32 v55, $0x7;
	v43 =	vld.idx.msk [tilespmem:v43+s6+$0x0], $0xffff;
	[tilespmem:v36+s23+$0x0] =	vst.idx.msk $0xffff, v63  }
0x310: {  	v28 =	vor.u32 v6, v57;
	v42 =	vand.u32 $0x4F, v60;
	v56 =	vld.idx.msk [tilespmem:v34+s6+$0x0], $0xffff;
	v58 =	vmul.f32 v53, v2  }
0x311: {  	v28 =	vshll.u32 v28, $0x8;
	v38 =	vld.idx.msk [tilespmem:v21+s6+$0x0], $0xffff;
	v36 =	vmul.f32 v52, v2;
	v61 =	vmul.f32 v32, v2  }
0x312: {  	v63 =	vor.u32 v39, v3;
	v21 =	vand.u32 $0x7FFFC800, v28;
	v28 =	vand.u32 $0x380, v59;
	[tilespmem:v50+s23+$0x0] =	vst.idx.msk $0xffff, v58  }
0x313: {  	v34 =	vor.u32 v42, v10;
	v46 =	vor.u32 v28, v7;
	[tilespmem:v29+s23+$0x0] =	vst.idx.msk $0xffff, v61;
	v41 =	vld.idx.msk [tilespmem:v51+s6+$0x0], $0xffff  }
0x314: {  	v32 =	vor.u32 v47, v62;
	v33 =	vmul.f32 v43, v2;
	v29 =	vor.u32 v42, v9;
	v39 =	vld.idx.msk [tilespmem:v25+s6+$0x0], $0xffff  }
0x315: {  	s8 =	simm.s32 $0x8;
	v45 =	vld.idx.msk [tilespmem:v60+s6+$0x0], $0xffff;
	v43 =	vor.u32 v28, v8;
	v44 =	vmul.f32 v56, v2;
	v25 =	vor.u32 v54, v63  }
.LBB2_24:
0x316: {  	s9 =	sadd.s32 $0x1, s8;
	s10 =	sadd.s32 $0x2, s8;
	s11 =	sadd.s32 $0x3, s8;
	v46 =	vor.u32 v21, v46;
	v42 =	vor.u32 v42, v5;
	v38 =	vmul.f32 v38, v2  }
0x317: {  	p0 =	slt.u32 s8, $0xC;
	v47 =	vadd.s32 s9, v0;
	v48 =	vadd.s32 s10, v0;
	v49 =	vadd.s32 s11, v0;
	[tilespmem:v37+s23+$0x0] =	vst.idx.msk $0xffff, v44;
	s9 =	smov.u32 s8;
	s8 =	sadd.s32 $0x4, s8  }
0x318: {  	v41 =	vmul.f32 v41, v2;
	v37 =	vand.u32 $0xF, v47;
	v44 =	vand.u32 $0xF, v48;
	v50 =	vld.idx.msk [tilespmem:v14+s6+$0x0], $0xffff;
	[tilespmem:v11+s23+$0x0] =	vst.idx.msk $0xffff, v38  }
0x319: {  	v14 =	vmul.f32 v39, v2;
	v11 =	vmovc v20;
	v38 =	vor.u32 v4, v37;
	v51 =	vor.u32 v4, v44  }
0x31a: {  	v20 =	vor.u32 v6, v37;
	v37 =	vand.u32 $0xF, v49;
	v39 =	vmul.f32 v45, v2;
	[tilespmem:v13+s23+$0x0] =	vst.idx.msk $0xffff, v36  }
0x31b: {  	v45 =	vshll.u32 v49, $0x7;
	v13 =	vshll.u32 v47, $0x7;
	v36 =	vor.u32 v6, v37;
	[tilespmem:v12+s23+$0x0] =	vst.idx.msk $0xffff, v14;
	v12 =	vmovc v27  }
0x31c: {  	v37 =	vor.u32 v4, v37;
	v27 =	vor.u32 v6, v44;
	v44 =	vand.u32 $0x380, v45;
	[tilespmem:v31+s23+$0x0] =	vst.idx.msk $0xffff, v30  }
0x31d: {  	v43 =	vor.u32 v21, v43;
	v20 =	vshll.u32 v20, $0x8;
	v31 =	vor.u32 v44, v7;
	v14 =	vmovc v34;
	v30 =	vld.idx.msk [tilespmem:v40+s6+$0x0], $0xffff  }
0x31e: {  	v27 =	vshll.u32 v27, $0x8;
	v40 =	vshll.u32 v48, $0x7;
	v34 =	vld.idx.msk [tilespmem:v38+s6+$0x0], $0xffff;
	[tilespmem:v46+s23+$0x0] =	vst.idx.msk $0xffff, v39;
	v39 =	vmul.f32 v50, v2  }
0x31f: {  	v45 =	vand.u32 $0x380, v13;
	v47 =	vor.u32 v44, v1;
	v13 =	vmovc v32;
	v46 =	vand.u32 $0x4F, v38;
	v38 =	vld.idx.msk [tilespmem:v51+s6+$0x0], $0xffff  }
0x320: {  	v32 =	vand.u32 $0x7FFFC800, v20;
	v20 =	vor.u32 v45, v7;
	v48 =	vand.u32 $0x4F, v37;
	v42 =	vld.idx.msk [tilespmem:v42+s6+$0x0], $0xffff;
	[tilespmem:v24+s23+$0x0] =	vst.idx.msk $0xffff, v39  }
0x321: {  	v24 =	vor.u32 v32, v20;
	v39 =	vand.u32 $0x380, v40;
	v40 =	vor.u32 v28, v3;
	[tilespmem:v22+s23+$0x0] =	vst.idx.msk $0xffff, v41  }
0x322: {  	v22 =	vand.u32 $0x7FFFC800, v27;
	v20 =	vor.u32 v39, v7;
	v41 =	vand.u32 $0x4F, v51;
	v35 =	vld.idx.msk [tilespmem:v35+s6+$0x0], $0xffff;
	[tilespmem:v18+s23+$0x0] =	vst.idx.msk $0xffff, v33  }
0x323: {  	v27 =	vor.u32 v46, v5;
	v18 =	vor.u32 v39, v8;
	v30 =	vmul.f32 v30, v2  }
0x324: {  	v33 =	vor.u32 v22, v20;
	v49 =	vor.u32 v41, v5;
	v18 =	vor.u32 v22, v18;
	v37 =	vld.idx.msk [tilespmem:v37+s6+$0x0], $0xffff  }
0x325: {  	v50 =	vor.u32 v45, v8;
	v20 =	vor.u32 v39, v1;
	v34 =	vmul.f32 v34, v2  }
0x326: {  	v51 =	vor.u32 v46, v9;
	v52 =	vor.u32 v41, v10;
	v20 =	vor.u32 v22, v20;
	v26 =	vld.idx.msk [tilespmem:v26+s6+$0x0], $0xffff  }
0x327: {  	v36 =	vshll.u32 v36, $0x8;
	v53 =	vor.u32 v45, v3;
	v38 =	vmul.f32 v38, v2;
	[tilespmem:v23+s23+$0x0] =	vst.idx.msk $0xffff, v30  }
0x328: {  	v23 =	vor.u32 v39, v3;
	[tilespmem:v24+s23+$0x0] =	vst.idx.msk $0xffff, v34;
	v24 =	vmul.f32 v42, v2;
	v34 =	vld.idx.msk [tilespmem:v19+s6+$0x0], $0xffff  }
0x329: {  	v54 =	vor.u32 v48, v10;
	v50 =	vor.u32 v32, v50;
	v42 =	vor.u32 v22, v23;
	v39 =	vld.idx.msk [tilespmem:v27+s6+$0x0], $0xffff  }
0x32a: {  	v22 =	vor.u32 v32, v53;
	v19 =	vor.u32 v48, v9;
	v30 =	vmul.f32 v37, v2  }
0x32b: {  	v28 =	vor.u32 v28, v1;
	v53 =	vand.u32 $0x7FFFC800, v36;
	v23 =	vor.u32 v44, v8;
	[tilespmem:v33+s23+$0x0] =	vst.idx.msk $0xffff, v38  }
0x32c: {  	v31 =	vor.u32 v53, v31;
	v23 =	vor.u32 v53, v23;
	v33 =	vld.idx.msk [tilespmem:v49+s6+$0x0], $0xffff;
	[tilespmem:v43+s23+$0x0] =	vst.idx.msk $0xffff, v24  }
0x32d: {  	v27 =	vor.u32 v53, v47;
	v24 =	vor.u32 v21, v28;
	v28 =	vmul.f32 v26, v2  }
0x32e: {  	v36 =	vadd.s32 s9, v0;
	v37 =	vor.u32 v21, v40;
	v26 =	vor.u32 v41, v9;
	v29 =	vld.idx.msk [tilespmem:v29+s6+$0x0], $0xffff  }
0x32f: {  	v21 =	vand.u32 $0xF, v36;
	v43 =	vshll.u32 v36, $0x7;
	v36 =	vmul.f32 v39, v2;
	[tilespmem:v17+s23+$0x0] =	vst.idx.msk $0xffff, v28;
	v17 =	vmovc v42  }
0x330: {  	v39 =	vmul.f32 v34, v2;
	v28 =	vor.u32 v4, v21;
	v21 =	vor.u32 v6, v21;
	v38 =	vld.idx.msk [tilespmem:v15+s6+$0x0], $0xffff  }
0x331: {  	v21 =	vshll.u32 v21, $0x8;
	v42 =	vand.u32 $0x4F, v28;
	v15 =	vmovc v52;
	[tilespmem:v50+s23+$0x0] =	vst.idx.msk $0xffff, v36;
	v36 =	vmul.f32 v35, v2  }
.Ltmp10:
0x332: {  	v21 =	vand.u32 $0x7FFFC800, v21;
	v35 =	vor.u32 v45, v1;
	v33 =	vmul.f32 v33, v2;
	v41 =	vld.idx.msk [tilespmem:v51+s6+$0x0], $0xffff;
	(pc) =	sbr.rel @p0 .LBB2_24-.Ltmp10, $4  }
0x333: {  	v34 =	vor.u32 v42, v10;
	v32 =	vor.u32 v32, v35;
	[tilespmem:v25+s23+$0x0] =	vst.idx.msk $0xffff, v39  }
0x334: {  	v40 =	vor.u32 v48, v5;
	v25 =	vor.u32 v44, v3;
	v44 =	vmul.f32 v29, v2;
	v39 =	vld.idx.msk [tilespmem:v16+s6+$0x0], $0xffff  }
0x335: {  	v35 =	vor.u32 v46, v10;
	v29 =	vor.u32 v42, v9;
	v16 =	vmovc v54;
	v45 =	vld.idx.msk [tilespmem:v28+s6+$0x0], $0xffff;
	v28 =	vand.u32 $0x380, v43  }
0x336: {  	v25 =	vor.u32 v53, v25;
	v46 =	vor.u32 v28, v7;
	v43 =	vor.u32 v28, v8  }
0x337: {  	v4 =	vor.u32 v21, v46  }
0x338: {  	v5 =	vor.u32 v42, v5;
	_ =	sdelay $0x1  }
0x339: {  	v6 =	vmul.f32 v45, v2  }
0x33a: {  	[tilespmem:v31+s23+$0x0] =	vst.idx.msk $0xffff, v30  }
0x33b: {  	v7 =	vld.idx.msk [tilespmem:v40+s6+$0x0], $0xffff;
	[tilespmem:v4+s23+$0x0] =	vst.idx.msk $0xffff, v6  }
0x33c: {  	v4 =	vld.idx.msk [tilespmem:v5+s6+$0x0], $0xffff;
	_ =	sdelay $0x1  }
0x33d: {  	v54 =	vor.u32 v21, v43;
	_ =	sdelay $0x1  }
0x33e: {  	[tilespmem:v18+s23+$0x0] =	vst.idx.msk $0xffff, v33;
	v55 =	vmul.f32 v7, v2  }
0x33f: {  	v56 =	vld.idx.msk [tilespmem:v26+s6+$0x0], $0xffff;
	v4 =	vmul.f32 v4, v2  }
0x340: {  	[tilespmem:v23+s23+$0x0] =	vst.idx.msk $0xffff, v55  }
0x341: {  	v6 =	vld.idx.msk [tilespmem:v19+s6+$0x0], $0xffff;
	[tilespmem:v54+s23+$0x0] =	vst.idx.msk $0xffff, v4  }
0x342: {  	v4 =	vld.idx.msk [tilespmem:v29+s6+$0x0], $0xffff  }
0x343: {  	v3 =	vor.u32 v28, v3  }
0x344: {  	v3 =	vor.u32 v21, v3;
	v57 =	vmul.f32 v56, v2  }
0x345: {  	[tilespmem:v37+s23+$0x0] =	vst.idx.msk $0xffff, v44;
	v58 =	vmul.f32 v41, v2  }
0x346: {  	v8 =	vld.idx.msk [tilespmem:v14+s6+$0x0], $0xffff;
	[tilespmem:v17+s23+$0x0] =	vst.idx.msk $0xffff, v57;
	v59 =	vmul.f32 v6, v2  }
0x347: {  	[tilespmem:v22+s23+$0x0] =	vst.idx.msk $0xffff, v58;
	v60 =	vld.idx.msk [tilespmem:v15+s6+$0x0], $0xffff;
	v4 =	vmul.f32 v4, v2  }
0x348: {  	v9 =	vld.idx.msk [tilespmem:v35+s6+$0x0], $0xffff;
	[tilespmem:v25+s23+$0x0] =	vst.idx.msk $0xffff, v59  }
0x349: {  	v61 =	vmul.f32 v38, v2;
	v5 =	vld.idx.msk [tilespmem:v16+s6+$0x0], $0xffff;
	[tilespmem:v3+s23+$0x0] =	vst.idx.msk $0xffff, v4  }
0x34a: {  	[tilespmem:v13+s23+$0x0] =	vst.idx.msk $0xffff, v36;
	v3 =	vmul.f32 v39, v2;
	v4 =	vld.idx.msk [tilespmem:v34+s6+$0x0], $0xffff  }
0x34b: {  	v1 =	vor.u32 v28, v1;
	s4 =	sadd.s32 $0x1, s4;
	[tilespmem:v11+s23+$0x0] =	vst.idx.msk $0xffff, v61;
	v62 =	vmul.f32 v8, v2  }
0x34c: {  	v1 =	vor.u32 v21, v1;
	p0 =	sne.s32 s4, $0x20;
	[tilespmem:v12+s23+$0x0] =	vst.idx.msk $0xffff, v3;
	v3 =	vmul.f32 v60, v2  }
.Ltmp11:
0x34d: {  	[tilespmem:v24+s23+$0x0] =	vst.idx.msk $0xffff, v62;
	v63 =	vmul.f32 v9, v2;
	(pc) =	sbr.rel @p0 .LBB2_23-.Ltmp11, $4  }
0x34e: {  	[tilespmem:v20+s23+$0x0] =	vst.idx.msk $0xffff, v3;
	v3 =	vmul.f32 v5, v2  }
0x34f: {  	[tilespmem:v32+s23+$0x0] =	vst.idx.msk $0xffff, v63;
	v2 =	vmul.f32 v4, v2  }
0x350: {  	[tilespmem:v27+s23+$0x0] =	vst.idx.msk $0xffff, v3  }
0x351: {  	[tilespmem:v1+s23+$0x0] =	vst.idx.msk $0xffff, v2  }
0x352: {  	s1 =	sshll.u32 s1, $0x3  }
0x353: {  	s1 =	sadd.s32 s1, s7  }
0x354: {  	s31 =	sshll.u32 s1, $0xB  }
0x355: {  	s1 =	sadd.s32 $0x1000, s31  }
0x356: {  	s1 =	sand.u32 $0x1FFFD000, s1  }
0x357: {  	s2 =	sadd.s32 s5, s1;
	s1 =	simm.s32 $0x0  }
0x358: {  	[hbm4b:s2+s1] =	stream.linear.scatter [tilespmem:s23], [sflag:$0x4], $0x8000, $0x38;
	[tilespmem:$0x12C80] =	vst v63  }
0x359: {  	_ =	swait.ge [sflag:s24], $0x8000  }
0x35a: {  	[sflag:s24] =	ssyncset.done $0x0  }
0x35b: {  	s2 =	simm.s32 $0x0;
	[sflag:s24] =	ssyncadd.s32 $0xFFFF8000  }
.LBB2_27:
0x35c: {  	s4 =	sshrl.u32 s2, $0x4;
	s8 =	sshll.u32 s2, $0x7  }
0x35d: {  	s9 =	sshll.u32 s2, $0x4;
	s8 =	sand.u32 $0x400, s8;
	s10 =	sshll.u32 s4, $0x7  }
0x35e: {  	s15 =	simm.s32 $0x3;
	s11 =	sand.u32 $0x70, s9;
	s8 =	sadd.s32 s8, s10  }
0x35f: {  	s9 =	sand.u32 $0xF0, s9;
	s4 =	sshll.u32 s4, $0x6;
	s8 =	sor.u32 s11, s8  }
0x360: {  	v14 =	vadd.s32 s15, v0;
	v2 =	vmov s9;
	v6 =	vmov s4;
	s11 =	simm.s32 $0x2;
	v1 =	vld [tilespmem:s8+$0x1680]  }
0x361: {  	v17 =	vand.u32 $0xF, v14;
	v2 =	vshll.u32 v2, $0x3;
	v11 =	vadd.s32 s11, v0;
	s11 =	simm.s32 $0x7  }
0x362: {  	v19 =	vor.u32 v6, v17;
	v2 =	vand.u32 $0x400, v2;
	v39 =	vadd.s32 s11, v0  }
0x363: {  	v13 =	vand.u32 $0xF, v11;
	v11 =	vshll.u32 v11, $0x7;
	v44 =	vand.u32 $0xF, v39  }
0x364: {  	v24 =	vand.u32 $0x380, v11;
	v39 =	vshll.u32 v39, $0x7;
	v45 =	vor.u32 v6, v44  }
0x365: {  	v39 =	vand.u32 $0x380, v39;
	v4 =	vshll.u32 v1, $0x6;
	v1 =	vor.u32 s9, v0  }
0x366: {  	v45 =	vshll.u32 v45, $0x8;
	s9 =	simm.s32 $0x5;
	v1 =	vand.u32 $0x7F, v1;
	v10 =	vand.u32 $0xFFFFFF80, v4  }
0x367: {  	v16 =	vor.u32 v4, v13;
	v13 =	vor.u32 v6, v13;
	v56 =	vadd.s32 s9, v0  }
0x368: {  	s10 =	simm.s32 $0x1;
	v44 =	vor.u32 v4, v44;
	v7 =	vor.u32 v2, v1;
	v5 =	vor.u32 $0x10, v10  }
0x369: {  	v9 =	vor.u32 $0x20, v10;
	v10 =	vor.u32 $0x30, v10;
	v2 =	vadd.s32 s10, v0  }
0x36a: {  	v13 =	vshll.u32 v13, $0x8;
	v40 =	vand.u32 $0xF, v56;
	v48 =	vand.u32 $0x4F, v44  }
0x36b: {  	v8 =	vor.u32 $0x1000, v7;
	v3 =	vor.u32 $0x2000, v7;
	v1 =	vor.u32 $0x3000, v7  }
0x36c: {  	v12 =	vand.u32 $0xF, v2;
	v18 =	vshll.u32 v2, $0x7;
	v2 =	vshll.u32 v14, $0x7  }
0x36d: {  	s10 =	simm.s32 $0x6;
	v14 =	vor.u32 v4, v17;
	v13 =	vand.u32 $0x7FFFC800, v13;
	v11 =	vor.u32 v24, v7  }
0x36e: {  	v38 =	vadd.s32 s10, v0;
	v42 =	vor.u32 v4, v40;
	v40 =	vor.u32 v6, v40  }
0x36f: {  	v15 =	vor.u32 v4, v12;
	v12 =	vor.u32 v6, v12;
	v17 =	vand.u32 $0x380, v2  }
0x370: {  	v18 =	vand.u32 $0x380, v18;
	v27 =	vor.u32 v24, v8;
	v29 =	vor.u32 v13, v11  }
0x371: {  	v11 =	vor.u32 v24, v1;
	v34 =	vand.u32 $0x4F, v14;
	v41 =	vand.u32 $0xF, v38  }
0x372: {  	v38 =	vshll.u32 v38, $0x7;
	v46 =	vand.u32 $0x4F, v42;
	v59 =	vor.u32 v39, v1  }
0x373: {  	v2 =	vld [tilespmem:s8+$0x2680];
	v12 =	vshll.u32 v12, $0x8;
	v20 =	vor.u32 v17, v7;
	v22 =	vor.u32 v17, v1  }
0x374: {  	v27 =	vor.u32 v13, v27;
	v32 =	vor.u32 v18, v8;
	v11 =	vor.u32 v13, v11;
	v25 =	vld.idx.msk [tilespmem:v16+s6+$0x0], $0xffff  }
0x375: {  	v43 =	vor.u32 v4, v41;
	v41 =	vor.u32 v6, v41;
	v38 =	vand.u32 $0x380, v38;
	v31 =	vld.idx.msk [tilespmem:v14+s6+$0x0], $0xffff  }
0x376: {  	v51 =	vor.u32 v46, v9;
	v23 =	vand.u32 $0x7FFFC800, v12;
	v12 =	vor.u32 v18, v7;
	v21 =	vld.idx.msk [tilespmem:v15+s6+$0x0], $0xffff  }
0x377: {  	v16 =	vand.u32 $0x4F, v16;
	v57 =	vshll.u32 v41, $0x8;
	v61 =	vand.u32 $0x4F, v43;
	v58 =	vld.idx.msk [tilespmem:v42+s6+$0x0], $0xffff  }
0x378: {  	v12 =	vor.u32 v23, v12;
	v30 =	vor.u32 v16, v5;
	v15 =	vand.u32 $0x4F, v15  }
0x379: {  	v14 =	vor.u32 v18, v3;
	v18 =	vor.u32 v18, v1;
	v26 =	vor.u32 v15, v5  }
0x37a: {  	v33 =	vor.u32 v15, v9;
	v15 =	vor.u32 v15, v10;
	v35 =	vmul.f32 v25, v2  }
0x37b: {  	v60 =	vld.idx.msk [tilespmem:v43+s6+$0x0], $0xffff;
	v43 =	vor.u32 v61, v5;
	v25 =	vor.u32 v34, v10;
	v28 =	vmul.f32 v21, v2  }
0x37c: {  	v31 =	vmul.f32 v31, v2;
	[tilespmem:v29+s22+$0x0] =	vst.idx.msk $0xffff, v35;
	v35 =	vshll.u32 v56, $0x7;
	v41 =	vmul.f32 v58, v2  }
0x37d: {  	v21 =	vor.u32 v16, v10;
	v16 =	vor.u32 v16, v9;
	v35 =	vand.u32 $0x380, v35;
	[tilespmem:v12+s22+$0x0] =	vst.idx.msk $0xffff, v28  }
0x37e: {  	v50 =	vor.u32 v35, v8;
	v12 =	vshll.u32 v19, $0x8;
	v19 =	vor.u32 v24, v3;
	v24 =	vld.idx.msk [tilespmem:v26+s6+$0x0], $0xffff  }
0x37f: {  	v26 =	vor.u32 v23, v32;
	v28 =	vor.u32 v13, v19;
	v19 =	vor.u32 v23, v14  }
0x380: {  	v29 =	vand.u32 $0x7FFFC800, v12;
	v12 =	vor.u32 v17, v8;
	v14 =	vadd.s32 s1, v0  }
0x381: {  	v13 =	vld.idx.msk [tilespmem:v30+s6+$0x0], $0xffff;
	v30 =	vor.u32 v29, v12;
	v12 =	vor.u32 v29, v22;
	v22 =	vand.u32 $0xF, v14  }
0x382: {  	v42 =	vmul.f32 v60, v2;
	v20 =	vor.u32 v29, v20;
	v53 =	vor.u32 v4, v22  }
0x383: {  	v32 =	vor.u32 v34, v9;
	v22 =	vor.u32 v6, v22;
	v24 =	vmul.f32 v24, v2  }
0x384: {  	v17 =	vor.u32 v17, v3;
	v36 =	vshll.u32 v14, $0x7;
	v14 =	vshll.u32 v22, $0x8  }
0x385: {  	v29 =	vor.u32 v29, v17;
	v22 =	vand.u32 $0x4F, v53;
	v37 =	vand.u32 $0x7FFFC800, v14;
	[tilespmem:v26+s22+$0x0] =	vst.idx.msk $0xffff, v24  }
0x386: {  	v24 =	vmul.f32 v13, v2;
	v13 =	vor.u32 v23, v18;
	v23 =	vor.u32 v34, v5  }
0x387: {  	v14 =	vor.u32 v22, v10;
	[tilespmem:v20+s22+$0x0] =	vst.idx.msk $0xffff, v31;
	v20 =	vshll.u32 v40, $0x8;
	v26 =	vand.u32 $0x380, v36;
	v54 =	vld.idx.msk [tilespmem:v53+s6+$0x0], $0xffff  }
0x388: {  	v31 =	vor.u32 v39, v7;
	v40 =	vor.u32 v48, v5;
	v18 =	vld.idx.msk [tilespmem:v33+s6+$0x0], $0xffff;
	v55 =	vor.u32 v26, v7  }
0x389: {  	v34 =	vor.u32 v22, v9;
	v22 =	vor.u32 v22, v5;
	v17 =	vor.u32 v37, v55  }
0x38a: {  	v47 =	vand.u32 $0x7FFFC800, v20;
	v20 =	vor.u32 v35, v7;
	v36 =	vor.u32 v26, v8  }
0x38b: {  	v49 =	vor.u32 v26, v3;
	v50 =	vor.u32 v47, v50;
	v36 =	vor.u32 v37, v36;
	v23 =	vld.idx.msk [tilespmem:v23+s6+$0x0], $0xffff  }
0x38c: {  	[tilespmem:v27+s22+$0x0] =	vst.idx.msk $0xffff, v24;
	v24 =	vor.u32 v46, v5;
	v33 =	vmul.f32 v54, v2;
	v54 =	vand.u32 $0x7FFFC800, v45  }
0x38d: {  	s15 =	simm.s32 $0x4;
	v62 =	vld.idx.msk [tilespmem:v16+s6+$0x0], $0xffff;
	v16 =	vor.u32 v38, v3;
	v18 =	vmul.f32 v18, v2;
	v31 =	vor.u32 v54, v31  }
0x38e: {  	v55 =	vadd.s32 s15, v0;
	[tilespmem:v17+s22+$0x0] =	vst.idx.msk $0xffff, v33;
	v17 =	vor.u32 v47, v20;
	v20 =	vor.u32 v38, v8  }
0x38f: {  	v44 =	vld.idx.msk [tilespmem:v44+s6+$0x0], $0xffff;
	[tilespmem:v19+s22+$0x0] =	vst.idx.msk $0xffff, v18;
	v19 =	vand.u32 $0x7FFFC800, v57;
	v18 =	vor.u32 v38, v7;
	v57 =	vand.u32 $0xF, v55  }
0x390: {  	v22 =	vld.idx.msk [tilespmem:v22+s6+$0x0], $0xffff;
	v27 =	vor.u32 v19, v18;
	v18 =	vor.u32 v19, v20;
	v23 =	vmul.f32 v23, v2  }
0x391: {  	v20 =	vor.u32 v38, v1;
	v52 =	vld.idx.msk [tilespmem:v15+s6+$0x0], $0xffff;
	v15 =	vor.u32 v61, v10;
	v60 =	vor.u32 v4, v57  }
0x392: {  	v20 =	vor.u32 v19, v20;
	[tilespmem:v30+s22+$0x0] =	vst.idx.msk $0xffff, v23;
	v23 =	vor.u32 v35, v3  }
0x393: {  	[tilespmem:v17+s22+$0x0] =	vst.idx.msk $0xffff, v41;
	v17 =	vor.u32 v19, v16;
	v16 =	vor.u32 v48, v10  }
0x394: {  	v30 =	vmul.f32 v44, v2;
	v19 =	vor.u32 v48, v9;
	v41 =	vmul.f32 v62, v2  }
0x395: {  	v62 =	vor.u32 v35, v1;
	v35 =	vor.u32 v46, v10;
	v63 =	vmul.f32 v22, v2;
	v53 =	vld.idx.msk [tilespmem:v24+s6+$0x0], $0xffff  }
0x396: {  	v22 =	vor.u32 v47, v23;
	v32 =	vld.idx.msk [tilespmem:v32+s6+$0x0], $0xffff;
	v23 =	vor.u32 v39, v8;
	v24 =	vor.u32 v26, v1  }
0x397: {  	v26 =	vor.u32 v61, v9;
	[tilespmem:v27+s22+$0x0] =	vst.idx.msk $0xffff, v42;
	v23 =	vor.u32 v54, v23  }
0x398: {  	v27 =	vor.u32 v54, v59;
	v24 =	vor.u32 v37, v24;
	[tilespmem:v28+s22+$0x0] =	vst.idx.msk $0xffff, v41  }
0x399: {  	v37 =	vor.u32 v37, v49;
	v59 =	vshll.u32 v55, $0x7;
	v43 =	vld.idx.msk [tilespmem:v43+s6+$0x0], $0xffff;
	[tilespmem:v36+s22+$0x0] =	vst.idx.msk $0xffff, v63  }
0x39a: {  	v28 =	vor.u32 v6, v57;
	v42 =	vand.u32 $0x4F, v60;
	v56 =	vld.idx.msk [tilespmem:v34+s6+$0x0], $0xffff;
	v58 =	vmul.f32 v53, v2  }
0x39b: {  	v28 =	vshll.u32 v28, $0x8;
	v38 =	vld.idx.msk [tilespmem:v21+s6+$0x0], $0xffff;
	v36 =	vmul.f32 v52, v2;
	v61 =	vmul.f32 v32, v2  }
0x39c: {  	v63 =	vor.u32 v39, v3;
	v21 =	vand.u32 $0x7FFFC800, v28;
	v28 =	vand.u32 $0x380, v59;
	[tilespmem:v50+s22+$0x0] =	vst.idx.msk $0xffff, v58  }
0x39d: {  	v34 =	vor.u32 v42, v10;
	v46 =	vor.u32 v28, v7;
	[tilespmem:v29+s22+$0x0] =	vst.idx.msk $0xffff, v61;
	v41 =	vld.idx.msk [tilespmem:v51+s6+$0x0], $0xffff  }
0x39e: {  	v32 =	vor.u32 v47, v62;
	v33 =	vmul.f32 v43, v2;
	v29 =	vor.u32 v42, v9;
	v39 =	vld.idx.msk [tilespmem:v25+s6+$0x0], $0xffff  }
0x39f: {  	s4 =	simm.s32 $0x8;
	v45 =	vld.idx.msk [tilespmem:v60+s6+$0x0], $0xffff;
	v43 =	vor.u32 v28, v8;
	v44 =	vmul.f32 v56, v2;
	v25 =	vor.u32 v54, v63  }
.LBB2_28:
0x3a0: {  	s8 =	sadd.s32 $0x1, s4;
	s9 =	sadd.s32 $0x2, s4;
	s10 =	sadd.s32 $0x3, s4;
	v46 =	vor.u32 v21, v46;
	v42 =	vor.u32 v42, v5;
	v38 =	vmul.f32 v38, v2  }
0x3a1: {  	p0 =	slt.u32 s4, $0xC;
	v47 =	vadd.s32 s8, v0;
	v48 =	vadd.s32 s9, v0;
	v49 =	vadd.s32 s10, v0;
	[tilespmem:v37+s22+$0x0] =	vst.idx.msk $0xffff, v44;
	s8 =	smov.u32 s4;
	s4 =	sadd.s32 $0x4, s4  }
0x3a2: {  	v41 =	vmul.f32 v41, v2;
	v37 =	vand.u32 $0xF, v47;
	v44 =	vand.u32 $0xF, v48;
	v50 =	vld.idx.msk [tilespmem:v14+s6+$0x0], $0xffff;
	[tilespmem:v11+s22+$0x0] =	vst.idx.msk $0xffff, v38  }
0x3a3: {  	v14 =	vmul.f32 v39, v2;
	v11 =	vmovc v20;
	v38 =	vor.u32 v4, v37;
	v51 =	vor.u32 v4, v44  }
0x3a4: {  	v20 =	vor.u32 v6, v37;
	v37 =	vand.u32 $0xF, v49;
	v39 =	vmul.f32 v45, v2;
	[tilespmem:v13+s22+$0x0] =	vst.idx.msk $0xffff, v36  }
0x3a5: {  	v45 =	vshll.u32 v49, $0x7;
	v13 =	vshll.u32 v47, $0x7;
	v36 =	vor.u32 v6, v37;
	[tilespmem:v12+s22+$0x0] =	vst.idx.msk $0xffff, v14;
	v12 =	vmovc v27  }
0x3a6: {  	v37 =	vor.u32 v4, v37;
	v27 =	vor.u32 v6, v44;
	v44 =	vand.u32 $0x380, v45;
	[tilespmem:v31+s22+$0x0] =	vst.idx.msk $0xffff, v30  }
0x3a7: {  	v43 =	vor.u32 v21, v43;
	v20 =	vshll.u32 v20, $0x8;
	v31 =	vor.u32 v44, v7;
	v14 =	vmovc v34;
	v30 =	vld.idx.msk [tilespmem:v40+s6+$0x0], $0xffff  }
0x3a8: {  	v27 =	vshll.u32 v27, $0x8;
	v40 =	vshll.u32 v48, $0x7;
	v34 =	vld.idx.msk [tilespmem:v38+s6+$0x0], $0xffff;
	[tilespmem:v46+s22+$0x0] =	vst.idx.msk $0xffff, v39;
	v39 =	vmul.f32 v50, v2  }
0x3a9: {  	v45 =	vand.u32 $0x380, v13;
	v47 =	vor.u32 v44, v1;
	v13 =	vmovc v32;
	v46 =	vand.u32 $0x4F, v38;
	v38 =	vld.idx.msk [tilespmem:v51+s6+$0x0], $0xffff  }
0x3aa: {  	v32 =	vand.u32 $0x7FFFC800, v20;
	v20 =	vor.u32 v45, v7;
	v48 =	vand.u32 $0x4F, v37;
	v42 =	vld.idx.msk [tilespmem:v42+s6+$0x0], $0xffff;
	[tilespmem:v24+s22+$0x0] =	vst.idx.msk $0xffff, v39  }
0x3ab: {  	v24 =	vor.u32 v32, v20;
	v39 =	vand.u32 $0x380, v40;
	v40 =	vor.u32 v28, v3;
	[tilespmem:v22+s22+$0x0] =	vst.idx.msk $0xffff, v41  }
0x3ac: {  	v22 =	vand.u32 $0x7FFFC800, v27;
	v20 =	vor.u32 v39, v7;
	v41 =	vand.u32 $0x4F, v51;
	v35 =	vld.idx.msk [tilespmem:v35+s6+$0x0], $0xffff;
	[tilespmem:v18+s22+$0x0] =	vst.idx.msk $0xffff, v33  }
0x3ad: {  	v27 =	vor.u32 v46, v5;
	v18 =	vor.u32 v39, v8;
	v30 =	vmul.f32 v30, v2  }
0x3ae: {  	v33 =	vor.u32 v22, v20;
	v49 =	vor.u32 v41, v5;
	v18 =	vor.u32 v22, v18;
	v37 =	vld.idx.msk [tilespmem:v37+s6+$0x0], $0xffff  }
0x3af: {  	v50 =	vor.u32 v45, v8;
	v20 =	vor.u32 v39, v1;
	v34 =	vmul.f32 v34, v2  }
0x3b0: {  	v51 =	vor.u32 v46, v9;
	v52 =	vor.u32 v41, v10;
	v20 =	vor.u32 v22, v20;
	v26 =	vld.idx.msk [tilespmem:v26+s6+$0x0], $0xffff  }
0x3b1: {  	v36 =	vshll.u32 v36, $0x8;
	v53 =	vor.u32 v45, v3;
	v38 =	vmul.f32 v38, v2;
	[tilespmem:v23+s22+$0x0] =	vst.idx.msk $0xffff, v30  }
0x3b2: {  	v23 =	vor.u32 v39, v3;
	[tilespmem:v24+s22+$0x0] =	vst.idx.msk $0xffff, v34;
	v24 =	vmul.f32 v42, v2;
	v34 =	vld.idx.msk [tilespmem:v19+s6+$0x0], $0xffff  }
0x3b3: {  	v54 =	vor.u32 v48, v10;
	v50 =	vor.u32 v32, v50;
	v42 =	vor.u32 v22, v23;
	v39 =	vld.idx.msk [tilespmem:v27+s6+$0x0], $0xffff  }
0x3b4: {  	v22 =	vor.u32 v32, v53;
	v19 =	vor.u32 v48, v9;
	v30 =	vmul.f32 v37, v2  }
0x3b5: {  	v28 =	vor.u32 v28, v1;
	v53 =	vand.u32 $0x7FFFC800, v36;
	v23 =	vor.u32 v44, v8;
	[tilespmem:v33+s22+$0x0] =	vst.idx.msk $0xffff, v38  }
0x3b6: {  	v31 =	vor.u32 v53, v31;
	v23 =	vor.u32 v53, v23;
	v33 =	vld.idx.msk [tilespmem:v49+s6+$0x0], $0xffff;
	[tilespmem:v43+s22+$0x0] =	vst.idx.msk $0xffff, v24  }
0x3b7: {  	v27 =	vor.u32 v53, v47;
	v24 =	vor.u32 v21, v28;
	v28 =	vmul.f32 v26, v2  }
0x3b8: {  	v36 =	vadd.s32 s8, v0;
	v37 =	vor.u32 v21, v40;
	v26 =	vor.u32 v41, v9;
	v29 =	vld.idx.msk [tilespmem:v29+s6+$0x0], $0xffff  }
0x3b9: {  	v21 =	vand.u32 $0xF, v36;
	v43 =	vshll.u32 v36, $0x7;
	v36 =	vmul.f32 v39, v2;
	[tilespmem:v17+s22+$0x0] =	vst.idx.msk $0xffff, v28;
	v17 =	vmovc v42  }
0x3ba: {  	v39 =	vmul.f32 v34, v2;
	v28 =	vor.u32 v4, v21;
	v21 =	vor.u32 v6, v21;
	v38 =	vld.idx.msk [tilespmem:v15+s6+$0x0], $0xffff  }
0x3bb: {  	v21 =	vshll.u32 v21, $0x8;
	v42 =	vand.u32 $0x4F, v28;
	v15 =	vmovc v52;
	[tilespmem:v50+s22+$0x0] =	vst.idx.msk $0xffff, v36;
	v36 =	vmul.f32 v35, v2  }
.Ltmp12:
0x3bc: {  	v21 =	vand.u32 $0x7FFFC800, v21;
	v35 =	vor.u32 v45, v1;
	v33 =	vmul.f32 v33, v2;
	v41 =	vld.idx.msk [tilespmem:v51+s6+$0x0], $0xffff;
	(pc) =	sbr.rel @p0 .LBB2_28-.Ltmp12, $4  }
0x3bd: {  	v34 =	vor.u32 v42, v10;
	v32 =	vor.u32 v32, v35;
	[tilespmem:v25+s22+$0x0] =	vst.idx.msk $0xffff, v39  }
0x3be: {  	v40 =	vor.u32 v48, v5;
	v25 =	vor.u32 v44, v3;
	v44 =	vmul.f32 v29, v2;
	v39 =	vld.idx.msk [tilespmem:v16+s6+$0x0], $0xffff  }
0x3bf: {  	v35 =	vor.u32 v46, v10;
	v29 =	vor.u32 v42, v9;
	v16 =	vmovc v54;
	v45 =	vld.idx.msk [tilespmem:v28+s6+$0x0], $0xffff;
	v28 =	vand.u32 $0x380, v43  }
0x3c0: {  	v25 =	vor.u32 v53, v25;
	v46 =	vor.u32 v28, v7;
	v43 =	vor.u32 v28, v8  }
0x3c1: {  	v4 =	vor.u32 v21, v46  }
0x3c2: {  	v5 =	vor.u32 v42, v5;
	_ =	sdelay $0x1  }
0x3c3: {  	v6 =	vmul.f32 v45, v2  }
0x3c4: {  	[tilespmem:v31+s22+$0x0] =	vst.idx.msk $0xffff, v30  }
0x3c5: {  	v7 =	vld.idx.msk [tilespmem:v40+s6+$0x0], $0xffff;
	[tilespmem:v4+s22+$0x0] =	vst.idx.msk $0xffff, v6  }
0x3c6: {  	v4 =	vld.idx.msk [tilespmem:v5+s6+$0x0], $0xffff;
	_ =	sdelay $0x1  }
0x3c7: {  	v54 =	vor.u32 v21, v43;
	_ =	sdelay $0x1  }
0x3c8: {  	[tilespmem:v18+s22+$0x0] =	vst.idx.msk $0xffff, v33;
	v55 =	vmul.f32 v7, v2  }
0x3c9: {  	v56 =	vld.idx.msk [tilespmem:v26+s6+$0x0], $0xffff;
	v4 =	vmul.f32 v4, v2  }
0x3ca: {  	[tilespmem:v23+s22+$0x0] =	vst.idx.msk $0xffff, v55  }
0x3cb: {  	v6 =	vld.idx.msk [tilespmem:v19+s6+$0x0], $0xffff;
	[tilespmem:v54+s22+$0x0] =	vst.idx.msk $0xffff, v4  }
0x3cc: {  	v4 =	vld.idx.msk [tilespmem:v29+s6+$0x0], $0xffff  }
0x3cd: {  	v3 =	vor.u32 v28, v3  }
0x3ce: {  	v3 =	vor.u32 v21, v3;
	v57 =	vmul.f32 v56, v2  }
0x3cf: {  	[tilespmem:v37+s22+$0x0] =	vst.idx.msk $0xffff, v44;
	v58 =	vmul.f32 v41, v2  }
0x3d0: {  	v8 =	vld.idx.msk [tilespmem:v14+s6+$0x0], $0xffff;
	[tilespmem:v17+s22+$0x0] =	vst.idx.msk $0xffff, v57;
	v59 =	vmul.f32 v6, v2  }
0x3d1: {  	[tilespmem:v22+s22+$0x0] =	vst.idx.msk $0xffff, v58;
	v60 =	vld.idx.msk [tilespmem:v15+s6+$0x0], $0xffff;
	v4 =	vmul.f32 v4, v2  }
0x3d2: {  	v9 =	vld.idx.msk [tilespmem:v35+s6+$0x0], $0xffff;
	[tilespmem:v25+s22+$0x0] =	vst.idx.msk $0xffff, v59  }
0x3d3: {  	v61 =	vmul.f32 v38, v2;
	v5 =	vld.idx.msk [tilespmem:v16+s6+$0x0], $0xffff;
	[tilespmem:v3+s22+$0x0] =	vst.idx.msk $0xffff, v4  }
0x3d4: {  	[tilespmem:v13+s22+$0x0] =	vst.idx.msk $0xffff, v36;
	v3 =	vmul.f32 v39, v2;
	v4 =	vld.idx.msk [tilespmem:v34+s6+$0x0], $0xffff  }
0x3d5: {  	v1 =	vor.u32 v28, v1;
	s2 =	sadd.s32 $0x1, s2;
	[tilespmem:v11+s22+$0x0] =	vst.idx.msk $0xffff, v61;
	v62 =	vmul.f32 v8, v2  }
0x3d6: {  	v1 =	vor.u32 v21, v1;
	p0 =	sne.s32 s2, $0x20;
	[tilespmem:v12+s22+$0x0] =	vst.idx.msk $0xffff, v3;
	v3 =	vmul.f32 v60, v2  }
.Ltmp13:
0x3d7: {  	[tilespmem:v24+s22+$0x0] =	vst.idx.msk $0xffff, v62;
	v63 =	vmul.f32 v9, v2;
	(pc) =	sbr.rel @p0 .LBB2_27-.Ltmp13, $4  }
0x3d8: {  	[tilespmem:v20+s22+$0x0] =	vst.idx.msk $0xffff, v3;
	v3 =	vmul.f32 v5, v2  }
0x3d9: {  	[tilespmem:v32+s22+$0x0] =	vst.idx.msk $0xffff, v63;
	v2 =	vmul.f32 v4, v2  }
0x3da: {  	[tilespmem:v27+s22+$0x0] =	vst.idx.msk $0xffff, v3  }
0x3db: {  	[tilespmem:v1+s22+$0x0] =	vst.idx.msk $0xffff, v2  }
0x3dc: {  	s1 =	sadd.s32 $0x2000, s31  }
0x3dd: {  	s1 =	sand.u32 $0x1FFFE000, s1  }
0x3de: {  	s2 =	sadd.s32 s5, s1;
	s1 =	simm.s32 $0x0  }
0x3df: {  	[hbm4b:s2+s1] =	stream.linear.scatter [tilespmem:s22], [sflag:$0x3], $0x8000, $0x38;
	[tilespmem:$0x12C80] =	vst v63  }
0x3e0: {  	_ =	swait.ge [sflag:s25], $0x8000  }
0x3e1: {  	[sflag:s25] =	ssyncset.done $0x0  }
0x3e2: {  	s2 =	simm.s32 $0x0;
	[sflag:s25] =	ssyncadd.s32 $0xFFFF8000  }
.LBB2_31:
0x3e3: {  	s4 =	sshrl.u32 s2, $0x4;
	s8 =	sshll.u32 s2, $0x7  }
0x3e4: {  	s9 =	sshll.u32 s2, $0x4;
	s8 =	sand.u32 $0x400, s8;
	s10 =	sshll.u32 s4, $0x7  }
0x3e5: {  	s15 =	simm.s32 $0x3;
	s11 =	sand.u32 $0x70, s9;
	s8 =	sadd.s32 s8, s10  }
0x3e6: {  	s9 =	sand.u32 $0xF0, s9;
	s4 =	sshll.u32 s4, $0x6;
	s8 =	sor.u32 s11, s8  }
0x3e7: {  	v14 =	vadd.s32 s15, v0;
	v2 =	vmov s9;
	v6 =	vmov s4;
	s11 =	simm.s32 $0x2;
	v1 =	vld [tilespmem:s8+$0x1780]  }
0x3e8: {  	v17 =	vand.u32 $0xF, v14;
	v2 =	vshll.u32 v2, $0x3;
	v11 =	vadd.s32 s11, v0;
	s11 =	simm.s32 $0x7  }
0x3e9: {  	v19 =	vor.u32 v6, v17;
	v2 =	vand.u32 $0x400, v2;
	v39 =	vadd.s32 s11, v0  }
0x3ea: {  	v13 =	vand.u32 $0xF, v11;
	v11 =	vshll.u32 v11, $0x7;
	v44 =	vand.u32 $0xF, v39  }
0x3eb: {  	v24 =	vand.u32 $0x380, v11;
	v39 =	vshll.u32 v39, $0x7;
	v45 =	vor.u32 v6, v44  }
0x3ec: {  	v39 =	vand.u32 $0x380, v39;
	v4 =	vshll.u32 v1, $0x6;
	v1 =	vor.u32 s9, v0  }
0x3ed: {  	v45 =	vshll.u32 v45, $0x8;
	s9 =	simm.s32 $0x5;
	v1 =	vand.u32 $0x7F, v1;
	v10 =	vand.u32 $0xFFFFFF80, v4  }
0x3ee: {  	v16 =	vor.u32 v4, v13;
	v13 =	vor.u32 v6, v13;
	v56 =	vadd.s32 s9, v0  }
0x3ef: {  	s10 =	simm.s32 $0x1;
	v44 =	vor.u32 v4, v44;
	v7 =	vor.u32 v2, v1;
	v5 =	vor.u32 $0x10, v10  }
0x3f0: {  	v9 =	vor.u32 $0x20, v10;
	v10 =	vor.u32 $0x30, v10;
	v2 =	vadd.s32 s10, v0  }
0x3f1: {  	v13 =	vshll.u32 v13, $0x8;
	v40 =	vand.u32 $0xF, v56;
	v48 =	vand.u32 $0x4F, v44  }
0x3f2: {  	v8 =	vor.u32 $0x1000, v7;
	v3 =	vor.u32 $0x2000, v7;
	v1 =	vor.u32 $0x3000, v7  }
0x3f3: {  	v12 =	vand.u32 $0xF, v2;
	v18 =	vshll.u32 v2, $0x7;
	v2 =	vshll.u32 v14, $0x7  }
0x3f4: {  	s10 =	simm.s32 $0x6;
	v14 =	vor.u32 v4, v17;
	v13 =	vand.u32 $0x7FFFC800, v13;
	v11 =	vor.u32 v24, v7  }
0x3f5: {  	v38 =	vadd.s32 s10, v0;
	v42 =	vor.u32 v4, v40;
	v40 =	vor.u32 v6, v40  }
0x3f6: {  	v15 =	vor.u32 v4, v12;
	v12 =	vor.u32 v6, v12;
	v17 =	vand.u32 $0x380, v2  }
0x3f7: {  	v18 =	vand.u32 $0x380, v18;
	v27 =	vor.u32 v24, v8;
	v29 =	vor.u32 v13, v11  }
0x3f8: {  	v11 =	vor.u32 v24, v1;
	v34 =	vand.u32 $0x4F, v14;
	v41 =	vand.u32 $0xF, v38  }
0x3f9: {  	v38 =	vshll.u32 v38, $0x7;
	v46 =	vand.u32 $0x4F, v42;
	v59 =	vor.u32 v39, v1  }
0x3fa: {  	v2 =	vld [tilespmem:s8+$0x2780];
	v12 =	vshll.u32 v12, $0x8;
	v20 =	vor.u32 v17, v7;
	v22 =	vor.u32 v17, v1  }
0x3fb: {  	v27 =	vor.u32 v13, v27;
	v32 =	vor.u32 v18, v8;
	v11 =	vor.u32 v13, v11;
	v25 =	vld.idx.msk [tilespmem:v16+s6+$0x0], $0xffff  }
0x3fc: {  	v43 =	vor.u32 v4, v41;
	v41 =	vor.u32 v6, v41;
	v38 =	vand.u32 $0x380, v38;
	v31 =	vld.idx.msk [tilespmem:v14+s6+$0x0], $0xffff  }
0x3fd: {  	v51 =	vor.u32 v46, v9;
	v23 =	vand.u32 $0x7FFFC800, v12;
	v12 =	vor.u32 v18, v7;
	v21 =	vld.idx.msk [tilespmem:v15+s6+$0x0], $0xffff  }
0x3fe: {  	v16 =	vand.u32 $0x4F, v16;
	v57 =	vshll.u32 v41, $0x8;
	v61 =	vand.u32 $0x4F, v43;
	v58 =	vld.idx.msk [tilespmem:v42+s6+$0x0], $0xffff  }
0x3ff: {  	v12 =	vor.u32 v23, v12;
	v30 =	vor.u32 v16, v5;
	v15 =	vand.u32 $0x4F, v15  }
0x400: {  	v14 =	vor.u32 v18, v3;
	v18 =	vor.u32 v18, v1;
	v26 =	vor.u32 v15, v5  }
0x401: {  	v33 =	vor.u32 v15, v9;
	v15 =	vor.u32 v15, v10;
	v35 =	vmul.f32 v25, v2  }
0x402: {  	v60 =	vld.idx.msk [tilespmem:v43+s6+$0x0], $0xffff;
	v43 =	vor.u32 v61, v5;
	v25 =	vor.u32 v34, v10;
	v28 =	vmul.f32 v21, v2  }
0x403: {  	v31 =	vmul.f32 v31, v2;
	[tilespmem:v29+s23+$0x0] =	vst.idx.msk $0xffff, v35;
	v35 =	vshll.u32 v56, $0x7;
	v41 =	vmul.f32 v58, v2  }
0x404: {  	v21 =	vor.u32 v16, v10;
	v16 =	vor.u32 v16, v9;
	v35 =	vand.u32 $0x380, v35;
	[tilespmem:v12+s23+$0x0] =	vst.idx.msk $0xffff, v28  }
0x405: {  	v50 =	vor.u32 v35, v8;
	v12 =	vshll.u32 v19, $0x8;
	v19 =	vor.u32 v24, v3;
	v24 =	vld.idx.msk [tilespmem:v26+s6+$0x0], $0xffff  }
0x406: {  	v26 =	vor.u32 v23, v32;
	v28 =	vor.u32 v13, v19;
	v19 =	vor.u32 v23, v14  }
0x407: {  	v29 =	vand.u32 $0x7FFFC800, v12;
	v12 =	vor.u32 v17, v8;
	v14 =	vadd.s32 s1, v0  }
0x408: {  	v13 =	vld.idx.msk [tilespmem:v30+s6+$0x0], $0xffff;
	v30 =	vor.u32 v29, v12;
	v12 =	vor.u32 v29, v22;
	v22 =	vand.u32 $0xF, v14  }
0x409: {  	v42 =	vmul.f32 v60, v2;
	v20 =	vor.u32 v29, v20;
	v53 =	vor.u32 v4, v22  }
0x40a: {  	v32 =	vor.u32 v34, v9;
	v22 =	vor.u32 v6, v22;
	v24 =	vmul.f32 v24, v2  }
0x40b: {  	v17 =	vor.u32 v17, v3;
	v36 =	vshll.u32 v14, $0x7;
	v14 =	vshll.u32 v22, $0x8  }
0x40c: {  	v29 =	vor.u32 v29, v17;
	v22 =	vand.u32 $0x4F, v53;
	v37 =	vand.u32 $0x7FFFC800, v14;
	[tilespmem:v26+s23+$0x0] =	vst.idx.msk $0xffff, v24  }
0x40d: {  	v24 =	vmul.f32 v13, v2;
	v13 =	vor.u32 v23, v18;
	v23 =	vor.u32 v34, v5  }
0x40e: {  	v14 =	vor.u32 v22, v10;
	[tilespmem:v20+s23+$0x0] =	vst.idx.msk $0xffff, v31;
	v20 =	vshll.u32 v40, $0x8;
	v26 =	vand.u32 $0x380, v36;
	v54 =	vld.idx.msk [tilespmem:v53+s6+$0x0], $0xffff  }
0x40f: {  	v31 =	vor.u32 v39, v7;
	v40 =	vor.u32 v48, v5;
	v18 =	vld.idx.msk [tilespmem:v33+s6+$0x0], $0xffff;
	v55 =	vor.u32 v26, v7  }
0x410: {  	v34 =	vor.u32 v22, v9;
	v22 =	vor.u32 v22, v5;
	v17 =	vor.u32 v37, v55  }
0x411: {  	v47 =	vand.u32 $0x7FFFC800, v20;
	v20 =	vor.u32 v35, v7;
	v36 =	vor.u32 v26, v8  }
0x412: {  	v49 =	vor.u32 v26, v3;
	v50 =	vor.u32 v47, v50;
	v36 =	vor.u32 v37, v36;
	v23 =	vld.idx.msk [tilespmem:v23+s6+$0x0], $0xffff  }
0x413: {  	[tilespmem:v27+s23+$0x0] =	vst.idx.msk $0xffff, v24;
	v24 =	vor.u32 v46, v5;
	v33 =	vmul.f32 v54, v2;
	v54 =	vand.u32 $0x7FFFC800, v45  }
0x414: {  	s15 =	simm.s32 $0x4;
	v62 =	vld.idx.msk [tilespmem:v16+s6+$0x0], $0xffff;
	v16 =	vor.u32 v38, v3;
	v18 =	vmul.f32 v18, v2;
	v31 =	vor.u32 v54, v31  }
0x415: {  	v55 =	vadd.s32 s15, v0;
	[tilespmem:v17+s23+$0x0] =	vst.idx.msk $0xffff, v33;
	v17 =	vor.u32 v47, v20;
	v20 =	vor.u32 v38, v8  }
0x416: {  	v44 =	vld.idx.msk [tilespmem:v44+s6+$0x0], $0xffff;
	[tilespmem:v19+s23+$0x0] =	vst.idx.msk $0xffff, v18;
	v19 =	vand.u32 $0x7FFFC800, v57;
	v18 =	vor.u32 v38, v7;
	v57 =	vand.u32 $0xF, v55  }
0x417: {  	v22 =	vld.idx.msk [tilespmem:v22+s6+$0x0], $0xffff;
	v27 =	vor.u32 v19, v18;
	v18 =	vor.u32 v19, v20;
	v23 =	vmul.f32 v23, v2  }
0x418: {  	v20 =	vor.u32 v38, v1;
	v52 =	vld.idx.msk [tilespmem:v15+s6+$0x0], $0xffff;
	v15 =	vor.u32 v61, v10;
	v60 =	vor.u32 v4, v57  }
0x419: {  	v20 =	vor.u32 v19, v20;
	[tilespmem:v30+s23+$0x0] =	vst.idx.msk $0xffff, v23;
	v23 =	vor.u32 v35, v3  }
0x41a: {  	[tilespmem:v17+s23+$0x0] =	vst.idx.msk $0xffff, v41;
	v17 =	vor.u32 v19, v16;
	v16 =	vor.u32 v48, v10  }
0x41b: {  	v30 =	vmul.f32 v44, v2;
	v19 =	vor.u32 v48, v9;
	v41 =	vmul.f32 v62, v2  }
0x41c: {  	v62 =	vor.u32 v35, v1;
	v35 =	vor.u32 v46, v10;
	v63 =	vmul.f32 v22, v2;
	v53 =	vld.idx.msk [tilespmem:v24+s6+$0x0], $0xffff  }
0x41d: {  	v22 =	vor.u32 v47, v23;
	v32 =	vld.idx.msk [tilespmem:v32+s6+$0x0], $0xffff;
	v23 =	vor.u32 v39, v8;
	v24 =	vor.u32 v26, v1  }
0x41e: {  	v26 =	vor.u32 v61, v9;
	[tilespmem:v27+s23+$0x0] =	vst.idx.msk $0xffff, v42;
	v23 =	vor.u32 v54, v23  }
0x41f: {  	v27 =	vor.u32 v54, v59;
	v24 =	vor.u32 v37, v24;
	[tilespmem:v28+s23+$0x0] =	vst.idx.msk $0xffff, v41  }
0x420: {  	v37 =	vor.u32 v37, v49;
	v59 =	vshll.u32 v55, $0x7;
	v43 =	vld.idx.msk [tilespmem:v43+s6+$0x0], $0xffff;
	[tilespmem:v36+s23+$0x0] =	vst.idx.msk $0xffff, v63  }
0x421: {  	v28 =	vor.u32 v6, v57;
	v42 =	vand.u32 $0x4F, v60;
	v56 =	vld.idx.msk [tilespmem:v34+s6+$0x0], $0xffff;
	v58 =	vmul.f32 v53, v2  }
0x422: {  	v28 =	vshll.u32 v28, $0x8;
	v38 =	vld.idx.msk [tilespmem:v21+s6+$0x0], $0xffff;
	v36 =	vmul.f32 v52, v2;
	v61 =	vmul.f32 v32, v2  }
0x423: {  	v63 =	vor.u32 v39, v3;
	v21 =	vand.u32 $0x7FFFC800, v28;
	v28 =	vand.u32 $0x380, v59;
	[tilespmem:v50+s23+$0x0] =	vst.idx.msk $0xffff, v58  }
0x424: {  	v34 =	vor.u32 v42, v10;
	v46 =	vor.u32 v28, v7;
	[tilespmem:v29+s23+$0x0] =	vst.idx.msk $0xffff, v61;
	v41 =	vld.idx.msk [tilespmem:v51+s6+$0x0], $0xffff  }
0x425: {  	v32 =	vor.u32 v47, v62;
	v33 =	vmul.f32 v43, v2;
	v29 =	vor.u32 v42, v9;
	v39 =	vld.idx.msk [tilespmem:v25+s6+$0x0], $0xffff  }
0x426: {  	s4 =	simm.s32 $0x8;
	v45 =	vld.idx.msk [tilespmem:v60+s6+$0x0], $0xffff;
	v43 =	vor.u32 v28, v8;
	v44 =	vmul.f32 v56, v2;
	v25 =	vor.u32 v54, v63  }
.LBB2_32:
0x427: {  	s8 =	sadd.s32 $0x1, s4;
	s9 =	sadd.s32 $0x2, s4;
	s10 =	sadd.s32 $0x3, s4;
	v46 =	vor.u32 v21, v46;
	v42 =	vor.u32 v42, v5;
	v38 =	vmul.f32 v38, v2  }
0x428: {  	p0 =	slt.u32 s4, $0xC;
	v47 =	vadd.s32 s8, v0;
	v48 =	vadd.s32 s9, v0;
	v49 =	vadd.s32 s10, v0;
	[tilespmem:v37+s23+$0x0] =	vst.idx.msk $0xffff, v44;
	s8 =	smov.u32 s4;
	s4 =	sadd.s32 $0x4, s4  }
0x429: {  	v41 =	vmul.f32 v41, v2;
	v37 =	vand.u32 $0xF, v47;
	v44 =	vand.u32 $0xF, v48;
	v50 =	vld.idx.msk [tilespmem:v14+s6+$0x0], $0xffff;
	[tilespmem:v11+s23+$0x0] =	vst.idx.msk $0xffff, v38  }
0x42a: {  	v14 =	vmul.f32 v39, v2;
	v11 =	vmovc v20;
	v38 =	vor.u32 v4, v37;
	v51 =	vor.u32 v4, v44  }
0x42b: {  	v20 =	vor.u32 v6, v37;
	v37 =	vand.u32 $0xF, v49;
	v39 =	vmul.f32 v45, v2;
	[tilespmem:v13+s23+$0x0] =	vst.idx.msk $0xffff, v36  }
0x42c: {  	v45 =	vshll.u32 v49, $0x7;
	v13 =	vshll.u32 v47, $0x7;
	v36 =	vor.u32 v6, v37;
	[tilespmem:v12+s23+$0x0] =	vst.idx.msk $0xffff, v14;
	v12 =	vmovc v27  }
0x42d: {  	v37 =	vor.u32 v4, v37;
	v27 =	vor.u32 v6, v44;
	v44 =	vand.u32 $0x380, v45;
	[tilespmem:v31+s23+$0x0] =	vst.idx.msk $0xffff, v30  }
0x42e: {  	v43 =	vor.u32 v21, v43;
	v20 =	vshll.u32 v20, $0x8;
	v31 =	vor.u32 v44, v7;
	v14 =	vmovc v34;
	v30 =	vld.idx.msk [tilespmem:v40+s6+$0x0], $0xffff  }
0x42f: {  	v27 =	vshll.u32 v27, $0x8;
	v40 =	vshll.u32 v48, $0x7;
	v34 =	vld.idx.msk [tilespmem:v38+s6+$0x0], $0xffff;
	[tilespmem:v46+s23+$0x0] =	vst.idx.msk $0xffff, v39;
	v39 =	vmul.f32 v50, v2  }
0x430: {  	v45 =	vand.u32 $0x380, v13;
	v47 =	vor.u32 v44, v1;
	v13 =	vmovc v32;
	v46 =	vand.u32 $0x4F, v38;
	v38 =	vld.idx.msk [tilespmem:v51+s6+$0x0], $0xffff  }
0x431: {  	v32 =	vand.u32 $0x7FFFC800, v20;
	v20 =	vor.u32 v45, v7;
	v48 =	vand.u32 $0x4F, v37;
	v42 =	vld.idx.msk [tilespmem:v42+s6+$0x0], $0xffff;
	[tilespmem:v24+s23+$0x0] =	vst.idx.msk $0xffff, v39  }
0x432: {  	v24 =	vor.u32 v32, v20;
	v39 =	vand.u32 $0x380, v40;
	v40 =	vor.u32 v28, v3;
	[tilespmem:v22+s23+$0x0] =	vst.idx.msk $0xffff, v41  }
0x433: {  	v22 =	vand.u32 $0x7FFFC800, v27;
	v20 =	vor.u32 v39, v7;
	v41 =	vand.u32 $0x4F, v51;
	v35 =	vld.idx.msk [tilespmem:v35+s6+$0x0], $0xffff;
	[tilespmem:v18+s23+$0x0] =	vst.idx.msk $0xffff, v33  }
0x434: {  	v27 =	vor.u32 v46, v5;
	v18 =	vor.u32 v39, v8;
	v30 =	vmul.f32 v30, v2  }
0x435: {  	v33 =	vor.u32 v22, v20;
	v49 =	vor.u32 v41, v5;
	v18 =	vor.u32 v22, v18;
	v37 =	vld.idx.msk [tilespmem:v37+s6+$0x0], $0xffff  }
0x436: {  	v50 =	vor.u32 v45, v8;
	v20 =	vor.u32 v39, v1;
	v34 =	vmul.f32 v34, v2  }
0x437: {  	v51 =	vor.u32 v46, v9;
	v52 =	vor.u32 v41, v10;
	v20 =	vor.u32 v22, v20;
	v26 =	vld.idx.msk [tilespmem:v26+s6+$0x0], $0xffff  }
0x438: {  	v36 =	vshll.u32 v36, $0x8;
	v53 =	vor.u32 v45, v3;
	v38 =	vmul.f32 v38, v2;
	[tilespmem:v23+s23+$0x0] =	vst.idx.msk $0xffff, v30  }
0x439: {  	v23 =	vor.u32 v39, v3;
	[tilespmem:v24+s23+$0x0] =	vst.idx.msk $0xffff, v34;
	v24 =	vmul.f32 v42, v2;
	v34 =	vld.idx.msk [tilespmem:v19+s6+$0x0], $0xffff  }
0x43a: {  	v54 =	vor.u32 v48, v10;
	v50 =	vor.u32 v32, v50;
	v42 =	vor.u32 v22, v23;
	v39 =	vld.idx.msk [tilespmem:v27+s6+$0x0], $0xffff  }
0x43b: {  	v22 =	vor.u32 v32, v53;
	v19 =	vor.u32 v48, v9;
	v30 =	vmul.f32 v37, v2  }
0x43c: {  	v28 =	vor.u32 v28, v1;
	v53 =	vand.u32 $0x7FFFC800, v36;
	v23 =	vor.u32 v44, v8;
	[tilespmem:v33+s23+$0x0] =	vst.idx.msk $0xffff, v38  }
0x43d: {  	v31 =	vor.u32 v53, v31;
	v23 =	vor.u32 v53, v23;
	v33 =	vld.idx.msk [tilespmem:v49+s6+$0x0], $0xffff;
	[tilespmem:v43+s23+$0x0] =	vst.idx.msk $0xffff, v24  }
0x43e: {  	v27 =	vor.u32 v53, v47;
	v24 =	vor.u32 v21, v28;
	v28 =	vmul.f32 v26, v2  }
0x43f: {  	v36 =	vadd.s32 s8, v0;
	v37 =	vor.u32 v21, v40;
	v26 =	vor.u32 v41, v9;
	v29 =	vld.idx.msk [tilespmem:v29+s6+$0x0], $0xffff  }
0x440: {  	v21 =	vand.u32 $0xF, v36;
	v43 =	vshll.u32 v36, $0x7;
	v36 =	vmul.f32 v39, v2;
	[tilespmem:v17+s23+$0x0] =	vst.idx.msk $0xffff, v28;
	v17 =	vmovc v42  }
0x441: {  	v39 =	vmul.f32 v34, v2;
	v28 =	vor.u32 v4, v21;
	v21 =	vor.u32 v6, v21;
	v38 =	vld.idx.msk [tilespmem:v15+s6+$0x0], $0xffff  }
0x442: {  	v21 =	vshll.u32 v21, $0x8;
	v42 =	vand.u32 $0x4F, v28;
	v15 =	vmovc v52;
	[tilespmem:v50+s23+$0x0] =	vst.idx.msk $0xffff, v36;
	v36 =	vmul.f32 v35, v2  }
.Ltmp14:
0x443: {  	v21 =	vand.u32 $0x7FFFC800, v21;
	v35 =	vor.u32 v45, v1;
	v33 =	vmul.f32 v33, v2;
	v41 =	vld.idx.msk [tilespmem:v51+s6+$0x0], $0xffff;
	(pc) =	sbr.rel @p0 .LBB2_32-.Ltmp14, $4  }
0x444: {  	v34 =	vor.u32 v42, v10;
	v32 =	vor.u32 v32, v35;
	[tilespmem:v25+s23+$0x0] =	vst.idx.msk $0xffff, v39  }
0x445: {  	v40 =	vor.u32 v48, v5;
	v25 =	vor.u32 v44, v3;
	v44 =	vmul.f32 v29, v2;
	v39 =	vld.idx.msk [tilespmem:v16+s6+$0x0], $0xffff  }
0x446: {  	v35 =	vor.u32 v46, v10;
	v29 =	vor.u32 v42, v9;
	v16 =	vmovc v54;
	v45 =	vld.idx.msk [tilespmem:v28+s6+$0x0], $0xffff;
	v28 =	vand.u32 $0x380, v43  }
0x447: {  	v25 =	vor.u32 v53, v25;
	v46 =	vor.u32 v28, v7;
	v43 =	vor.u32 v28, v8  }
0x448: {  	v4 =	vor.u32 v21, v46  }
0x449: {  	v5 =	vor.u32 v42, v5;
	_ =	sdelay $0x1  }
0x44a: {  	v6 =	vmul.f32 v45, v2  }
0x44b: {  	[tilespmem:v31+s23+$0x0] =	vst.idx.msk $0xffff, v30  }
0x44c: {  	v7 =	vld.idx.msk [tilespmem:v40+s6+$0x0], $0xffff;
	[tilespmem:v4+s23+$0x0] =	vst.idx.msk $0xffff, v6  }
0x44d: {  	v4 =	vld.idx.msk [tilespmem:v5+s6+$0x0], $0xffff;
	_ =	sdelay $0x1  }
0x44e: {  	v54 =	vor.u32 v21, v43;
	_ =	sdelay $0x1  }
0x44f: {  	[tilespmem:v18+s23+$0x0] =	vst.idx.msk $0xffff, v33;
	v55 =	vmul.f32 v7, v2  }
0x450: {  	v56 =	vld.idx.msk [tilespmem:v26+s6+$0x0], $0xffff;
	v4 =	vmul.f32 v4, v2  }
0x451: {  	[tilespmem:v23+s23+$0x0] =	vst.idx.msk $0xffff, v55  }
0x452: {  	v6 =	vld.idx.msk [tilespmem:v19+s6+$0x0], $0xffff;
	[tilespmem:v54+s23+$0x0] =	vst.idx.msk $0xffff, v4  }
0x453: {  	v4 =	vld.idx.msk [tilespmem:v29+s6+$0x0], $0xffff  }
0x454: {  	v3 =	vor.u32 v28, v3  }
0x455: {  	v3 =	vor.u32 v21, v3;
	v57 =	vmul.f32 v56, v2  }
0x456: {  	[tilespmem:v37+s23+$0x0] =	vst.idx.msk $0xffff, v44;
	v58 =	vmul.f32 v41, v2  }
0x457: {  	v8 =	vld.idx.msk [tilespmem:v14+s6+$0x0], $0xffff;
	[tilespmem:v17+s23+$0x0] =	vst.idx.msk $0xffff, v57;
	v59 =	vmul.f32 v6, v2  }
0x458: {  	[tilespmem:v22+s23+$0x0] =	vst.idx.msk $0xffff, v58;
	v60 =	vld.idx.msk [tilespmem:v15+s6+$0x0], $0xffff;
	v4 =	vmul.f32 v4, v2  }
0x459: {  	v9 =	vld.idx.msk [tilespmem:v35+s6+$0x0], $0xffff;
	[tilespmem:v25+s23+$0x0] =	vst.idx.msk $0xffff, v59  }
0x45a: {  	v61 =	vmul.f32 v38, v2;
	v5 =	vld.idx.msk [tilespmem:v16+s6+$0x0], $0xffff;
	[tilespmem:v3+s23+$0x0] =	vst.idx.msk $0xffff, v4  }
0x45b: {  	[tilespmem:v13+s23+$0x0] =	vst.idx.msk $0xffff, v36;
	v3 =	vmul.f32 v39, v2;
	v4 =	vld.idx.msk [tilespmem:v34+s6+$0x0], $0xffff  }
0x45c: {  	v1 =	vor.u32 v28, v1;
	s2 =	sadd.s32 $0x1, s2;
	[tilespmem:v11+s23+$0x0] =	vst.idx.msk $0xffff, v61;
	v62 =	vmul.f32 v8, v2  }
0x45d: {  	v1 =	vor.u32 v21, v1;
	p0 =	sne.s32 s2, $0x20;
	[tilespmem:v12+s23+$0x0] =	vst.idx.msk $0xffff, v3;
	v3 =	vmul.f32 v60, v2  }
.Ltmp15:
0x45e: {  	[tilespmem:v24+s23+$0x0] =	vst.idx.msk $0xffff, v62;
	v63 =	vmul.f32 v9, v2;
	(pc) =	sbr.rel @p0 .LBB2_31-.Ltmp15, $4  }
0x45f: {  	[tilespmem:v20+s23+$0x0] =	vst.idx.msk $0xffff, v3;
	v3 =	vmul.f32 v5, v2  }
0x460: {  	[tilespmem:v32+s23+$0x0] =	vst.idx.msk $0xffff, v63;
	v2 =	vmul.f32 v4, v2  }
0x461: {  	[tilespmem:v27+s23+$0x0] =	vst.idx.msk $0xffff, v3  }
0x462: {  	[tilespmem:v1+s23+$0x0] =	vst.idx.msk $0xffff, v2  }
0x463: {  	s1 =	sadd.s32 $0x3000, s31  }
0x464: {  	s1 =	sand.u32 $0x1FFFF000, s1  }
0x465: {  	s31 =	sadd.s32 s30, s14;
	s29 =	sadd.s32 $0x1, s29;
	s1 =	sadd.s32 s5, s1  }
0x466: {  	[hbm4b:s1+s6] =	stream.linear.scatter [tilespmem:s23], [sflag:$0x4], $0x8000, $0x38;
	[tilespmem:$0x12C80] =	vst v63  }
0x467: {  	p0 =	sne.s32 s29, $0x4;
	s1 =	smin.u32 s31, $0x7F8  }
.Ltmp16:
0x468: {  	s1 =	sshll.u32 s1, $0x5;
	(pc) =	sbr.rel @p0 .LBB2_2-.Ltmp16, $4  }
0x469: {  	s2 =	sadd.s32 s0, s1  }
0x46a: {  	[tilespmem:s19], [sflag:$0x2] =	stream.linear.gather [hbm4b:s2+s6], $0x800, $0x38;
	[tilespmem:$0x12C80] =	vst v63  }
0x46b: {  	s1 =	sadd.s32 s3, s1  }
0x46c: {  	[tilespmem:s20], [sflag:$0x2] =	stream.linear.gather [hbm4b:s1+s6], $0x800, $0x38;
	[tilespmem:$0x12C80] =	vst v63  }
0x46d: {  	_ =	swait.ge [sflag:s24], $0x8000  }
0x46e: {  	[sflag:s24] =	ssyncset.done $0x0  }
0x46f: {  	[sflag:s24] =	ssyncadd.s32 $0xFFFF8000  }
0x470: {  	_ =	swait.ge [sflag:s25], $0x8000  }
0x471: {  	[sflag:s25] =	ssyncset.done $0x0  }
0x472: {  	[sflag:s25] =	ssyncadd.s32 $0xFFFF8000  }
0x473: {  	_ =	swait.ge [sflag:s21], $0x800  }
0x474: {  	[sflag:s21] =	ssyncset.done $0x0  }
0x475: {  	[sflag:s21] =	ssyncadd.s32 $0xFFFFF800  }
0x476: {  	_ =	swait.ge [sflag:s21], $0x800  }
0x477: {  	[sflag:s21] =	ssyncset.done $0x0  }
0x478: {  	[sflag:s21] =	ssyncadd.s32 $0xFFFFF800  }
0x479: {  	_ =	swait.ge [sflag:s26], $0x800  }
0x47a: {  	[sflag:s26] =	ssyncset.done $0x0  }
0x47b: {  	[sflag:s26] =	ssyncadd.s32 $0xFFFFF800  }
0x47c: {  	_ =	swait.ge [sflag:s26], $0x800  }
0x47d: {  	s28 =	sadd.s32 $0x1, s28;
	s1 =	rddreg [dreg:$0x9]  }
0x47e: {  	p0 =	sne.s32 s28, s1  }
.Ltmp17:
0x47f: {  	_ = 	snop;
	(pc) =	sbr.rel @p0 .LBB2_1-.Ltmp17, $3  }
0x480: {  	_ =	sdelay $0x1  }
0x481: {  	[sflag:s26] =	ssyncset.done $0x0  }
0x482: {  	[sflag:s26] =	ssyncadd.s32 $0xFFFFF800  }
0x483: {  	_ =	sfence.sel $0x180000  }
0x484: {  	[bflag:$0x0] =	sbarrier.arrive $0xFFFF  }
0x485: {  	_ =	strace $0x90000047  }
0x486: {  	s0 =	stileid.u32;
	[bflag:$0x2] =	sbarrier.arrive $0xFFFF  }
0x487: {  	p0 =	sne.s32 s0, $0x0;
	s0 =	rddreg [dreg:$0x4]  }
0x488: {  	s0 =	sadd.s32 @!p0 $0x100000, s0  }
0x489: {  	[sflag:s0] =	ssyncadd.tile.s32 @!p0 $0x1;
	_ =	shalt  }
.Lfunc_end2:
_tile_overlayer_lowered:
.L_overlay_start_2:
0x48a: {  	(tag) =	ssettag $0x2  }
0x48b: {  	s0 =	rddreg [dreg:$0x0];
	s2 =	stileid.u32  }
0x48c: {  	s1 =	rddreg [dreg:$0x1];
	p0 =	sne.s32 s2, $0x0  }
0x48d: {  	s3 =	rddreg [dreg:$0x2];
	[bflag:$0x3] =	sbarrier.arrive $0xFFFF;
	s2 =	simm.s32 @!p0 $0x1C05  }
0x48e: {  	[timem:s3], [sflag:s2] =	dma.local @!p0 [hbm:s0], s1  }
0x48f: {  	s0 =	simm.s32 @!p0 $0x5  }
0x490: {  	_ =	swait.ge @!p0 [sflag:s0], s1  }
0x491: {  	s1 =	ssub.s32 @!p0 $0x0, s1;
	[sflag:s0] =	ssyncset.done @!p0 $0x0  }
0x492: {  	[sflag:s0] =	ssyncadd.s32 @!p0 s1  }
0x493: {  	[bflag:$0x3] =	sbarrier.arrive $0xFFFF  }
0x494: {  	_ =	shalt  }

</sc_bundles>
